<compile_context>
chip_gen: v7x
topology: tpu7x:2x2x1
jax: 0.10.2.dev20260603
libtpu: 0.0.44.dev20260713+nightly
codegen_flags: <defaults>
</compile_context>

<pallas_src>
import functools

import jax
import jax.numpy as jnp
from jax import lax
from jax.experimental import pallas as pl
from jax.experimental.pallas import tpu as pltpu
from jax.experimental.pallas import tpu_sc as plsc

N = 10000
E = 320000
F_IN = 128
H = 2
C = 32
HC = H * C
G = 64

NC = 2
NS = 16
L = 16
NT = NC * NS

NPAD = 10240
RPS = NPAD // NS

CHUNK = 64
NBUF = 4
E_ALL = E + N
STEPS = -(-E_ALL // (NT * CHUNK))
STEPS += (-STEPS) % NBUF
ET = NT * CHUNK * STEPS
PER_TILE = ET // NT

E2_PER_TILE = E // NT
SROWS = NPAD // L


def _mesh():
    return plsc.VectorSubcoreMesh(
        core_axis_name="c", subcore_axis_name="s", num_cores=NC, num_subcores=NS
    )


def _pre_body(x_ref, w_ref, b_ref, outl_ref, outr_ref):
    y = jnp.dot(x_ref[...], w_ref[...], preferred_element_type=jnp.float32)
    y = y + b_ref[...]
    outl_ref[...] = y[:, :HC]
    outr_ref[...] = y[:, HC:]


def _pre(x_pad, w2, b2):
    return pl.pallas_call(
        _pre_body,
        out_shape=(
            jax.ShapeDtypeStruct((NPAD, HC), jnp.float32),
            jax.ShapeDtypeStruct((NPAD, HC), jnp.float32),
        ),
    )(x_pad, w2, b2)


def _esum(v, bflys):
    for m in bflys:
        v = v + jnp.take_along_axis(v, m, axis=0, mode="promise_in_bounds")
    return v


def _edge_body(xl_hbm, xr_hbm, src_hbm, dst_hbm, att_hbm, zn_hbm, zd_hbm,
               outn_hbm, outd_hbm,
               src2d, dst2d, bufs, msgs, attv,
               accn, accd, gsems, ssems):
    cid = lax.axis_index("c")
    sid = lax.axis_index("s")
    wid = cid * NS + sid

    pltpu.sync_copy(zn_hbm.at[pl.ds(sid * RPS, RPS)], accn.at[pl.ds(sid * RPS, RPS)])
    pltpu.sync_copy(zd_hbm.at[pl.ds(sid * RPS, RPS)], accd.at[pl.ds(sid * RPS, RPS)])
    pltpu.sync_copy(att_hbm, attv)
    pltpu.sync_copy(src_hbm.at[wid], src2d)
    pltpu.sync_copy(dst_hbm.at[wid], dst2d)
    plsc.subcore_barrier()

    att0 = attv[pl.ds(0, L)]
    att1 = attv[pl.ds(L, L)]
    att2 = attv[pl.ds(2 * L, L)]
    att3 = attv[pl.ds(3 * L, L)]
    lane = lax.broadcasted_iota(jnp.int32, (L,), 0)
    oh0 = jnp.where(lane == 0, 1.0, 0.0).astype(jnp.float32)
    oh1 = jnp.where(lane == 1, 1.0, 0.0).astype(jnp.float32)
    bflys = [lane ^ 1, lane ^ 2, lane ^ 4, lane ^ 8]

    def issue_gathers(t, b):
        pltpu.async_copy(xl_hbm.at[src2d.at[t]], bufs[b][0], gsems[b])
        pltpu.async_copy(xr_hbm.at[dst2d.at[t]], bufs[b][1], gsems[b])

    def wait_gathers(t, b):
        pltpu.make_async_copy(xl_hbm.at[src2d.at[t]], bufs[b][0], gsems[b]).wait()
        pltpu.make_async_copy(xr_hbm.at[dst2d.at[t]], bufs[b][1], gsems[b]).wait()

    def issue_scatters(t, b):
        pltpu.async_copy(msgs[b][0], accn.at[dst2d.at[t]], ssems[b], add=True)
        pltpu.async_copy(msgs[b][1], accd.at[dst2d.at[t]], ssems[b], add=True)

    def wait_scatters(t, b):
        pltpu.make_async_copy(msgs[b][0], accn.at[dst2d.at[t]], ssems[b]).wait()
        pltpu.make_async_copy(msgs[b][1], accd.at[dst2d.at[t]], ssems[b]).wait()

    def compute_chunk(b):
        bl, br = bufs[b]
        mn, md = msgs[b]

        @plsc.parallel_loop(0, CHUNK, unroll=8)
        def edge(e):
            l0 = bl[e, pl.ds(0, L)]
            l1 = bl[e, pl.ds(L, L)]
            l2 = bl[e, pl.ds(2 * L, L)]
            l3 = bl[e, pl.ds(3 * L, L)]
            r0 = br[e, pl.ds(0, L)]
            r1 = br[e, pl.ds(L, L)]
            r2 = br[e, pl.ds(2 * L, L)]
            r3 = br[e, pl.ds(3 * L, L)]
            z0 = l0 + r0
            z1 = l1 + r1
            z2 = l2 + r2
            z3 = l3 + r3
            e0 = jnp.maximum(z0, z0 * 0.2)
            e1 = jnp.maximum(z1, z1 * 0.2)
            e2 = jnp.maximum(z2, z2 * 0.2)
            e3 = jnp.maximum(z3, z3 * 0.2)
            t0 = e0 * att0 + e1 * att1
            t1 = e2 * att2 + e3 * att3
            w0 = jnp.exp(_esum(t0, bflys))
            w1 = jnp.exp(_esum(t1, bflys))
            mn[e, pl.ds(0, L)] = w0 * l0
            mn[e, pl.ds(L, L)] = w0 * l1
            mn[e, pl.ds(2 * L, L)] = w1 * l2
            mn[e, pl.ds(3 * L, L)] = w1 * l3
            md[e, pl.ds(0, L)] = w0 * oh0 + w1 * oh1

    for t in range(NBUF - 1):
        issue_gathers(t, t)

    def outer(i3, _):
        for j in range(NBUF):
            i = i3 * NBUF + j
            jn = (j + NBUF - 1) % NBUF
            wait_gathers(i, j)
            if j == 0:
                issue_gathers(i + NBUF - 1, jn)
            else:
                @pl.when(i3 < STEPS // NBUF - 1)
                def _():
                    issue_gathers(i + NBUF - 1, jn)
            @pl.when(i3 >= 1)
            def _():
                wait_scatters(i - NBUF, j)

            compute_chunk(j)
            issue_scatters(i, j)
        return ()

    lax.fori_loop(0, STEPS // NBUF, outer, ())
    for j in range(NBUF):
        wait_scatters(STEPS - NBUF + j, j)
    plsc.subcore_barrier()

    pltpu.sync_copy(accn.at[pl.ds(sid * RPS, RPS)],
                    outn_hbm.at[cid, pl.ds(sid * RPS, RPS)])
    pltpu.sync_copy(accd.at[pl.ds(sid * RPS, RPS)],
                    outd_hbm.at[cid, pl.ds(sid * RPS, RPS)])


def _edge(xl, xr, src3, dst3, att_flat, zn, zd):
    fn = pl.kernel(
        _edge_body,
        out_type=(
            jax.ShapeDtypeStruct((NC, NPAD, HC), jnp.float32),
            jax.ShapeDtypeStruct((NC, NPAD, L), jnp.float32),
        ),
        mesh=_mesh(),
        compiler_params=pltpu.CompilerParams(needs_layout_passes=False, use_tc_tiling_on_sc=False),
        scratch_types=[
            pltpu.VMEM((STEPS, CHUNK), jnp.int32),
            pltpu.VMEM((STEPS, CHUNK), jnp.int32),
            [[pltpu.VMEM((CHUNK, HC), jnp.float32),
              pltpu.VMEM((CHUNK, HC), jnp.float32)] for _ in range(NBUF)],
            [[pltpu.VMEM((CHUNK, HC), jnp.float32),
              pltpu.VMEM((CHUNK, L), jnp.float32)] for _ in range(NBUF)],
            pltpu.VMEM((HC,), jnp.float32),
            pltpu.VMEM_SHARED((NPAD, HC), jnp.float32),
            pltpu.VMEM_SHARED((NPAD, L), jnp.float32),
            [pltpu.SemaphoreType.DMA for _ in range(NBUF)],
            [pltpu.SemaphoreType.DMA for _ in range(NBUF)],
        ],
    )
    return fn(xl, xr, src3, dst3, att_flat, zn, zd)


def _mid_body(outn_ref, outd_ref, bias_ref, wp_ref, bp_ref,
              xnew_ref, p_ref, q_ref):
    num = outn_ref[0][:N] + outn_ref[1][:N]
    den = outd_ref[0][:N] + outd_ref[1][:N]
    d0 = den[:, 0:1] + 1e-16
    d1 = den[:, 1:2] + 1e-16
    x0 = num[:, :C] / d0
    x1 = num[:, C:] / d1
    x_new = jnp.concatenate([x0, x1], axis=1) + bias_ref[...]
    xnew_ref[...] = x_new
    pq = jnp.dot(x_new, wp_ref[...], preferred_element_type=jnp.float32)
    p_ref[...] = pq[:, 0:1]
    q_ref[...] = pq[:, 1:2] + bp_ref[...]


def _mid(outn, outd, bias2, wp2, bp2):
    return pl.pallas_call(
        _mid_body,
        out_shape=(
            jax.ShapeDtypeStruct((N, HC), jnp.float32),
            jax.ShapeDtypeStruct((N, 1), jnp.float32),
            jax.ShapeDtypeStruct((N, 1), jnp.float32),
        ),
    )(outn, outd, bias2, wp2, bp2)


def _score_body(p_hbm, src_hbm, dst_hbm, z_hbm, out_hbm,
                pv, srcv, dstv, scorev, rowids):
    cid = lax.axis_index("c")
    sid = lax.axis_index("s")
    wid = cid * NS + sid

    pltpu.sync_copy(p_hbm, pv)
    pltpu.sync_copy(src_hbm.at[pl.ds(wid * E2_PER_TILE, E2_PER_TILE)], srcv)
    pltpu.sync_copy(dst_hbm.at[pl.ds(wid * E2_PER_TILE, E2_PER_TILE)], dstv)
    pltpu.sync_copy(z_hbm.at[pl.ds(0, SROWS)], scorev)

    def fill(i, _):
        rowids[pl.ds(i * L, L)] = lax.broadcasted_iota(jnp.int32, (L,), 0) + i * L
        return ()

    lax.fori_loop(0, SROWS // L, fill, ())

    def step(i, _):
        s_idx = srcv[pl.ds(i * L, L)]
        d_idx = dstv[pl.ds(i * L, L)]
        vals = plsc.load_gather(pv, [s_idx])
        plsc.addupdate_scatter(scorev, [d_idx >> 4, d_idx & 15], vals)
        return ()

    lax.fori_loop(0, E2_PER_TILE // L, step, (), unroll=2)
    return scorev, rowids


def _score_body2(p_hbm, src_hbm, dst_hbm, z_hbm, out_hbm,
                 pv, srcv, dstv, scorev, rowids, accs):
    cid = lax.axis_index("c")
    sid = lax.axis_index("s")
    pltpu.sync_copy(z_hbm.at[pl.ds(sid * (SROWS // NS), SROWS // NS)],
                    accs.at[pl.ds(sid * (SROWS // NS), SROWS // NS)])
    plsc.subcore_barrier()
    _score_body(p_hbm, src_hbm, dst_hbm, z_hbm, out_hbm,
                pv, srcv, dstv, scorev, rowids)
    pltpu.sync_copy(scorev, accs.at[rowids], add=True)
    plsc.subcore_barrier()
    pltpu.sync_copy(accs.at[pl.ds(sid * (SROWS // NS), SROWS // NS)],
                    out_hbm.at[cid, pl.ds(sid * (SROWS // NS), SROWS // NS)])


def _score(p_flat, src_e, dst_e, z_rows):
    fn = pl.kernel(
        _score_body2,
        out_type=jax.ShapeDtypeStruct((NC, SROWS, L), jnp.float32),
        mesh=_mesh(),
        compiler_params=pltpu.CompilerParams(needs_layout_passes=False, use_tc_tiling_on_sc=False),
        scratch_types=[
            pltpu.VMEM((N,), jnp.float32),
            pltpu.VMEM((E2_PER_TILE,), jnp.int32),
            pltpu.VMEM((E2_PER_TILE,), jnp.int32),
            pltpu.VMEM((SROWS, L), jnp.float32),
            pltpu.VMEM((SROWS,), jnp.int32),
            pltpu.VMEM_SHARED((SROWS, L), jnp.float32),
        ],
    )
    return fn(p_flat, src_e, dst_e, z_rows)


def _post_body(xnew_ref, sp_ref, q_ref, batch_ref, out_ref):
    score = sp_ref[0][:N] + sp_ref[1][:N] + q_ref[...]
    m = jnp.max(score)
    sexp = jnp.exp(score - m)
    gid = lax.broadcasted_iota(jnp.int32, (1, G), 1)
    oh = (batch_ref[...] == gid).astype(jnp.float32)
    ohw = oh * sexp
    ssum = jnp.sum(ohw, axis=0, keepdims=True)
    cnt = jnp.sum(oh, axis=0, keepdims=True)
    s_mat = lax.dot_general(ohw, xnew_ref[...],
                            (((0,), (0,)), ((), ())),
                            preferred_element_type=jnp.float32)
    scale = (1.0 + 1.0 / jnp.maximum(cnt, 1.0)) / (ssum + 1e-16)
    out_ref[...] = s_mat * scale.reshape(G, 1)


def _post(xnew, sp2, q2, batch2):
    return pl.pallas_call(
        _post_body,
        out_shape=jax.ShapeDtypeStruct((G, HC), jnp.float32),
    )(xnew, sp2, q2, batch2)


def kernel(x, edge_index, batch, W_l, b_l, W_r, b_r, att, bias, Wp_rel, Wp_root, bp):
    f32 = jnp.float32
    i32 = jnp.int32

    x_pad = jnp.zeros((NPAD, F_IN), f32).at[:N].set(x)
    w2 = jnp.concatenate([W_l, W_r], axis=1)
    b2 = jnp.concatenate([b_l, b_r]).reshape(1, 2 * HC)
    xl, xr = _pre(x_pad, w2, b2)

    loop_idx = jnp.arange(N, dtype=i32)
    pad_idx = N + (jnp.arange(ET - E_ALL, dtype=i32) % L)
    src3 = jnp.concatenate([edge_index[0], loop_idx, pad_idx]).reshape(NT, STEPS, CHUNK)
    dst3 = jnp.concatenate([edge_index[1], loop_idx, pad_idx]).reshape(NT, STEPS, CHUNK)

    att_flat = att.reshape(HC)
    zn = jnp.zeros((NPAD, HC), f32)
    zd = jnp.zeros((NPAD, L), f32)
    outn, outd = _edge(xl, xr, src3, dst3, att_flat, zn, zd)

    bias2 = bias.reshape(1, HC)
    wp2 = jnp.concatenate([Wp_rel, Wp_root], axis=1)
    bp2 = bp.reshape(1, 1)
    x_new, p2, q2 = _mid(outn, outd, bias2, wp2, bp2)

    sp = _score(p2.reshape(N), edge_index[0], edge_index[1], zd)
    sp2 = sp.reshape(NC, NPAD, 1)

    global_emb = _post(x_new, sp2, q2, batch.reshape(N, 1))

    return (x_new, global_emb)

# --- scband reference (transcript-rebuilt; emitter-appended) ---
"""Pipeline reference for scband-ssi-ddi-block-71004399337988 (READ-ONLY COPY).

The authoritative reference and input builder live on the scoring server;
editing this copy changes nothing except your own understanding.
"""

import jax, jax.numpy as jnp
import numpy as np

N = 10000; E = 320000; F_IN = 128; H = 2; C = 32; G = 64


def setup_inputs(seed: int = 0) -> dict:
    key = jax.random.key(seed)
    ks = jax.random.split(key, 12)
    x = jax.random.normal(ks[0], (N, F_IN), dtype=jnp.float32)
    edge_index = jax.random.randint(ks[1], (2, E), 0, N, dtype=jnp.int32)
    batch = jnp.sort(jax.random.randint(ks[2], (N,), 0, G, dtype=jnp.int32))
    s = 1.0 / np.sqrt(F_IN)
    W_l = jax.random.normal(ks[3], (F_IN, H * C), dtype=jnp.float32) * s
    b_l = jnp.zeros((H * C,), dtype=jnp.float32)
    W_r = jax.random.normal(ks[4], (F_IN, H * C), dtype=jnp.float32) * s
    b_r = jnp.zeros((H * C,), dtype=jnp.float32)
    att = jax.random.normal(ks[5], (H, C), dtype=jnp.float32) * (1.0 / np.sqrt(C))
    bias = jnp.zeros((H * C,), dtype=jnp.float32)
    sp = 1.0 / np.sqrt(H * C)
    Wp_rel = jax.random.normal(ks[6], (H * C, 1), dtype=jnp.float32) * sp
    Wp_root = jax.random.normal(ks[7], (H * C, 1), dtype=jnp.float32) * sp
    bp = jnp.zeros((1,), dtype=jnp.float32)
    return {"x": x, "edge_index": edge_index, "batch": batch, "W_l": W_l, "b_l": b_l,
            "W_r": W_r, "b_r": b_r, "att": att, "bias": bias,
            "Wp_rel": Wp_rel, "Wp_root": Wp_root, "bp": bp}


def _gatv2(x, edge_index, W_l, b_l, W_r, b_r, att, bias):
    # GATv2Conv, concat=True, add_self_loops=True, negative_slope=0.2
    loop = jnp.arange(N, dtype=edge_index.dtype)
    src = jnp.concatenate([edge_index[0], loop])
    dst = jnp.concatenate([edge_index[1], loop])
    x_l = (x @ W_l + b_l).reshape(N, H, C)
    x_r = (x @ W_r + b_r).reshape(N, H, C)
    e = x_l[src] + x_r[dst]                    # [E+N, H, C]
    e = jax.nn.leaky_relu(e, 0.2)
    alpha = jnp.sum(e * att[None, :, :], axis=-1)  # [E+N, H]
    amax = jax.ops.segment_max(alpha, dst, num_segments=N)
    amax = jnp.where(jnp.isfinite(amax), amax, 0.0)
    aexp = jnp.exp(alpha - amax[dst])
    denom = jax.ops.segment_sum(aexp, dst, num_segments=N)
    alpha = aexp / (denom[dst] + 1e-16)
    msg = x_l[src] * alpha[:, :, None]
    out = jax.ops.segment_sum(msg, dst, num_segments=N)
    return out.reshape(N, H * C) + bias


def reference(x, edge_index, batch, W_l, b_l, W_r, b_r, att, bias, Wp_rel, Wp_root, bp):
    x_new = _gatv2(x, edge_index, W_l, b_l, W_r, b_r, att, bias)
    # SAGPooling(min_score=-1): GraphConv score -> softmax over batch -> all nodes kept
    src, dst = edge_index[0], edge_index[1]
    agg = jax.ops.segment_sum(x_new[src], dst, num_segments=N)
    score = (agg @ Wp_rel + x_new @ Wp_root + bp).reshape(-1)
    smax = jax.ops.segment_max(score, batch, num_segments=G)
    smax = jnp.where(jnp.isfinite(smax), smax, 0.0)
    sexp = jnp.exp(score - smax[batch])
    ssum = jax.ops.segment_sum(sexp, batch, num_segments=G)
    score = sexp / (ssum[batch] + 1e-16)
    pooled_x = x_new * score[:, None]
    gsum = jax.ops.segment_sum(pooled_x, batch, num_segments=G)
    counts = jax.ops.segment_sum(jnp.ones((N,), jnp.float32), batch, num_segments=G)
    gmean = gsum / jnp.maximum(counts, 1.0)[:, None]
    global_emb = gsum + gmean
    return (x_new, global_emb)

if __name__ == "__main__":
    import jax
    _d = setup_inputs()
    print(jax.jit(kernel)(*tuple(_d.values())))

</pallas_src>

<mosaic_0001>
#map = affine_map<(d0, d1) -> (0)>
#map1 = affine_map<(d0, d1) -> (0, 0)>
#map2 = affine_map<(d0, d1) -> (0, 0, 0)>
module attributes {stable_mosaic.version = 14 : i64} {
  func.func @_score_body2(%arg0: i32, %arg1: i32, %arg2: memref<10000xf32, #tpu.memory_space<hbm>>, %arg3: memref<320000xi32, #tpu.memory_space<hbm>>, %arg4: memref<320000xi32, #tpu.memory_space<hbm>>, %arg5: memref<10240x16xf32, #tpu.memory_space<hbm>>, %arg6: memref<2x640x16xf32, #tpu.memory_space<hbm>>, %arg7: memref<10000xf32, #tpu.memory_space<vmem>>, %arg8: memref<10000xi32, #tpu.memory_space<vmem>>, %arg9: memref<10000xi32, #tpu.memory_space<vmem>>, %arg10: memref<640x16xf32, #tpu.memory_space<vmem>>, %arg11: memref<640xi32, #tpu.memory_space<vmem>>, %arg12: memref<640x16xf32, #tpu.memory_space<vmem_shared>>) attributes {dimension_semantics = [#tpu.dimension_semantics<core_parallel>, #tpu.dimension_semantics<subcore_parallel>], iteration_bounds = array<i64: 2, 16>, scalar_prefetch = 0 : i64, scratch_operands = 6 : i64, tpu.core_type = #tpu.core_type<sc_vector_subcore>, window_params = [{transform_indices = #map}, {transform_indices = #map}, {transform_indices = #map}, {transform_indices = #map1}, {transform_indices = #map2}]} {
    %mul3A = arith.constant 40 : i32
    %mul3A_0 = arith.muli %arg1, %mul3A : i32
    %mul3A_1 = arith.constant 40 : i32
    %mul3A_2 = arith.muli %arg1, %mul3A_1 : i32
    "tpu.region"() ({
      %run_scoped3A = tpu.sem_alloc : memref<!tpu.dma_semaphore, #tpu.memory_space<semaphore_mem>>
      %dma_start3A = arith.constant 0 : i32
      %dma_start3A_36 = tpu.memref_slice %arg12[%mul3A_2, %dma_start3A] : memref<640x16xf32, #tpu.memory_space<vmem_shared>> -> memref<40x16xf32, #tpu.memory_space<vmem_shared>>
      %dma_start3A_37 = arith.constant 0 : i32
      %dma_start3A_38 = tpu.memref_slice %arg5[%mul3A_0, %dma_start3A_37] : memref<10240x16xf32, #tpu.memory_space<hbm>> -> memref<40x16xf32, #tpu.memory_space<hbm>>
      tpu.enqueue_dma source(%dma_start3A_38 : memref<40x16xf32, #tpu.memory_space<hbm>>) target(%dma_start3A_36 : memref<40x16xf32, #tpu.memory_space<vmem_shared>>) target_semaphore(%run_scoped3A : memref<!tpu.dma_semaphore, #tpu.memory_space<semaphore_mem>>)
      %dma_wait3A = arith.constant 0 : i32
      %dma_wait3A_39 = tpu.memref_slice %arg12[%mul3A_2, %dma_wait3A] : memref<640x16xf32, #tpu.memory_space<vmem_shared>> -> memref<40x16xf32, #tpu.memory_space<vmem_shared>>
      %dma_wait3A_40 = arith.constant 0 : i32
      %dma_wait3A_41 = tpu.memref_slice %arg5[%mul3A_0, %dma_wait3A_40] : memref<10240x16xf32, #tpu.memory_space<hbm>> -> memref<40x16xf32, #tpu.memory_space<hbm>>
      tpu.wait_dma2 semaphore(%run_scoped3A : memref<!tpu.dma_semaphore, #tpu.memory_space<semaphore_mem>>) src(%dma_wait3A_41 : memref<40x16xf32, #tpu.memory_space<hbm>>) dst(%dma_wait3A_39 : memref<40x16xf32, #tpu.memory_space<vmem_shared>>)
      tpu.yield
    }) : () -> ()
    %barrier3A = arith.constant 0 : index
    tpu.barrier barrier_id(%barrier3A)
    %mul3A_3 = arith.constant 16 : i32
    %mul3A_4 = arith.muli %arg0, %mul3A_3 : i32
    %add3A = arith.addi %mul3A_4, %arg1 : i32
    "tpu.region"() ({
      %run_scoped3A = tpu.sem_alloc : memref<!tpu.dma_semaphore, #tpu.memory_space<semaphore_mem>>
      tpu.enqueue_dma source(%arg2 : memref<10000xf32, #tpu.memory_space<hbm>>) target(%arg7 : memref<10000xf32, #tpu.memory_space<vmem>>) target_semaphore(%run_scoped3A : memref<!tpu.dma_semaphore, #tpu.memory_space<semaphore_mem>>)
      tpu.wait_dma2 semaphore(%run_scoped3A : memref<!tpu.dma_semaphore, #tpu.memory_space<semaphore_mem>>) src(%arg2 : memref<10000xf32, #tpu.memory_space<hbm>>) dst(%arg7 : memref<10000xf32, #tpu.memory_space<vmem>>)
      tpu.yield
    }) : () -> ()
    %mul3A_5 = arith.constant 10000 : i32
    %mul3A_6 = arith.muli %add3A, %mul3A_5 : i32
    "tpu.region"() ({
      %run_scoped3A = tpu.sem_alloc : memref<!tpu.dma_semaphore, #tpu.memory_space<semaphore_mem>>
      %dma_start3A = tpu.memref_slice %arg3[%mul3A_6] : memref<320000xi32, #tpu.memory_space<hbm>> -> memref<10000xi32, #tpu.memory_space<hbm>>
      %dma_start3A_36 = tpu.memref_slice %arg3[%mul3A_6] : memref<320000xi32, #tpu.memory_space<hbm>> -> memref<10000xi32, #tpu.memory_space<hbm>>
      tpu.enqueue_dma source(%dma_start3A_36 : memref<10000xi32, #tpu.memory_space<hbm>>) target(%arg8 : memref<10000xi32, #tpu.memory_space<vmem>>) target_semaphore(%run_scoped3A : memref<!tpu.dma_semaphore, #tpu.memory_space<semaphore_mem>>)
      %dma_wait3A = tpu.memref_slice %arg3[%mul3A_6] : memref<320000xi32, #tpu.memory_space<hbm>> -> memref<10000xi32, #tpu.memory_space<hbm>>
      %dma_wait3A_37 = tpu.memref_slice %arg3[%mul3A_6] : memref<320000xi32, #tpu.memory_space<hbm>> -> memref<10000xi32, #tpu.memory_space<hbm>>
      tpu.wait_dma2 semaphore(%run_scoped3A : memref<!tpu.dma_semaphore, #tpu.memory_space<semaphore_mem>>) src(%dma_wait3A_37 : memref<10000xi32, #tpu.memory_space<hbm>>) dst(%arg8 : memref<10000xi32, #tpu.memory_space<vmem>>)
      tpu.yield
    }) : () -> ()
    %mul3A_7 = arith.constant 10000 : i32
    %mul3A_8 = arith.muli %add3A, %mul3A_7 : i32
    "tpu.region"() ({
      %run_scoped3A = tpu.sem_alloc : memref<!tpu.dma_semaphore, #tpu.memory_space<semaphore_mem>>
      %dma_start3A = tpu.memref_slice %arg4[%mul3A_8] : memref<320000xi32, #tpu.memory_space<hbm>> -> memref<10000xi32, #tpu.memory_space<hbm>>
      %dma_start3A_36 = tpu.memref_slice %arg4[%mul3A_8] : memref<320000xi32, #tpu.memory_space<hbm>> -> memref<10000xi32, #tpu.memory_space<hbm>>
      tpu.enqueue_dma source(%dma_start3A_36 : memref<10000xi32, #tpu.memory_space<hbm>>) target(%arg9 : memref<10000xi32, #tpu.memory_space<vmem>>) target_semaphore(%run_scoped3A : memref<!tpu.dma_semaphore, #tpu.memory_space<semaphore_mem>>)
      %dma_wait3A = tpu.memref_slice %arg4[%mul3A_8] : memref<320000xi32, #tpu.memory_space<hbm>> -> memref<10000xi32, #tpu.memory_space<hbm>>
      %dma_wait3A_37 = tpu.memref_slice %arg4[%mul3A_8] : memref<320000xi32, #tpu.memory_space<hbm>> -> memref<10000xi32, #tpu.memory_space<hbm>>
      tpu.wait_dma2 semaphore(%run_scoped3A : memref<!tpu.dma_semaphore, #tpu.memory_space<semaphore_mem>>) src(%dma_wait3A_37 : memref<10000xi32, #tpu.memory_space<hbm>>) dst(%arg9 : memref<10000xi32, #tpu.memory_space<vmem>>)
      tpu.yield
    }) : () -> ()
    "tpu.region"() ({
      %run_scoped3A = tpu.sem_alloc : memref<!tpu.dma_semaphore, #tpu.memory_space<semaphore_mem>>
      %dma_start3A = arith.constant 0 : i32
      %dma_start3A_36 = arith.constant 0 : i32
      %dma_start3A_37 = tpu.memref_slice %arg5[%dma_start3A, %dma_start3A_36] : memref<10240x16xf32, #tpu.memory_space<hbm>> -> memref<640x16xf32, #tpu.memory_space<hbm>>
      %dma_start3A_38 = arith.constant 0 : i32
      %dma_start3A_39 = arith.constant 0 : i32
      %dma_start3A_40 = tpu.memref_slice %arg5[%dma_start3A_38, %dma_start3A_39] : memref<10240x16xf32, #tpu.memory_space<hbm>> -> memref<640x16xf32, #tpu.memory_space<hbm>>
      tpu.enqueue_dma source(%dma_start3A_40 : memref<640x16xf32, #tpu.memory_space<hbm>>) target(%arg10 : memref<640x16xf32, #tpu.memory_space<vmem>>) target_semaphore(%run_scoped3A : memref<!tpu.dma_semaphore, #tpu.memory_space<semaphore_mem>>)
      %dma_wait3A = arith.constant 0 : i32
      %dma_wait3A_41 = arith.constant 0 : i32
      %dma_wait3A_42 = tpu.memref_slice %arg5[%dma_wait3A, %dma_wait3A_41] : memref<10240x16xf32, #tpu.memory_space<hbm>> -> memref<640x16xf32, #tpu.memory_space<hbm>>
      %dma_wait3A_43 = arith.constant 0 : i32
      %dma_wait3A_44 = arith.constant 0 : i32
      %dma_wait3A_45 = tpu.memref_slice %arg5[%dma_wait3A_43, %dma_wait3A_44] : memref<10240x16xf32, #tpu.memory_space<hbm>> -> memref<640x16xf32, #tpu.memory_space<hbm>>
      tpu.wait_dma2 semaphore(%run_scoped3A : memref<!tpu.dma_semaphore, #tpu.memory_space<semaphore_mem>>) src(%dma_wait3A_45 : memref<640x16xf32, #tpu.memory_space<hbm>>) dst(%arg10 : memref<640x16xf32, #tpu.memory_space<vmem>>)
      tpu.yield
    }) : () -> ()
    %scan3A = arith.constant 0 : i32
    %scan3A_9 = arith.constant 40 : i32
    %scan3A_10 = arith.addi %scan3A, %scan3A_9 : i32
    %scan3A_11 = arith.constant 1 : i32
    scf.for %scan3A_36 = %scan3A to %scan3A_10 step %scan3A_11  : i32 {
      %iota3A = tpu.iota {dimensions = array<i32: 0>} : vector<16xi32>
      %mul3A_37 = arith.constant 16 : i32
      %mul3A_38 = arith.muli %scan3A_36, %mul3A_37 : i32
      %add3A_39 = vector.broadcast %mul3A_38 : i32 to vector<16xi32>
      %add3A_40 = arith.addi %iota3A, %add3A_39 : vector<16xi32>
      %mul3A_41 = arith.constant 16 : i32
      %mul3A_42 = arith.muli %scan3A_36, %mul3A_41 : i32
      %swap3A = arith.index_cast %mul3A_42 : i32 to index
      %swap3A_43 = tpu.vector_load %arg11[%swap3A] {strides = array<i32>} : memref<640xi32, #tpu.memory_space<vmem>>, vector<16xi32>,
      tpu.vector_store %arg11[%swap3A], %add3A_40 {strides = array<i32>} : memref<640xi32, #tpu.memory_space<vmem>>, vector<16xi32>,
    }
    %scan3A_12 = arith.constant 40 : i32
    %scan3A_13 = arith.constant 0 : i32
    %scan3A_14 = arith.constant 624 : i32
    %scan3A_15 = arith.addi %scan3A_13, %scan3A_14 : i32
    %scan3A_16 = arith.constant 2 : i32
    scf.for %scan3A_36 = %scan3A_13 to %scan3A_15 step %scan3A_16  : i32 {
      %mul3A_37 = arith.constant 16 : i32
      %mul3A_38 = arith.muli %scan3A_36, %mul3A_37 : i32
      %get3A_39 = arith.index_cast %mul3A_38 : i32 to index
      %get3A_40 = tpu.vector_load %arg8[%get3A_39] {strides = array<i32>} : memref<10000xi32, #tpu.memory_space<vmem>>, vector<16xi32>,
      %mul3A_41 = arith.constant 16 : i32
      %mul3A_42 = arith.muli %scan3A_36, %mul3A_41 : i32
      %get3A_43 = arith.index_cast %mul3A_42 : i32 to index
      %get3A_44 = tpu.vector_load %arg9[%get3A_43] {strides = array<i32>} : memref<10000xi32, #tpu.memory_space<vmem>>, vector<16xi32>,
      %gather3A_45 = tpu.vector_load_idx %arg7[%get3A_40] : memref<10000xf32, #tpu.memory_space<vmem>>[vector<16xi32>], vector<16xf32>,
      %shift_right_arithmetic3A_46 = arith.constant 4 : i32
      %shift_right_arithmetic3A_47 = vector.broadcast %shift_right_arithmetic3A_46 : i32 to vector<16xi32>
      %shift_right_arithmetic3A_48 = arith.shrsi %get3A_44, %shift_right_arithmetic3A_47 : vector<16xi32>
      %and3A_49 = arith.constant 15 : i32
      %and3A_50 = vector.broadcast %and3A_49 : i32 to vector<16xi32>
      %and3A_51 = arith.andi %get3A_44, %and3A_50 : vector<16xi32>
      tpu.vector_store_idx %arg10[%shift_right_arithmetic3A_48, %and3A_51], %gather3A_45 {add = true} : memref<640x16xf32, #tpu.memory_space<vmem>>[vector<16xi32>, vector<16xi32>], vector<16xf32>,
      %scan3A_52 = arith.constant 1 : i32
      %scan3A_53 = arith.addi %scan3A_36, %scan3A_52 : i32
      %mul3A_54 = arith.constant 16 : i32
      %mul3A_55 = arith.muli %scan3A_53, %mul3A_54 : i32
      %get3A_56 = arith.index_cast %mul3A_55 : i32 to index
      %get3A_57 = tpu.vector_load %arg8[%get3A_56] {strides = array<i32>} : memref<10000xi32, #tpu.memory_space<vmem>>, vector<16xi32>,
      %mul3A_58 = arith.constant 16 : i32
      %mul3A_59 = arith.muli %scan3A_53, %mul3A_58 : i32
      %get3A_60 = arith.index_cast %mul3A_59 : i32 to index
      %get3A_61 = tpu.vector_load %arg9[%get3A_60] {strides = array<i32>} : memref<10000xi32, #tpu.memory_space<vmem>>, vector<16xi32>,
      %gather3A_62 = tpu.vector_load_idx %arg7[%get3A_57] : memref<10000xf32, #tpu.memory_space<vmem>>[vector<16xi32>], vector<16xf32>,
      %shift_right_arithmetic3A_63 = arith.constant 4 : i32
      %shift_right_arithmetic3A_64 = vector.broadcast %shift_right_arithmetic3A_63 : i32 to vector<16xi32>
      %shift_right_arithmetic3A_65 = arith.shrsi %get3A_61, %shift_right_arithmetic3A_64 : vector<16xi32>
      %and3A_66 = arith.constant 15 : i32
      %and3A_67 = vector.broadcast %and3A_66 : i32 to vector<16xi32>
      %and3A_68 = arith.andi %get3A_61, %and3A_67 : vector<16xi32>
      tpu.vector_store_idx %arg10[%shift_right_arithmetic3A_65, %and3A_68], %gather3A_62 {add = true} : memref<640x16xf32, #tpu.memory_space<vmem>>[vector<16xi32>, vector<16xi32>], vector<16xf32>,
    }
    %scan3A_17 = arith.constant 624 : i32
    %scan3A_18 = arith.addi %scan3A_13, %scan3A_17 : i32
    %mul3A_19 = arith.constant 16 : i32
    %mul3A_20 = arith.muli %scan3A_18, %mul3A_19 : i32
    %get3A = arith.index_cast %mul3A_20 : i32 to index
    %get3A_21 = tpu.vector_load %arg8[%get3A] {strides = array<i32>} : memref<10000xi32, #tpu.memory_space<vmem>>, vector<16xi32>,
    %mul3A_22 = arith.constant 16 : i32
    %mul3A_23 = arith.muli %scan3A_18, %mul3A_22 : i32
    %get3A_24 = arith.index_cast %mul3A_23 : i32 to index
    %get3A_25 = tpu.vector_load %arg9[%get3A_24] {strides = array<i32>} : memref<10000xi32, #tpu.memory_space<vmem>>, vector<16xi32>,
    %gather3A = tpu.vector_load_idx %arg7[%get3A_21] : memref<10000xf32, #tpu.memory_space<vmem>>[vector<16xi32>], vector<16xf32>,
    %shift_right_arithmetic3A = arith.constant 4 : i32
    %shift_right_arithmetic3A_26 = vector.broadcast %shift_right_arithmetic3A : i32 to vector<16xi32>
    %shift_right_arithmetic3A_27 = arith.shrsi %get3A_25, %shift_right_arithmetic3A_26 : vector<16xi32>
    %and3A = arith.constant 15 : i32
    %and3A_28 = vector.broadcast %and3A : i32 to vector<16xi32>
    %and3A_29 = arith.andi %get3A_25, %and3A_28 : vector<16xi32>
    tpu.vector_store_idx %arg10[%shift_right_arithmetic3A_27, %and3A_29], %gather3A {add = true} : memref<640x16xf32, #tpu.memory_space<vmem>>[vector<16xi32>, vector<16xi32>], vector<16xf32>,
    %scan3A_30 = arith.constant 625 : i32
    "tpu.region"() ({
      %run_scoped3A = tpu.sem_alloc : memref<!tpu.dma_semaphore, #tpu.memory_space<semaphore_mem>>
      %dma_start3A = arith.constant 0 : i32
      %dma_start3A_36 = arith.constant 0 : i32
      %dma_start3A_37 = tpu.memref_slice %arg12[%dma_start3A, %dma_start3A_36] : memref<640x16xf32, #tpu.memory_space<vmem_shared>> -> memref<640x16xf32, #tpu.memory_space<vmem_shared>>
      tpu.enqueue_indirect_dma source(%arg10 : memref<640x16xf32, #tpu.memory_space<vmem>>) target(%dma_start3A_37 : memref<640x16xf32, #tpu.memory_space<vmem_shared>>) offsets(%arg11 : memref<640xi32, #tpu.memory_space<vmem>>) semaphore(%run_scoped3A : memref<!tpu.dma_semaphore, #tpu.memory_space<semaphore_mem>>) {add = true}
      %dma_wait3A = arith.constant 0 : i32
      %dma_wait3A_38 = arith.constant 0 : i32
      %dma_wait3A_39 = tpu.memref_slice %arg12[%dma_wait3A, %dma_wait3A_38] : memref<640x16xf32, #tpu.memory_space<vmem_shared>> -> memref<640x16xf32, #tpu.memory_space<vmem_shared>>
      tpu.wait_indirect_dma semaphore(%run_scoped3A : memref<!tpu.dma_semaphore, #tpu.memory_space<semaphore_mem>>) src(%arg10 : memref<640x16xf32, #tpu.memory_space<vmem>>) dst(%dma_wait3A_39 : memref<640x16xf32, #tpu.memory_space<vmem_shared>>)
      tpu.yield
    }) : () -> ()
    %barrier3A_31 = arith.constant 0 : index
    tpu.barrier barrier_id(%barrier3A_31)
    %mul3A_32 = arith.constant 40 : i32
    %mul3A_33 = arith.muli %arg1, %mul3A_32 : i32
    %mul3A_34 = arith.constant 40 : i32
    %mul3A_35 = arith.muli %arg1, %mul3A_34 : i32
    "tpu.region"() ({
      %run_scoped3A = tpu.sem_alloc : memref<!tpu.dma_semaphore, #tpu.memory_space<semaphore_mem>>
      %dma_start3A = arith.constant 0 : i32
      %dma_start3A_36 = tpu.memref_slice %arg6[%arg0, %mul3A_35, %dma_start3A] : memref<2x640x16xf32, #tpu.memory_space<hbm>> -> memref<1x40x16xf32, #tpu.memory_space<hbm>>
      %dma_start3A_37 = tpu.memref_squeeze %dma_start3A_36 : memref<1x40x16xf32, #tpu.memory_space<hbm>> -> memref<40x16xf32, #tpu.memory_space<hbm>>
      %dma_start3A_38 = arith.constant 0 : i32
      %dma_start3A_39 = tpu.memref_slice %arg12[%mul3A_33, %dma_start3A_38] : memref<640x16xf32, #tpu.memory_space<vmem_shared>> -> memref<40x16xf32, #tpu.memory_space<vmem_shared>>
      tpu.enqueue_dma source(%dma_start3A_39 : memref<40x16xf32, #tpu.memory_space<vmem_shared>>) target(%dma_start3A_37 : memref<40x16xf32, #tpu.memory_space<hbm>>) target_semaphore(%run_scoped3A : memref<!tpu.dma_semaphore, #tpu.memory_space<semaphore_mem>>)
      %dma_wait3A = arith.constant 0 : i32
      %dma_wait3A_40 = tpu.memref_slice %arg6[%arg0, %mul3A_35, %dma_wait3A] : memref<2x640x16xf32, #tpu.memory_space<hbm>> -> memref<1x40x16xf32, #tpu.memory_space<hbm>>
      %dma_wait3A_41 = tpu.memref_squeeze %dma_wait3A_40 : memref<1x40x16xf32, #tpu.memory_space<hbm>> -> memref<40x16xf32, #tpu.memory_space<hbm>>
      %dma_wait3A_42 = arith.constant 0 : i32
      %dma_wait3A_43 = tpu.memref_slice %arg12[%mul3A_33, %dma_wait3A_42] : memref<640x16xf32, #tpu.memory_space<vmem_shared>> -> memref<40x16xf32, #tpu.memory_space<vmem_shared>>
      tpu.wait_dma2 semaphore(%run_scoped3A : memref<!tpu.dma_semaphore, #tpu.memory_space<semaphore_mem>>) src(%dma_wait3A_43 : memref<40x16xf32, #tpu.memory_space<vmem_shared>>) dst(%dma_wait3A_41 : memref<40x16xf32, #tpu.memory_space<hbm>>)
      tpu.yield
    }) : () -> ()
    return
  }
}

#map = affine_map<(d0, d1) -> (0, 0)>
#map1 = affine_map<(d0, d1) -> (0, 0, 0)>
#map2 = affine_map<(d0, d1) -> (0)>
module attributes {stable_mosaic.version = 14 : i64} {
  func.func @_edge_body(%arg0: i32, %arg1: i32, %arg2: memref<10240x64xf32, #tpu.memory_space<hbm>>, %arg3: memref<10240x64xf32, #tpu.memory_space<hbm>>, %arg4: memref<32x164x64xi32, #tpu.memory_space<hbm>>, %arg5: memref<32x164x64xi32, #tpu.memory_space<hbm>>, %arg6: memref<64xf32, #tpu.memory_space<hbm>>, %arg7: memref<10240x64xf32, #tpu.memory_space<hbm>>, %arg8: memref<10240x16xf32, #tpu.memory_space<hbm>>, %arg9: memref<2x10240x64xf32, #tpu.memory_space<hbm>>, %arg10: memref<2x10240x16xf32, #tpu.memory_space<hbm>>, %arg11: memref<164x64xi32, #tpu.memory_space<vmem>>, %arg12: memref<164x64xi32, #tpu.memory_space<vmem>>, %arg13: memref<64x64xf32, #tpu.memory_space<vmem>>, %arg14: memref<64x64xf32, #tpu.memory_space<vmem>>, %arg15: memref<64x64xf32, #tpu.memory_space<vmem>>, %arg16: memref<64x64xf32, #tpu.memory_space<vmem>>, %arg17: memref<64x64xf32, #tpu.memory_space<vmem>>, %arg18: memref<64x64xf32, #tpu.memory_space<vmem>>, %arg19: memref<64x64xf32, #tpu.memory_space<vmem>>, %arg20: memref<64x64xf32, #tpu.memory_space<vmem>>, %arg21: memref<64x64xf32, #tpu.memory_space<vmem>>, %arg22: memref<64x16xf32, #tpu.memory_space<vmem>>, %arg23: memref<64x64xf32, #tpu.memory_space<vmem>>, %arg24: memref<64x16xf32, #tpu.memory_space<vmem>>, %arg25: memref<64x64xf32, #tpu.memory_space<vmem>>, %arg26: memref<64x16xf32, #tpu.memory_space<vmem>>, %arg27: memref<64x64xf32, #tpu.memory_space<vmem>>, %arg28: memref<64x16xf32, #tpu.memory_space<vmem>>, %arg29: memref<64xf32, #tpu.memory_space<vmem>>, %arg30: memref<10240x64xf32, #tpu.memory_space<vmem_shared>>, %arg31: memref<10240x16xf32, #tpu.memory_space<vmem_shared>>, %arg32: memref<!tpu.dma_semaphore, #tpu.memory_space<semaphore_mem>>, %arg33: memref<!tpu.dma_semaphore, #tpu.memory_space<semaphore_mem>>, %arg34: memref<!tpu.dma_semaphore, #tpu.memory_space<semaphore_mem>>, %arg35: memref<!tpu.dma_semaphore, #tpu.memory_space<semaphore_mem>>, %arg36: memref<!tpu.dma_semaphore, #tpu.memory_space<semaphore_mem>>, %arg37: memref<!tpu.dma_semaphore, #tpu.memory_space<semaphore_mem>>, %arg38: memref<!tpu.dma_semaphore, #tpu.memory_space<semaphore_mem>>, %arg39: memref<!tpu.dma_semaphore, #tpu.memory_space<semaphore_mem>>) attributes {dimension_semantics = [#tpu.dimension_semantics<core_parallel>, #tpu.dimension_semantics<subcore_parallel>], iteration_bounds = array<i64: 2, 16>, scalar_prefetch = 0 : i64, scratch_operands = 29 : i64, tpu.core_type = #tpu.core_type<sc_vector_subcore>, window_params = [{transform_indices = #map}, {transform_indices = #map}, {transform_indices = #map1}, {transform_indices = #map1}, {transform_indices = #map2}, {transform_indices = #map}, {transform_indices = #map}, {transform_indices = #map1}, {transform_indices = #map1}]} {
    %mul3A = arith.constant 16 : i32
    %mul3A_0 = arith.muli %arg0, %mul3A : i32
    %add3A = arith.addi %mul3A_0, %arg1 : i32
    %mul3A_1 = arith.constant 640 : i32
    %mul3A_2 = arith.muli %arg1, %mul3A_1 : i32
    %mul3A_3 = arith.constant 640 : i32
    %mul3A_4 = arith.muli %arg1, %mul3A_3 : i32
    "tpu.region"() ({
      %run_scoped3A = tpu.sem_alloc : memref<!tpu.dma_semaphore, #tpu.memory_space<semaphore_mem>>
      %dma_start3A_148 = arith.constant 0 : i32
      %dma_start3A_149 = tpu.memref_slice %arg30[%mul3A_4, %dma_start3A_148] : memref<10240x64xf32, #tpu.memory_space<vmem_shared>> -> memref<640x64xf32, #tpu.memory_space<vmem_shared>>
      %dma_start3A_150 = arith.constant 0 : i32
      %dma_start3A_151 = tpu.memref_slice %arg7[%mul3A_2, %dma_start3A_150] : memref<10240x64xf32, #tpu.memory_space<hbm>> -> memref<640x64xf32, #tpu.memory_space<hbm>>
      tpu.enqueue_dma source(%dma_start3A_151 : memref<640x64xf32, #tpu.memory_space<hbm>>) target(%dma_start3A_149 : memref<640x64xf32, #tpu.memory_space<vmem_shared>>) target_semaphore(%run_scoped3A : memref<!tpu.dma_semaphore, #tpu.memory_space<semaphore_mem>>)
      %dma_wait3A_152 = arith.constant 0 : i32
      %dma_wait3A_153 = tpu.memref_slice %arg30[%mul3A_4, %dma_wait3A_152] : memref<10240x64xf32, #tpu.memory_space<vmem_shared>> -> memref<640x64xf32, #tpu.memory_space<vmem_shared>>
      %dma_wait3A_154 = arith.constant 0 : i32
      %dma_wait3A_155 = tpu.memref_slice %arg7[%mul3A_2, %dma_wait3A_154] : memref<10240x64xf32, #tpu.memory_space<hbm>> -> memref<640x64xf32, #tpu.memory_space<hbm>>
      tpu.wait_dma2 semaphore(%run_scoped3A : memref<!tpu.dma_semaphore, #tpu.memory_space<semaphore_mem>>) src(%dma_wait3A_155 : memref<640x64xf32, #tpu.memory_space<hbm>>) dst(%dma_wait3A_153 : memref<640x64xf32, #tpu.memory_space<vmem_shared>>)
      tpu.yield
    }) : () -> ()
    %mul3A_5 = arith.constant 640 : i32
    %mul3A_6 = arith.muli %arg1, %mul3A_5 : i32
    %mul3A_7 = arith.constant 640 : i32
    %mul3A_8 = arith.muli %arg1, %mul3A_7 : i32
    "tpu.region"() ({
      %run_scoped3A = tpu.sem_alloc : memref<!tpu.dma_semaphore, #tpu.memory_space<semaphore_mem>>
      %dma_start3A_148 = arith.constant 0 : i32
      %dma_start3A_149 = tpu.memref_slice %arg31[%mul3A_8, %dma_start3A_148] : memref<10240x16xf32, #tpu.memory_space<vmem_shared>> -> memref<640x16xf32, #tpu.memory_space<vmem_shared>>
      %dma_start3A_150 = arith.constant 0 : i32
      %dma_start3A_151 = tpu.memref_slice %arg8[%mul3A_6, %dma_start3A_150] : memref<10240x16xf32, #tpu.memory_space<hbm>> -> memref<640x16xf32, #tpu.memory_space<hbm>>
      tpu.enqueue_dma source(%dma_start3A_151 : memref<640x16xf32, #tpu.memory_space<hbm>>) target(%dma_start3A_149 : memref<640x16xf32, #tpu.memory_space<vmem_shared>>) target_semaphore(%run_scoped3A : memref<!tpu.dma_semaphore, #tpu.memory_space<semaphore_mem>>)
      %dma_wait3A_152 = arith.constant 0 : i32
      %dma_wait3A_153 = tpu.memref_slice %arg31[%mul3A_8, %dma_wait3A_152] : memref<10240x16xf32, #tpu.memory_space<vmem_shared>> -> memref<640x16xf32, #tpu.memory_space<vmem_shared>>
      %dma_wait3A_154 = arith.constant 0 : i32
      %dma_wait3A_155 = tpu.memref_slice %arg8[%mul3A_6, %dma_wait3A_154] : memref<10240x16xf32, #tpu.memory_space<hbm>> -> memref<640x16xf32, #tpu.memory_space<hbm>>
      tpu.wait_dma2 semaphore(%run_scoped3A : memref<!tpu.dma_semaphore, #tpu.memory_space<semaphore_mem>>) src(%dma_wait3A_155 : memref<640x16xf32, #tpu.memory_space<hbm>>) dst(%dma_wait3A_153 : memref<640x16xf32, #tpu.memory_space<vmem_shared>>)
      tpu.yield
    }) : () -> ()
    "tpu.region"() ({
      %run_scoped3A = tpu.sem_alloc : memref<!tpu.dma_semaphore, #tpu.memory_space<semaphore_mem>>
      tpu.enqueue_dma source(%arg6 : memref<64xf32, #tpu.memory_space<hbm>>) target(%arg29 : memref<64xf32, #tpu.memory_space<vmem>>) target_semaphore(%run_scoped3A : memref<!tpu.dma_semaphore, #tpu.memory_space<semaphore_mem>>)
      tpu.wait_dma2 semaphore(%run_scoped3A : memref<!tpu.dma_semaphore, #tpu.memory_space<semaphore_mem>>) src(%arg6 : memref<64xf32, #tpu.memory_space<hbm>>) dst(%arg29 : memref<64xf32, #tpu.memory_space<vmem>>)
      tpu.yield
    }) : () -> ()
    "tpu.region"() ({
      %run_scoped3A = tpu.sem_alloc : memref<!tpu.dma_semaphore, #tpu.memory_space<semaphore_mem>>
      %dma_start3A_148 = arith.constant 0 : i32
      %dma_start3A_149 = arith.constant 0 : i32
      %dma_start3A_150 = tpu.memref_slice %arg4[%add3A, %dma_start3A_148, %dma_start3A_149] : memref<32x164x64xi32, #tpu.memory_space<hbm>> -> memref<1x164x64xi32, #tpu.memory_space<hbm>>
      %dma_start3A_151 = tpu.memref_squeeze %dma_start3A_150 : memref<1x164x64xi32, #tpu.memory_space<hbm>> -> memref<164x64xi32, #tpu.memory_space<hbm>>
      %dma_start3A_152 = arith.constant 0 : i32
      %dma_start3A_153 = arith.constant 0 : i32
      %dma_start3A_154 = tpu.memref_slice %arg4[%add3A, %dma_start3A_152, %dma_start3A_153] : memref<32x164x64xi32, #tpu.memory_space<hbm>> -> memref<1x164x64xi32, #tpu.memory_space<hbm>>
      %dma_start3A_155 = tpu.memref_squeeze %dma_start3A_154 : memref<1x164x64xi32, #tpu.memory_space<hbm>> -> memref<164x64xi32, #tpu.memory_space<hbm>>
      tpu.enqueue_dma source(%dma_start3A_155 : memref<164x64xi32, #tpu.memory_space<hbm>>) target(%arg11 : memref<164x64xi32, #tpu.memory_space<vmem>>) target_semaphore(%run_scoped3A : memref<!tpu.dma_semaphore, #tpu.memory_space<semaphore_mem>>)
      %dma_wait3A_156 = arith.constant 0 : i32
      %dma_wait3A_157 = arith.constant 0 : i32
      %dma_wait3A_158 = tpu.memref_slice %arg4[%add3A, %dma_wait3A_156, %dma_wait3A_157] : memref<32x164x64xi32, #tpu.memory_space<hbm>> -> memref<1x164x64xi32, #tpu.memory_space<hbm>>
      %dma_wait3A_159 = tpu.memref_squeeze %dma_wait3A_158 : memref<1x164x64xi32, #tpu.memory_space<hbm>> -> memref<164x64xi32, #tpu.memory_space<hbm>>
      %dma_wait3A_160 = arith.constant 0 : i32
      %dma_wait3A_161 = arith.constant 0 : i32
      %dma_wait3A_162 = tpu.memref_slice %arg4[%add3A, %dma_wait3A_160, %dma_wait3A_161] : memref<32x164x64xi32, #tpu.memory_space<hbm>> -> memref<1x164x64xi32, #tpu.memory_space<hbm>>
      %dma_wait3A_163 = tpu.memref_squeeze %dma_wait3A_162 : memref<1x164x64xi32, #tpu.memory_space<hbm>> -> memref<164x64xi32, #tpu.memory_space<hbm>>
      tpu.wait_dma2 semaphore(%run_scoped3A : memref<!tpu.dma_semaphore, #tpu.memory_space<semaphore_mem>>) src(%dma_wait3A_163 : memref<164x64xi32, #tpu.memory_space<hbm>>) dst(%arg11 : memref<164x64xi32, #tpu.memory_space<vmem>>)
      tpu.yield
    }) : () -> ()
    "tpu.region"() ({
      %run_scoped3A = tpu.sem_alloc : memref<!tpu.dma_semaphore, #tpu.memory_space<semaphore_mem>>
      %dma_start3A_148 = arith.constant 0 : i32
      %dma_start3A_149 = arith.constant 0 : i32
      %dma_start3A_150 = tpu.memref_slice %arg5[%add3A, %dma_start3A_148, %dma_start3A_149] : memref<32x164x64xi32, #tpu.memory_space<hbm>> -> memref<1x164x64xi32, #tpu.memory_space<hbm>>
      %dma_start3A_151 = tpu.memref_squeeze %dma_start3A_150 : memref<1x164x64xi32, #tpu.memory_space<hbm>> -> memref<164x64xi32, #tpu.memory_space<hbm>>
      %dma_start3A_152 = arith.constant 0 : i32
      %dma_start3A_153 = arith.constant 0 : i32
      %dma_start3A_154 = tpu.memref_slice %arg5[%add3A, %dma_start3A_152, %dma_start3A_153] : memref<32x164x64xi32, #tpu.memory_space<hbm>> -> memref<1x164x64xi32, #tpu.memory_space<hbm>>
      %dma_start3A_155 = tpu.memref_squeeze %dma_start3A_154 : memref<1x164x64xi32, #tpu.memory_space<hbm>> -> memref<164x64xi32, #tpu.memory_space<hbm>>
      tpu.enqueue_dma source(%dma_start3A_155 : memref<164x64xi32, #tpu.memory_space<hbm>>) target(%arg12 : memref<164x64xi32, #tpu.memory_space<vmem>>) target_semaphore(%run_scoped3A : memref<!tpu.dma_semaphore, #tpu.memory_space<semaphore_mem>>)
      %dma_wait3A_156 = arith.constant 0 : i32
      %dma_wait3A_157 = arith.constant 0 : i32
      %dma_wait3A_158 = tpu.memref_slice %arg5[%add3A, %dma_wait3A_156, %dma_wait3A_157] : memref<32x164x64xi32, #tpu.memory_space<hbm>> -> memref<1x164x64xi32, #tpu.memory_space<hbm>>
      %dma_wait3A_159 = tpu.memref_squeeze %dma_wait3A_158 : memref<1x164x64xi32, #tpu.memory_space<hbm>> -> memref<164x64xi32, #tpu.memory_space<hbm>>
      %dma_wait3A_160 = arith.constant 0 : i32
      %dma_wait3A_161 = arith.constant 0 : i32
      %dma_wait3A_162 = tpu.memref_slice %arg5[%add3A, %dma_wait3A_160, %dma_wait3A_161] : memref<32x164x64xi32, #tpu.memory_space<hbm>> -> memref<1x164x64xi32, #tpu.memory_space<hbm>>
      %dma_wait3A_163 = tpu.memref_squeeze %dma_wait3A_162 : memref<1x164x64xi32, #tpu.memory_space<hbm>> -> memref<164x64xi32, #tpu.memory_space<hbm>>
      tpu.wait_dma2 semaphore(%run_scoped3A : memref<!tpu.dma_semaphore, #tpu.memory_space<semaphore_mem>>) src(%dma_wait3A_163 : memref<164x64xi32, #tpu.memory_space<hbm>>) dst(%arg12 : memref<164x64xi32, #tpu.memory_space<vmem>>)
      tpu.yield
    }) : () -> ()
    %barrier3A = arith.constant 0 : index
    tpu.barrier barrier_id(%barrier3A)
    %get3A = arith.constant 0 : index
    %get3A_9 = tpu.vector_load %arg29[%get3A] {strides = array<i32>} : memref<64xf32, #tpu.memory_space<vmem>>, vector<16xf32>,
    %get3A_10 = arith.constant 16 : index
    %get3A_11 = tpu.vector_load %arg29[%get3A_10] {strides = array<i32>} : memref<64xf32, #tpu.memory_space<vmem>>, vector<16xf32>,
    %get3A_12 = arith.constant 32 : index
    %get3A_13 = tpu.vector_load %arg29[%get3A_12] {strides = array<i32>} : memref<64xf32, #tpu.memory_space<vmem>>, vector<16xf32>,
    %get3A_14 = arith.constant 48 : index
    %get3A_15 = tpu.vector_load %arg29[%get3A_14] {strides = array<i32>} : memref<64xf32, #tpu.memory_space<vmem>>, vector<16xf32>,
    %iota3A = tpu.iota {dimensions = array<i32: 0>} : vector<16xi32>
    %eq3A = arith.constant 0 : i32
    %eq3A_16 = vector.broadcast %eq3A : i32 to vector<16xi32>
    %eq3A_17 = arith.cmpi eq, %iota3A, %eq3A_16 : vector<16xi32>
    %jit3A = arith.constant 1.000000e+00 : f32
    %jit3A_18 = arith.constant 0.000000e+00 : f32
    %broadcast_in_dim3A = vector.broadcast %jit3A : f32 to vector<16xf32>
    %broadcast_in_dim3A_19 = vector.broadcast %jit3A_18 : f32 to vector<16xf32>
    %select_n3A = arith.select %eq3A_17, %broadcast_in_dim3A, %broadcast_in_dim3A_19 : vector<16xi1>, vector<16xf32>
    %eq3A_20 = arith.constant 1 : i32
    %eq3A_21 = vector.broadcast %eq3A_20 : i32 to vector<16xi32>
    %eq3A_22 = arith.cmpi eq, %iota3A, %eq3A_21 : vector<16xi32>
    %jit3A_23 = arith.constant 1.000000e+00 : f32
    %jit3A_24 = arith.constant 0.000000e+00 : f32
    %broadcast_in_dim3A_25 = vector.broadcast %jit3A_23 : f32 to vector<16xf32>
    %broadcast_in_dim3A_26 = vector.broadcast %jit3A_24 : f32 to vector<16xf32>
    %select_n3A_27 = arith.select %eq3A_22, %broadcast_in_dim3A_25, %broadcast_in_dim3A_26 : vector<16xi1>, vector<16xf32>
    %xor3A = arith.constant 1 : i32
    %xor3A_28 = vector.broadcast %xor3A : i32 to vector<16xi32>
    %xor3A_29 = arith.xori %iota3A, %xor3A_28 : vector<16xi32>
    %xor3A_30 = arith.constant 2 : i32
    %xor3A_31 = vector.broadcast %xor3A_30 : i32 to vector<16xi32>
    %xor3A_32 = arith.xori %iota3A, %xor3A_31 : vector<16xi32>
    %xor3A_33 = arith.constant 4 : i32
    %xor3A_34 = vector.broadcast %xor3A_33 : i32 to vector<16xi32>
    %xor3A_35 = arith.xori %iota3A, %xor3A_34 : vector<16xi32>
    %xor3A_36 = arith.constant 8 : i32
    %xor3A_37 = vector.broadcast %xor3A_36 : i32 to vector<16xi32>
    %xor3A_38 = arith.xori %iota3A, %xor3A_37 : vector<16xi32>
    %dma_start3A = arith.constant 0 : i32
    %dma_start3A_39 = arith.constant 0 : i32
    %dma_start3A_40 = tpu.memref_slice %arg11[%dma_start3A, %dma_start3A_39] : memref<164x64xi32, #tpu.memory_space<vmem>> -> memref<1x64xi32, #tpu.memory_space<vmem>>
    %dma_start3A_41 = tpu.memref_squeeze %dma_start3A_40 : memref<1x64xi32, #tpu.memory_space<vmem>> -> memref<64xi32, #tpu.memory_space<vmem>>
    %dma_start3A_42 = arith.constant 0 : i32
    %dma_start3A_43 = arith.constant 0 : i32
    %dma_start3A_44 = tpu.memref_slice %arg2[%dma_start3A_42, %dma_start3A_43] : memref<10240x64xf32, #tpu.memory_space<hbm>> -> memref<10240x64xf32, #tpu.memory_space<hbm>>
    tpu.enqueue_indirect_dma source(%dma_start3A_44 : memref<10240x64xf32, #tpu.memory_space<hbm>>) target(%arg13 : memref<64x64xf32, #tpu.memory_space<vmem>>) offsets(%dma_start3A_41 : memref<64xi32, #tpu.memory_space<vmem>>) semaphore(%arg32 : memref<!tpu.dma_semaphore, #tpu.memory_space<semaphore_mem>>)
    %dma_start3A_45 = arith.constant 0 : i32
    %dma_start3A_46 = arith.constant 0 : i32
    %dma_start3A_47 = tpu.memref_slice %arg12[%dma_start3A_45, %dma_start3A_46] : memref<164x64xi32, #tpu.memory_space<vmem>> -> memref<1x64xi32, #tpu.memory_space<vmem>>
    %dma_start3A_48 = tpu.memref_squeeze %dma_start3A_47 : memref<1x64xi32, #tpu.memory_space<vmem>> -> memref<64xi32, #tpu.memory_space<vmem>>
    %dma_start3A_49 = arith.constant 0 : i32
    %dma_start3A_50 = arith.constant 0 : i32
    %dma_start3A_51 = tpu.memref_slice %arg3[%dma_start3A_49, %dma_start3A_50] : memref<10240x64xf32, #tpu.memory_space<hbm>> -> memref<10240x64xf32, #tpu.memory_space<hbm>>
    tpu.enqueue_indirect_dma source(%dma_start3A_51 : memref<10240x64xf32, #tpu.memory_space<hbm>>) target(%arg14 : memref<64x64xf32, #tpu.memory_space<vmem>>) offsets(%dma_start3A_48 : memref<64xi32, #tpu.memory_space<vmem>>) semaphore(%arg32 : memref<!tpu.dma_semaphore, #tpu.memory_space<semaphore_mem>>)
    %dma_start3A_52 = arith.constant 1 : i32
    %dma_start3A_53 = arith.constant 0 : i32
    %dma_start3A_54 = tpu.memref_slice %arg11[%dma_start3A_52, %dma_start3A_53] : memref<164x64xi32, #tpu.memory_space<vmem>> -> memref<1x64xi32, #tpu.memory_space<vmem>>
    %dma_start3A_55 = tpu.memref_squeeze %dma_start3A_54 : memref<1x64xi32, #tpu.memory_space<vmem>> -> memref<64xi32, #tpu.memory_space<vmem>>
    %dma_start3A_56 = arith.constant 0 : i32
    %dma_start3A_57 = arith.constant 0 : i32
    %dma_start3A_58 = tpu.memref_slice %arg2[%dma_start3A_56, %dma_start3A_57] : memref<10240x64xf32, #tpu.memory_space<hbm>> -> memref<10240x64xf32, #tpu.memory_space<hbm>>
    tpu.enqueue_indirect_dma source(%dma_start3A_58 : memref<10240x64xf32, #tpu.memory_space<hbm>>) target(%arg15 : memref<64x64xf32, #tpu.memory_space<vmem>>) offsets(%dma_start3A_55 : memref<64xi32, #tpu.memory_space<vmem>>) semaphore(%arg33 : memref<!tpu.dma_semaphore, #tpu.memory_space<semaphore_mem>>)
    %dma_start3A_59 = arith.constant 1 : i32
    %dma_start3A_60 = arith.constant 0 : i32
    %dma_start3A_61 = tpu.memref_slice %arg12[%dma_start3A_59, %dma_start3A_60] : memref<164x64xi32, #tpu.memory_space<vmem>> -> memref<1x64xi32, #tpu.memory_space<vmem>>
    %dma_start3A_62 = tpu.memref_squeeze %dma_start3A_61 : memref<1x64xi32, #tpu.memory_space<vmem>> -> memref<64xi32, #tpu.memory_space<vmem>>
    %dma_start3A_63 = arith.constant 0 : i32
    %dma_start3A_64 = arith.constant 0 : i32
    %dma_start3A_65 = tpu.memref_slice %arg3[%dma_start3A_63, %dma_start3A_64] : memref<10240x64xf32, #tpu.memory_space<hbm>> -> memref<10240x64xf32, #tpu.memory_space<hbm>>
    tpu.enqueue_indirect_dma source(%dma_start3A_65 : memref<10240x64xf32, #tpu.memory_space<hbm>>) target(%arg16 : memref<64x64xf32, #tpu.memory_space<vmem>>) offsets(%dma_start3A_62 : memref<64xi32, #tpu.memory_space<vmem>>) semaphore(%arg33 : memref<!tpu.dma_semaphore, #tpu.memory_space<semaphore_mem>>)
    %dma_start3A_66 = arith.constant 2 : i32
    %dma_start3A_67 = arith.constant 0 : i32
    %dma_start3A_68 = tpu.memref_slice %arg11[%dma_start3A_66, %dma_start3A_67] : memref<164x64xi32, #tpu.memory_space<vmem>> -> memref<1x64xi32, #tpu.memory_space<vmem>>
    %dma_start3A_69 = tpu.memref_squeeze %dma_start3A_68 : memref<1x64xi32, #tpu.memory_space<vmem>> -> memref<64xi32, #tpu.memory_space<vmem>>
    %dma_start3A_70 = arith.constant 0 : i32
    %dma_start3A_71 = arith.constant 0 : i32
    %dma_start3A_72 = tpu.memref_slice %arg2[%dma_start3A_70, %dma_start3A_71] : memref<10240x64xf32, #tpu.memory_space<hbm>> -> memref<10240x64xf32, #tpu.memory_space<hbm>>
    tpu.enqueue_indirect_dma source(%dma_start3A_72 : memref<10240x64xf32, #tpu.memory_space<hbm>>) target(%arg17 : memref<64x64xf32, #tpu.memory_space<vmem>>) offsets(%dma_start3A_69 : memref<64xi32, #tpu.memory_space<vmem>>) semaphore(%arg34 : memref<!tpu.dma_semaphore, #tpu.memory_space<semaphore_mem>>)
    %dma_start3A_73 = arith.constant 2 : i32
    %dma_start3A_74 = arith.constant 0 : i32
    %dma_start3A_75 = tpu.memref_slice %arg12[%dma_start3A_73, %dma_start3A_74] : memref<164x64xi32, #tpu.memory_space<vmem>> -> memref<1x64xi32, #tpu.memory_space<vmem>>
    %dma_start3A_76 = tpu.memref_squeeze %dma_start3A_75 : memref<1x64xi32, #tpu.memory_space<vmem>> -> memref<64xi32, #tpu.memory_space<vmem>>
    %dma_start3A_77 = arith.constant 0 : i32
    %dma_start3A_78 = arith.constant 0 : i32
    %dma_start3A_79 = tpu.memref_slice %arg3[%dma_start3A_77, %dma_start3A_78] : memref<10240x64xf32, #tpu.memory_space<hbm>> -> memref<10240x64xf32, #tpu.memory_space<hbm>>
    tpu.enqueue_indirect_dma source(%dma_start3A_79 : memref<10240x64xf32, #tpu.memory_space<hbm>>) target(%arg18 : memref<64x64xf32, #tpu.memory_space<vmem>>) offsets(%dma_start3A_76 : memref<64xi32, #tpu.memory_space<vmem>>) semaphore(%arg34 : memref<!tpu.dma_semaphore, #tpu.memory_space<semaphore_mem>>)
    %scan3A = arith.constant 0 : i32
    %scan3A_80 = arith.constant 41 : i32
    %scan3A_81 = arith.addi %scan3A, %scan3A_80 : i32
    %scan3A_82 = arith.constant 1 : i32
    scf.for %scan3A_148 = %scan3A to %scan3A_81 step %scan3A_82  : i32 {
      %mul3A_149 = arith.constant 4 : i32
      %mul3A_150 = arith.muli %scan3A_148, %mul3A_149 : i32
      %add3A_151 = arith.constant 0 : i32
      %add3A_152 = arith.addi %mul3A_150, %add3A_151 : i32
      %dma_wait3A_153 = arith.constant 0 : i32
      %dma_wait3A_154 = tpu.memref_slice %arg11[%add3A_152, %dma_wait3A_153] : memref<164x64xi32, #tpu.memory_space<vmem>> -> memref<1x64xi32, #tpu.memory_space<vmem>>
      %dma_wait3A_155 = tpu.memref_squeeze %dma_wait3A_154 : memref<1x64xi32, #tpu.memory_space<vmem>> -> memref<64xi32, #tpu.memory_space<vmem>>
      %dma_wait3A_156 = arith.constant 0 : i32
      %dma_wait3A_157 = arith.constant 0 : i32
      %dma_wait3A_158 = tpu.memref_slice %arg2[%dma_wait3A_156, %dma_wait3A_157] : memref<10240x64xf32, #tpu.memory_space<hbm>> -> memref<10240x64xf32, #tpu.memory_space<hbm>>
      tpu.wait_indirect_dma semaphore(%arg32 : memref<!tpu.dma_semaphore, #tpu.memory_space<semaphore_mem>>) src(%dma_wait3A_158 : memref<10240x64xf32, #tpu.memory_space<hbm>>) dst(%arg13 : memref<64x64xf32, #tpu.memory_space<vmem>>)
      %dma_wait3A_159 = arith.constant 0 : i32
      %dma_wait3A_160 = tpu.memref_slice %arg12[%add3A_152, %dma_wait3A_159] : memref<164x64xi32, #tpu.memory_space<vmem>> -> memref<1x64xi32, #tpu.memory_space<vmem>>
      %dma_wait3A_161 = tpu.memref_squeeze %dma_wait3A_160 : memref<1x64xi32, #tpu.memory_space<vmem>> -> memref<64xi32, #tpu.memory_space<vmem>>
      %dma_wait3A_162 = arith.constant 0 : i32
      %dma_wait3A_163 = arith.constant 0 : i32
      %dma_wait3A_164 = tpu.memref_slice %arg3[%dma_wait3A_162, %dma_wait3A_163] : memref<10240x64xf32, #tpu.memory_space<hbm>> -> memref<10240x64xf32, #tpu.memory_space<hbm>>
      tpu.wait_indirect_dma semaphore(%arg32 : memref<!tpu.dma_semaphore, #tpu.memory_space<semaphore_mem>>) src(%dma_wait3A_164 : memref<10240x64xf32, #tpu.memory_space<hbm>>) dst(%arg14 : memref<64x64xf32, #tpu.memory_space<vmem>>)
      %add3A_165 = arith.constant 4 : i32
      %add3A_166 = arith.addi %add3A_152, %add3A_165 : i32
      %sub3A = arith.constant 1 : i32
      %sub3A_167 = arith.subi %add3A_166, %sub3A : i32
      %dma_start3A_168 = arith.constant 0 : i32
      %dma_start3A_169 = tpu.memref_slice %arg11[%sub3A_167, %dma_start3A_168] : memref<164x64xi32, #tpu.memory_space<vmem>> -> memref<1x64xi32, #tpu.memory_space<vmem>>
      %dma_start3A_170 = tpu.memref_squeeze %dma_start3A_169 : memref<1x64xi32, #tpu.memory_space<vmem>> -> memref<64xi32, #tpu.memory_space<vmem>>
      %dma_start3A_171 = arith.constant 0 : i32
      %dma_start3A_172 = arith.constant 0 : i32
      %dma_start3A_173 = tpu.memref_slice %arg2[%dma_start3A_171, %dma_start3A_172] : memref<10240x64xf32, #tpu.memory_space<hbm>> -> memref<10240x64xf32, #tpu.memory_space<hbm>>
      tpu.enqueue_indirect_dma source(%dma_start3A_173 : memref<10240x64xf32, #tpu.memory_space<hbm>>) target(%arg19 : memref<64x64xf32, #tpu.memory_space<vmem>>) offsets(%dma_start3A_170 : memref<64xi32, #tpu.memory_space<vmem>>) semaphore(%arg35 : memref<!tpu.dma_semaphore, #tpu.memory_space<semaphore_mem>>)
      %dma_start3A_174 = arith.constant 0 : i32
      %dma_start3A_175 = tpu.memref_slice %arg12[%sub3A_167, %dma_start3A_174] : memref<164x64xi32, #tpu.memory_space<vmem>> -> memref<1x64xi32, #tpu.memory_space<vmem>>
      %dma_start3A_176 = tpu.memref_squeeze %dma_start3A_175 : memref<1x64xi32, #tpu.memory_space<vmem>> -> memref<64xi32, #tpu.memory_space<vmem>>
      %dma_start3A_177 = arith.constant 0 : i32
      %dma_start3A_178 = arith.constant 0 : i32
      %dma_start3A_179 = tpu.memref_slice %arg3[%dma_start3A_177, %dma_start3A_178] : memref<10240x64xf32, #tpu.memory_space<hbm>> -> memref<10240x64xf32, #tpu.memory_space<hbm>>
      tpu.enqueue_indirect_dma source(%dma_start3A_179 : memref<10240x64xf32, #tpu.memory_space<hbm>>) target(%arg20 : memref<64x64xf32, #tpu.memory_space<vmem>>) offsets(%dma_start3A_176 : memref<64xi32, #tpu.memory_space<vmem>>) semaphore(%arg35 : memref<!tpu.dma_semaphore, #tpu.memory_space<semaphore_mem>>)
      %ge3A = arith.constant 1 : i32
      %ge3A_180 = arith.cmpi sge, %scan3A_148, %ge3A : i32
      %convert_element_type3A = arith.extui %ge3A_180 : i1 to i32
      %cond3A = arith.constant 0 : i32
      %cond3A_181 = arith.cmpi ne, %convert_element_type3A, %cond3A : i32
      scf.if %cond3A_181 {
        %sub3A_318 = arith.constant 4 : i32
        %sub3A_319 = arith.subi %add3A_152, %sub3A_318 : i32
        %dma_wait3A_320 = arith.constant 0 : i32
        %dma_wait3A_321 = tpu.memref_slice %arg12[%sub3A_319, %dma_wait3A_320] : memref<164x64xi32, #tpu.memory_space<vmem>> -> memref<1x64xi32, #tpu.memory_space<vmem>>
        %dma_wait3A_322 = tpu.memref_squeeze %dma_wait3A_321 : memref<1x64xi32, #tpu.memory_space<vmem>> -> memref<64xi32, #tpu.memory_space<vmem>>
        %dma_wait3A_323 = arith.constant 0 : i32
        %dma_wait3A_324 = arith.constant 0 : i32
        %dma_wait3A_325 = tpu.memref_slice %arg30[%dma_wait3A_323, %dma_wait3A_324] : memref<10240x64xf32, #tpu.memory_space<vmem_shared>> -> memref<10240x64xf32, #tpu.memory_space<vmem_shared>>
        tpu.wait_indirect_dma semaphore(%arg36 : memref<!tpu.dma_semaphore, #tpu.memory_space<semaphore_mem>>) src(%arg21 : memref<64x64xf32, #tpu.memory_space<vmem>>) dst(%dma_wait3A_325 : memref<10240x64xf32, #tpu.memory_space<vmem_shared>>)
        %dma_wait3A_326 = arith.constant 0 : i32
        %dma_wait3A_327 = tpu.memref_slice %arg12[%sub3A_319, %dma_wait3A_326] : memref<164x64xi32, #tpu.memory_space<vmem>> -> memref<1x64xi32, #tpu.memory_space<vmem>>
        %dma_wait3A_328 = tpu.memref_squeeze %dma_wait3A_327 : memref<1x64xi32, #tpu.memory_space<vmem>> -> memref<64xi32, #tpu.memory_space<vmem>>
        %dma_wait3A_329 = arith.constant 0 : i32
        %dma_wait3A_330 = arith.constant 0 : i32
        %dma_wait3A_331 = tpu.memref_slice %arg31[%dma_wait3A_329, %dma_wait3A_330] : memref<10240x16xf32, #tpu.memory_space<vmem_shared>> -> memref<10240x16xf32, #tpu.memory_space<vmem_shared>>
        tpu.wait_indirect_dma semaphore(%arg36 : memref<!tpu.dma_semaphore, #tpu.memory_space<semaphore_mem>>) src(%arg22 : memref<64x16xf32, #tpu.memory_space<vmem>>) dst(%dma_wait3A_331 : memref<10240x16xf32, #tpu.memory_space<vmem_shared>>)
      } else {
      }
      %parallel_loop3A = arith.constant 0 : i32
      %parallel_loop3A_182 = arith.constant 64 : i32
      %parallel_loop3A_183 = arith.constant 1 : i32
      scf.for %parallel_loop3A_318 = %parallel_loop3A to %parallel_loop3A_182 step %parallel_loop3A_183  : i32 {
        %parallel_loop3A_319 = arith.index_cast %parallel_loop3A_318 : i32 to index
        %parallel_loop3A_320 = arith.constant 0 : index
        %parallel_loop3A_321 = tpu.vector_load %arg13[%parallel_loop3A_319, %parallel_loop3A_320] {strides = array<i32>} : memref<64x64xf32, #tpu.memory_space<vmem>>, vector<16xf32>,
        %parallel_loop3A_322 = arith.index_cast %parallel_loop3A_318 : i32 to index
        %parallel_loop3A_323 = arith.constant 16 : index
        %parallel_loop3A_324 = tpu.vector_load %arg13[%parallel_loop3A_322, %parallel_loop3A_323] {strides = array<i32>} : memref<64x64xf32, #tpu.memory_space<vmem>>, vector<16xf32>,
        %parallel_loop3A_325 = arith.index_cast %parallel_loop3A_318 : i32 to index
        %parallel_loop3A_326 = arith.constant 32 : index
        %parallel_loop3A_327 = tpu.vector_load %arg13[%parallel_loop3A_325, %parallel_loop3A_326] {strides = array<i32>} : memref<64x64xf32, #tpu.memory_space<vmem>>, vector<16xf32>,
        %parallel_loop3A_328 = arith.index_cast %parallel_loop3A_318 : i32 to index
        %parallel_loop3A_329 = arith.constant 48 : index
        %parallel_loop3A_330 = tpu.vector_load %arg13[%parallel_loop3A_328, %parallel_loop3A_329] {strides = array<i32>} : memref<64x64xf32, #tpu.memory_space<vmem>>, vector<16xf32>,
        %parallel_loop3A_331 = arith.index_cast %parallel_loop3A_318 : i32 to index
        %parallel_loop3A_332 = arith.constant 0 : index
        %parallel_loop3A_333 = tpu.vector_load %arg14[%parallel_loop3A_331, %parallel_loop3A_332] {strides = array<i32>} : memref<64x64xf32, #tpu.memory_space<vmem>>, vector<16xf32>,
        %parallel_loop3A_334 = arith.index_cast %parallel_loop3A_318 : i32 to index
        %parallel_loop3A_335 = arith.constant 16 : index
        %parallel_loop3A_336 = tpu.vector_load %arg14[%parallel_loop3A_334, %parallel_loop3A_335] {strides = array<i32>} : memref<64x64xf32, #tpu.memory_space<vmem>>, vector<16xf32>,
        %parallel_loop3A_337 = arith.index_cast %parallel_loop3A_318 : i32 to index
        %parallel_loop3A_338 = arith.constant 32 : index
        %parallel_loop3A_339 = tpu.vector_load %arg14[%parallel_loop3A_337, %parallel_loop3A_338] {strides = array<i32>} : memref<64x64xf32, #tpu.memory_space<vmem>>, vector<16xf32>,
        %parallel_loop3A_340 = arith.index_cast %parallel_loop3A_318 : i32 to index
        %parallel_loop3A_341 = arith.constant 48 : index
        %parallel_loop3A_342 = tpu.vector_load %arg14[%parallel_loop3A_340, %parallel_loop3A_341] {strides = array<i32>} : memref<64x64xf32, #tpu.memory_space<vmem>>, vector<16xf32>,
        %parallel_loop3A_343 = arith.addf %parallel_loop3A_321, %parallel_loop3A_333 : vector<16xf32>
        %parallel_loop3A_344 = arith.addf %parallel_loop3A_324, %parallel_loop3A_336 : vector<16xf32>
        %parallel_loop3A_345 = arith.addf %parallel_loop3A_327, %parallel_loop3A_339 : vector<16xf32>
        %parallel_loop3A_346 = arith.addf %parallel_loop3A_330, %parallel_loop3A_342 : vector<16xf32>
        %parallel_loop3A_347 = arith.constant 2.000000e-01 : f32
        %parallel_loop3A_348 = vector.broadcast %parallel_loop3A_347 : f32 to vector<16xf32>
        %parallel_loop3A_349 = arith.mulf %parallel_loop3A_343, %parallel_loop3A_348 : vector<16xf32>
        %parallel_loop3A_350 = arith.maximumf %parallel_loop3A_343, %parallel_loop3A_349 : vector<16xf32>
        %parallel_loop3A_351 = arith.constant 2.000000e-01 : f32
        %parallel_loop3A_352 = vector.broadcast %parallel_loop3A_351 : f32 to vector<16xf32>
        %parallel_loop3A_353 = arith.mulf %parallel_loop3A_344, %parallel_loop3A_352 : vector<16xf32>
        %parallel_loop3A_354 = arith.maximumf %parallel_loop3A_344, %parallel_loop3A_353 : vector<16xf32>
        %parallel_loop3A_355 = arith.constant 2.000000e-01 : f32
        %parallel_loop3A_356 = vector.broadcast %parallel_loop3A_355 : f32 to vector<16xf32>
        %parallel_loop3A_357 = arith.mulf %parallel_loop3A_345, %parallel_loop3A_356 : vector<16xf32>
        %parallel_loop3A_358 = arith.maximumf %parallel_loop3A_345, %parallel_loop3A_357 : vector<16xf32>
        %parallel_loop3A_359 = arith.constant 2.000000e-01 : f32
        %parallel_loop3A_360 = vector.broadcast %parallel_loop3A_359 : f32 to vector<16xf32>
        %parallel_loop3A_361 = arith.mulf %parallel_loop3A_346, %parallel_loop3A_360 : vector<16xf32>
        %parallel_loop3A_362 = arith.maximumf %parallel_loop3A_346, %parallel_loop3A_361 : vector<16xf32>
        %parallel_loop3A_363 = arith.mulf %parallel_loop3A_350, %get3A_9 : vector<16xf32>
        %parallel_loop3A_364 = arith.mulf %parallel_loop3A_354, %get3A_11 : vector<16xf32>
        %parallel_loop3A_365 = arith.addf %parallel_loop3A_363, %parallel_loop3A_364 : vector<16xf32>
        %parallel_loop3A_366 = arith.mulf %parallel_loop3A_358, %get3A_13 : vector<16xf32>
        %parallel_loop3A_367 = arith.mulf %parallel_loop3A_362, %get3A_15 : vector<16xf32>
        %parallel_loop3A_368 = arith.addf %parallel_loop3A_366, %parallel_loop3A_367 : vector<16xf32>
        %parallel_loop3A_369 = vector.shape_cast %xor3A_29 : vector<16xi32> to vector<16x1xi32>
        %parallel_loop3A_370 = vector.shape_cast %parallel_loop3A_369 : vector<16x1xi32> to vector<16xi32>
        %parallel_loop3A_371 = tpu.dynamic_gather %parallel_loop3A_365[%parallel_loop3A_370] in [0] : vector<16xf32>, vector<16xi32> -> vector<16xf32>
        %parallel_loop3A_372 = arith.addf %parallel_loop3A_365, %parallel_loop3A_371 : vector<16xf32>
        %parallel_loop3A_373 = vector.shape_cast %xor3A_32 : vector<16xi32> to vector<16x1xi32>
        %parallel_loop3A_374 = vector.shape_cast %parallel_loop3A_373 : vector<16x1xi32> to vector<16xi32>
        %parallel_loop3A_375 = tpu.dynamic_gather %parallel_loop3A_372[%parallel_loop3A_374] in [0] : vector<16xf32>, vector<16xi32> -> vector<16xf32>
        %parallel_loop3A_376 = arith.addf %parallel_loop3A_372, %parallel_loop3A_375 : vector<16xf32>
        %parallel_loop3A_377 = vector.shape_cast %xor3A_35 : vector<16xi32> to vector<16x1xi32>
        %parallel_loop3A_378 = vector.shape_cast %parallel_loop3A_377 : vector<16x1xi32> to vector<16xi32>
        %parallel_loop3A_379 = tpu.dynamic_gather %parallel_loop3A_376[%parallel_loop3A_378] in [0] : vector<16xf32>, vector<16xi32> -> vector<16xf32>
        %parallel_loop3A_380 = arith.addf %parallel_loop3A_376, %parallel_loop3A_379 : vector<16xf32>
        %parallel_loop3A_381 = vector.shape_cast %xor3A_38 : vector<16xi32> to vector<16x1xi32>
        %parallel_loop3A_382 = vector.shape_cast %parallel_loop3A_381 : vector<16x1xi32> to vector<16xi32>
        %parallel_loop3A_383 = tpu.dynamic_gather %parallel_loop3A_380[%parallel_loop3A_382] in [0] : vector<16xf32>, vector<16xi32> -> vector<16xf32>
        %parallel_loop3A_384 = arith.addf %parallel_loop3A_380, %parallel_loop3A_383 : vector<16xf32>
        %parallel_loop3A_385 = math.exp %parallel_loop3A_384 : vector<16xf32>
        %parallel_loop3A_386 = vector.shape_cast %xor3A_29 : vector<16xi32> to vector<16x1xi32>
        %parallel_loop3A_387 = vector.shape_cast %parallel_loop3A_386 : vector<16x1xi32> to vector<16xi32>
        %parallel_loop3A_388 = tpu.dynamic_gather %parallel_loop3A_368[%parallel_loop3A_387] in [0] : vector<16xf32>, vector<16xi32> -> vector<16xf32>
        %parallel_loop3A_389 = arith.addf %parallel_loop3A_368, %parallel_loop3A_388 : vector<16xf32>
        %parallel_loop3A_390 = vector.shape_cast %xor3A_32 : vector<16xi32> to vector<16x1xi32>
        %parallel_loop3A_391 = vector.shape_cast %parallel_loop3A_390 : vector<16x1xi32> to vector<16xi32>
        %parallel_loop3A_392 = tpu.dynamic_gather %parallel_loop3A_389[%parallel_loop3A_391] in [0] : vector<16xf32>, vector<16xi32> -> vector<16xf32>
        %parallel_loop3A_393 = arith.addf %parallel_loop3A_389, %parallel_loop3A_392 : vector<16xf32>
        %parallel_loop3A_394 = vector.shape_cast %xor3A_35 : vector<16xi32> to vector<16x1xi32>
        %parallel_loop3A_395 = vector.shape_cast %parallel_loop3A_394 : vector<16x1xi32> to vector<16xi32>
        %parallel_loop3A_396 = tpu.dynamic_gather %parallel_loop3A_393[%parallel_loop3A_395] in [0] : vector<16xf32>, vector<16xi32> -> vector<16xf32>
        %parallel_loop3A_397 = arith.addf %parallel_loop3A_393, %parallel_loop3A_396 : vector<16xf32>
        %parallel_loop3A_398 = vector.shape_cast %xor3A_38 : vector<16xi32> to vector<16x1xi32>
        %parallel_loop3A_399 = vector.shape_cast %parallel_loop3A_398 : vector<16x1xi32> to vector<16xi32>
        %parallel_loop3A_400 = tpu.dynamic_gather %parallel_loop3A_397[%parallel_loop3A_399] in [0] : vector<16xf32>, vector<16xi32> -> vector<16xf32>
        %parallel_loop3A_401 = arith.addf %parallel_loop3A_397, %parallel_loop3A_400 : vector<16xf32>
        %parallel_loop3A_402 = math.exp %parallel_loop3A_401 : vector<16xf32>
        %parallel_loop3A_403 = arith.mulf %parallel_loop3A_385, %parallel_loop3A_321 : vector<16xf32>
        %parallel_loop3A_404 = arith.index_cast %parallel_loop3A_318 : i32 to index
        %parallel_loop3A_405 = arith.constant 0 : index
        %parallel_loop3A_406 = tpu.vector_load %arg21[%parallel_loop3A_404, %parallel_loop3A_405] {strides = array<i32>} : memref<64x64xf32, #tpu.memory_space<vmem>>, vector<16xf32>,
        tpu.vector_store %arg21[%parallel_loop3A_404, %parallel_loop3A_405], %parallel_loop3A_403 {strides = array<i32>} : memref<64x64xf32, #tpu.memory_space<vmem>>, vector<16xf32>,
        %parallel_loop3A_407 = arith.mulf %parallel_loop3A_385, %parallel_loop3A_324 : vector<16xf32>
        %parallel_loop3A_408 = arith.index_cast %parallel_loop3A_318 : i32 to index
        %parallel_loop3A_409 = arith.constant 16 : index
        %parallel_loop3A_410 = tpu.vector_load %arg21[%parallel_loop3A_408, %parallel_loop3A_409] {strides = array<i32>} : memref<64x64xf32, #tpu.memory_space<vmem>>, vector<16xf32>,
        tpu.vector_store %arg21[%parallel_loop3A_408, %parallel_loop3A_409], %parallel_loop3A_407 {strides = array<i32>} : memref<64x64xf32, #tpu.memory_space<vmem>>, vector<16xf32>,
        %parallel_loop3A_411 = arith.mulf %parallel_loop3A_402, %parallel_loop3A_327 : vector<16xf32>
        %parallel_loop3A_412 = arith.index_cast %parallel_loop3A_318 : i32 to index
        %parallel_loop3A_413 = arith.constant 32 : index
        %parallel_loop3A_414 = tpu.vector_load %arg21[%parallel_loop3A_412, %parallel_loop3A_413] {strides = array<i32>} : memref<64x64xf32, #tpu.memory_space<vmem>>, vector<16xf32>,
        tpu.vector_store %arg21[%parallel_loop3A_412, %parallel_loop3A_413], %parallel_loop3A_411 {strides = array<i32>} : memref<64x64xf32, #tpu.memory_space<vmem>>, vector<16xf32>,
        %parallel_loop3A_415 = arith.mulf %parallel_loop3A_402, %parallel_loop3A_330 : vector<16xf32>
        %parallel_loop3A_416 = arith.index_cast %parallel_loop3A_318 : i32 to index
        %parallel_loop3A_417 = arith.constant 48 : index
        %parallel_loop3A_418 = tpu.vector_load %arg21[%parallel_loop3A_416, %parallel_loop3A_417] {strides = array<i32>} : memref<64x64xf32, #tpu.memory_space<vmem>>, vector<16xf32>,
        tpu.vector_store %arg21[%parallel_loop3A_416, %parallel_loop3A_417], %parallel_loop3A_415 {strides = array<i32>} : memref<64x64xf32, #tpu.memory_space<vmem>>, vector<16xf32>,
        %parallel_loop3A_419 = arith.mulf %parallel_loop3A_385, %select_n3A : vector<16xf32>
        %parallel_loop3A_420 = arith.mulf %parallel_loop3A_402, %select_n3A_27 : vector<16xf32>
        %parallel_loop3A_421 = arith.addf %parallel_loop3A_419, %parallel_loop3A_420 : vector<16xf32>
        %parallel_loop3A_422 = arith.index_cast %parallel_loop3A_318 : i32 to index
        %parallel_loop3A_423 = arith.constant 0 : index
        %parallel_loop3A_424 = tpu.vector_load %arg22[%parallel_loop3A_422, %parallel_loop3A_423] {strides = array<i32>} : memref<64x16xf32, #tpu.memory_space<vmem>>, vector<16xf32>,
        tpu.vector_store %arg22[%parallel_loop3A_422, %parallel_loop3A_423], %parallel_loop3A_421 {strides = array<i32>} : memref<64x16xf32, #tpu.memory_space<vmem>>, vector<16xf32>,
      } {sc.loop_unroll_factor = 8 : i64, sc.parallel_access}
      %dma_start3A_184 = arith.constant 0 : i32
      %dma_start3A_185 = tpu.memref_slice %arg12[%add3A_152, %dma_start3A_184] : memref<164x64xi32, #tpu.memory_space<vmem>> -> memref<1x64xi32, #tpu.memory_space<vmem>>
      %dma_start3A_186 = tpu.memref_squeeze %dma_start3A_185 : memref<1x64xi32, #tpu.memory_space<vmem>> -> memref<64xi32, #tpu.memory_space<vmem>>
      %dma_start3A_187 = arith.constant 0 : i32
      %dma_start3A_188 = arith.constant 0 : i32
      %dma_start3A_189 = tpu.memref_slice %arg30[%dma_start3A_187, %dma_start3A_188] : memref<10240x64xf32, #tpu.memory_space<vmem_shared>> -> memref<10240x64xf32, #tpu.memory_space<vmem_shared>>
      tpu.enqueue_indirect_dma source(%arg21 : memref<64x64xf32, #tpu.memory_space<vmem>>) target(%dma_start3A_189 : memref<10240x64xf32, #tpu.memory_space<vmem_shared>>) offsets(%dma_start3A_186 : memref<64xi32, #tpu.memory_space<vmem>>) semaphore(%arg36 : memref<!tpu.dma_semaphore, #tpu.memory_space<semaphore_mem>>) {add = true}
      %dma_start3A_190 = arith.constant 0 : i32
      %dma_start3A_191 = tpu.memref_slice %arg12[%add3A_152, %dma_start3A_190] : memref<164x64xi32, #tpu.memory_space<vmem>> -> memref<1x64xi32, #tpu.memory_space<vmem>>
      %dma_start3A_192 = tpu.memref_squeeze %dma_start3A_191 : memref<1x64xi32, #tpu.memory_space<vmem>> -> memref<64xi32, #tpu.memory_space<vmem>>
      %dma_start3A_193 = arith.constant 0 : i32
      %dma_start3A_194 = arith.constant 0 : i32
      %dma_start3A_195 = tpu.memref_slice %arg31[%dma_start3A_193, %dma_start3A_194] : memref<10240x16xf32, #tpu.memory_space<vmem_shared>> -> memref<10240x16xf32, #tpu.memory_space<vmem_shared>>
      tpu.enqueue_indirect_dma source(%arg22 : memref<64x16xf32, #tpu.memory_space<vmem>>) target(%dma_start3A_195 : memref<10240x16xf32, #tpu.memory_space<vmem_shared>>) offsets(%dma_start3A_192 : memref<64xi32, #tpu.memory_space<vmem>>) semaphore(%arg36 : memref<!tpu.dma_semaphore, #tpu.memory_space<semaphore_mem>>) {add = true}
      %mul3A_196 = arith.constant 4 : i32
      %mul3A_197 = arith.muli %scan3A_148, %mul3A_196 : i32
      %add3A_198 = arith.constant 1 : i32
      %add3A_199 = arith.addi %mul3A_197, %add3A_198 : i32
      %dma_wait3A_200 = arith.constant 0 : i32
      %dma_wait3A_201 = tpu.memref_slice %arg11[%add3A_199, %dma_wait3A_200] : memref<164x64xi32, #tpu.memory_space<vmem>> -> memref<1x64xi32, #tpu.memory_space<vmem>>
      %dma_wait3A_202 = tpu.memref_squeeze %dma_wait3A_201 : memref<1x64xi32, #tpu.memory_space<vmem>> -> memref<64xi32, #tpu.memory_space<vmem>>
      %dma_wait3A_203 = arith.constant 0 : i32
      %dma_wait3A_204 = arith.constant 0 : i32
      %dma_wait3A_205 = tpu.memref_slice %arg2[%dma_wait3A_203, %dma_wait3A_204] : memref<10240x64xf32, #tpu.memory_space<hbm>> -> memref<10240x64xf32, #tpu.memory_space<hbm>>
      tpu.wait_indirect_dma semaphore(%arg33 : memref<!tpu.dma_semaphore, #tpu.memory_space<semaphore_mem>>) src(%dma_wait3A_205 : memref<10240x64xf32, #tpu.memory_space<hbm>>) dst(%arg15 : memref<64x64xf32, #tpu.memory_space<vmem>>)
      %dma_wait3A_206 = arith.constant 0 : i32
      %dma_wait3A_207 = tpu.memref_slice %arg12[%add3A_199, %dma_wait3A_206] : memref<164x64xi32, #tpu.memory_space<vmem>> -> memref<1x64xi32, #tpu.memory_space<vmem>>
      %dma_wait3A_208 = tpu.memref_squeeze %dma_wait3A_207 : memref<1x64xi32, #tpu.memory_space<vmem>> -> memref<64xi32, #tpu.memory_space<vmem>>
      %dma_wait3A_209 = arith.constant 0 : i32
      %dma_wait3A_210 = arith.constant 0 : i32
      %dma_wait3A_211 = tpu.memref_slice %arg3[%dma_wait3A_209, %dma_wait3A_210] : memref<10240x64xf32, #tpu.memory_space<hbm>> -> memref<10240x64xf32, #tpu.memory_space<hbm>>
      tpu.wait_indirect_dma semaphore(%arg33 : memref<!tpu.dma_semaphore, #tpu.memory_space<semaphore_mem>>) src(%dma_wait3A_211 : memref<10240x64xf32, #tpu.memory_space<hbm>>) dst(%arg16 : memref<64x64xf32, #tpu.memory_space<vmem>>)
      %lt3A = arith.constant 40 : i32
      %lt3A_212 = arith.cmpi slt, %scan3A_148, %lt3A : i32
      %convert_element_type3A_213 = arith.extui %lt3A_212 : i1 to i32
      %cond3A_214 = arith.constant 0 : i32
      %cond3A_215 = arith.cmpi ne, %convert_element_type3A_213, %cond3A_214 : i32
      scf.if %cond3A_215 {
        %add3A_318 = arith.constant 4 : i32
        %add3A_319 = arith.addi %add3A_199, %add3A_318 : i32
        %sub3A_320 = arith.constant 1 : i32
        %sub3A_321 = arith.subi %add3A_319, %sub3A_320 : i32
        %dma_start3A_322 = arith.constant 0 : i32
        %dma_start3A_323 = tpu.memref_slice %arg11[%sub3A_321, %dma_start3A_322] : memref<164x64xi32, #tpu.memory_space<vmem>> -> memref<1x64xi32, #tpu.memory_space<vmem>>
        %dma_start3A_324 = tpu.memref_squeeze %dma_start3A_323 : memref<1x64xi32, #tpu.memory_space<vmem>> -> memref<64xi32, #tpu.memory_space<vmem>>
        %dma_start3A_325 = arith.constant 0 : i32
        %dma_start3A_326 = arith.constant 0 : i32
        %dma_start3A_327 = tpu.memref_slice %arg2[%dma_start3A_325, %dma_start3A_326] : memref<10240x64xf32, #tpu.memory_space<hbm>> -> memref<10240x64xf32, #tpu.memory_space<hbm>>
        tpu.enqueue_indirect_dma source(%dma_start3A_327 : memref<10240x64xf32, #tpu.memory_space<hbm>>) target(%arg13 : memref<64x64xf32, #tpu.memory_space<vmem>>) offsets(%dma_start3A_324 : memref<64xi32, #tpu.memory_space<vmem>>) semaphore(%arg32 : memref<!tpu.dma_semaphore, #tpu.memory_space<semaphore_mem>>)
        %dma_start3A_328 = arith.constant 0 : i32
        %dma_start3A_329 = tpu.memref_slice %arg12[%sub3A_321, %dma_start3A_328] : memref<164x64xi32, #tpu.memory_space<vmem>> -> memref<1x64xi32, #tpu.memory_space<vmem>>
        %dma_start3A_330 = tpu.memref_squeeze %dma_start3A_329 : memref<1x64xi32, #tpu.memory_space<vmem>> -> memref<64xi32, #tpu.memory_space<vmem>>
        %dma_start3A_331 = arith.constant 0 : i32
        %dma_start3A_332 = arith.constant 0 : i32
        %dma_start3A_333 = tpu.memref_slice %arg3[%dma_start3A_331, %dma_start3A_332] : memref<10240x64xf32, #tpu.memory_space<hbm>> -> memref<10240x64xf32, #tpu.memory_space<hbm>>
        tpu.enqueue_indirect_dma source(%dma_start3A_333 : memref<10240x64xf32, #tpu.memory_space<hbm>>) target(%arg14 : memref<64x64xf32, #tpu.memory_space<vmem>>) offsets(%dma_start3A_330 : memref<64xi32, #tpu.memory_space<vmem>>) semaphore(%arg32 : memref<!tpu.dma_semaphore, #tpu.memory_space<semaphore_mem>>)
      } else {
      }
      %ge3A_216 = arith.constant 1 : i32
      %ge3A_217 = arith.cmpi sge, %scan3A_148, %ge3A_216 : i32
      %convert_element_type3A_218 = arith.extui %ge3A_217 : i1 to i32
      %cond3A_219 = arith.constant 0 : i32
      %cond3A_220 = arith.cmpi ne, %convert_element_type3A_218, %cond3A_219 : i32
      scf.if %cond3A_220 {
        %sub3A_318 = arith.constant 4 : i32
        %sub3A_319 = arith.subi %add3A_199, %sub3A_318 : i32
        %dma_wait3A_320 = arith.constant 0 : i32
        %dma_wait3A_321 = tpu.memref_slice %arg12[%sub3A_319, %dma_wait3A_320] : memref<164x64xi32, #tpu.memory_space<vmem>> -> memref<1x64xi32, #tpu.memory_space<vmem>>
        %dma_wait3A_322 = tpu.memref_squeeze %dma_wait3A_321 : memref<1x64xi32, #tpu.memory_space<vmem>> -> memref<64xi32, #tpu.memory_space<vmem>>
        %dma_wait3A_323 = arith.constant 0 : i32
        %dma_wait3A_324 = arith.constant 0 : i32
        %dma_wait3A_325 = tpu.memref_slice %arg30[%dma_wait3A_323, %dma_wait3A_324] : memref<10240x64xf32, #tpu.memory_space<vmem_shared>> -> memref<10240x64xf32, #tpu.memory_space<vmem_shared>>
        tpu.wait_indirect_dma semaphore(%arg37 : memref<!tpu.dma_semaphore, #tpu.memory_space<semaphore_mem>>) src(%arg23 : memref<64x64xf32, #tpu.memory_space<vmem>>) dst(%dma_wait3A_325 : memref<10240x64xf32, #tpu.memory_space<vmem_shared>>)
        %dma_wait3A_326 = arith.constant 0 : i32
        %dma_wait3A_327 = tpu.memref_slice %arg12[%sub3A_319, %dma_wait3A_326] : memref<164x64xi32, #tpu.memory_space<vmem>> -> memref<1x64xi32, #tpu.memory_space<vmem>>
        %dma_wait3A_328 = tpu.memref_squeeze %dma_wait3A_327 : memref<1x64xi32, #tpu.memory_space<vmem>> -> memref<64xi32, #tpu.memory_space<vmem>>
        %dma_wait3A_329 = arith.constant 0 : i32
        %dma_wait3A_330 = arith.constant 0 : i32
        %dma_wait3A_331 = tpu.memref_slice %arg31[%dma_wait3A_329, %dma_wait3A_330] : memref<10240x16xf32, #tpu.memory_space<vmem_shared>> -> memref<10240x16xf32, #tpu.memory_space<vmem_shared>>
        tpu.wait_indirect_dma semaphore(%arg37 : memref<!tpu.dma_semaphore, #tpu.memory_space<semaphore_mem>>) src(%arg24 : memref<64x16xf32, #tpu.memory_space<vmem>>) dst(%dma_wait3A_331 : memref<10240x16xf32, #tpu.memory_space<vmem_shared>>)
      } else {
      }
      %parallel_loop3A_221 = arith.constant 0 : i32
      %parallel_loop3A_222 = arith.constant 64 : i32
      %parallel_loop3A_223 = arith.constant 1 : i32
      scf.for %parallel_loop3A_318 = %parallel_loop3A_221 to %parallel_loop3A_222 step %parallel_loop3A_223  : i32 {
        %parallel_loop3A_319 = arith.index_cast %parallel_loop3A_318 : i32 to index
        %parallel_loop3A_320 = arith.constant 0 : index
        %parallel_loop3A_321 = tpu.vector_load %arg15[%parallel_loop3A_319, %parallel_loop3A_320] {strides = array<i32>} : memref<64x64xf32, #tpu.memory_space<vmem>>, vector<16xf32>,
        %parallel_loop3A_322 = arith.index_cast %parallel_loop3A_318 : i32 to index
        %parallel_loop3A_323 = arith.constant 16 : index
        %parallel_loop3A_324 = tpu.vector_load %arg15[%parallel_loop3A_322, %parallel_loop3A_323] {strides = array<i32>} : memref<64x64xf32, #tpu.memory_space<vmem>>, vector<16xf32>,
        %parallel_loop3A_325 = arith.index_cast %parallel_loop3A_318 : i32 to index
        %parallel_loop3A_326 = arith.constant 32 : index
        %parallel_loop3A_327 = tpu.vector_load %arg15[%parallel_loop3A_325, %parallel_loop3A_326] {strides = array<i32>} : memref<64x64xf32, #tpu.memory_space<vmem>>, vector<16xf32>,
        %parallel_loop3A_328 = arith.index_cast %parallel_loop3A_318 : i32 to index
        %parallel_loop3A_329 = arith.constant 48 : index
        %parallel_loop3A_330 = tpu.vector_load %arg15[%parallel_loop3A_328, %parallel_loop3A_329] {strides = array<i32>} : memref<64x64xf32, #tpu.memory_space<vmem>>, vector<16xf32>,
        %parallel_loop3A_331 = arith.index_cast %parallel_loop3A_318 : i32 to index
        %parallel_loop3A_332 = arith.constant 0 : index
        %parallel_loop3A_333 = tpu.vector_load %arg16[%parallel_loop3A_331, %parallel_loop3A_332] {strides = array<i32>} : memref<64x64xf32, #tpu.memory_space<vmem>>, vector<16xf32>,
        %parallel_loop3A_334 = arith.index_cast %parallel_loop3A_318 : i32 to index
        %parallel_loop3A_335 = arith.constant 16 : index
        %parallel_loop3A_336 = tpu.vector_load %arg16[%parallel_loop3A_334, %parallel_loop3A_335] {strides = array<i32>} : memref<64x64xf32, #tpu.memory_space<vmem>>, vector<16xf32>,
        %parallel_loop3A_337 = arith.index_cast %parallel_loop3A_318 : i32 to index
        %parallel_loop3A_338 = arith.constant 32 : index
        %parallel_loop3A_339 = tpu.vector_load %arg16[%parallel_loop3A_337, %parallel_loop3A_338] {strides = array<i32>} : memref<64x64xf32, #tpu.memory_space<vmem>>, vector<16xf32>,
        %parallel_loop3A_340 = arith.index_cast %parallel_loop3A_318 : i32 to index
        %parallel_loop3A_341 = arith.constant 48 : index
        %parallel_loop3A_342 = tpu.vector_load %arg16[%parallel_loop3A_340, %parallel_loop3A_341] {strides = array<i32>} : memref<64x64xf32, #tpu.memory_space<vmem>>, vector<16xf32>,
        %parallel_loop3A_343 = arith.addf %parallel_loop3A_321, %parallel_loop3A_333 : vector<16xf32>
        %parallel_loop3A_344 = arith.addf %parallel_loop3A_324, %parallel_loop3A_336 : vector<16xf32>
        %parallel_loop3A_345 = arith.addf %parallel_loop3A_327, %parallel_loop3A_339 : vector<16xf32>
        %parallel_loop3A_346 = arith.addf %parallel_loop3A_330, %parallel_loop3A_342 : vector<16xf32>
        %parallel_loop3A_347 = arith.constant 2.000000e-01 : f32
        %parallel_loop3A_348 = vector.broadcast %parallel_loop3A_347 : f32 to vector<16xf32>
        %parallel_loop3A_349 = arith.mulf %parallel_loop3A_343, %parallel_loop3A_348 : vector<16xf32>
        %parallel_loop3A_350 = arith.maximumf %parallel_loop3A_343, %parallel_loop3A_349 : vector<16xf32>
        %parallel_loop3A_351 = arith.constant 2.000000e-01 : f32
        %parallel_loop3A_352 = vector.broadcast %parallel_loop3A_351 : f32 to vector<16xf32>
        %parallel_loop3A_353 = arith.mulf %parallel_loop3A_344, %parallel_loop3A_352 : vector<16xf32>
        %parallel_loop3A_354 = arith.maximumf %parallel_loop3A_344, %parallel_loop3A_353 : vector<16xf32>
        %parallel_loop3A_355 = arith.constant 2.000000e-01 : f32
        %parallel_loop3A_356 = vector.broadcast %parallel_loop3A_355 : f32 to vector<16xf32>
        %parallel_loop3A_357 = arith.mulf %parallel_loop3A_345, %parallel_loop3A_356 : vector<16xf32>
        %parallel_loop3A_358 = arith.maximumf %parallel_loop3A_345, %parallel_loop3A_357 : vector<16xf32>
        %parallel_loop3A_359 = arith.constant 2.000000e-01 : f32
        %parallel_loop3A_360 = vector.broadcast %parallel_loop3A_359 : f32 to vector<16xf32>
        %parallel_loop3A_361 = arith.mulf %parallel_loop3A_346, %parallel_loop3A_360 : vector<16xf32>
        %parallel_loop3A_362 = arith.maximumf %parallel_loop3A_346, %parallel_loop3A_361 : vector<16xf32>
        %parallel_loop3A_363 = arith.mulf %parallel_loop3A_350, %get3A_9 : vector<16xf32>
        %parallel_loop3A_364 = arith.mulf %parallel_loop3A_354, %get3A_11 : vector<16xf32>
        %parallel_loop3A_365 = arith.addf %parallel_loop3A_363, %parallel_loop3A_364 : vector<16xf32>
        %parallel_loop3A_366 = arith.mulf %parallel_loop3A_358, %get3A_13 : vector<16xf32>
        %parallel_loop3A_367 = arith.mulf %parallel_loop3A_362, %get3A_15 : vector<16xf32>
        %parallel_loop3A_368 = arith.addf %parallel_loop3A_366, %parallel_loop3A_367 : vector<16xf32>
        %parallel_loop3A_369 = vector.shape_cast %xor3A_29 : vector<16xi32> to vector<16x1xi32>
        %parallel_loop3A_370 = vector.shape_cast %parallel_loop3A_369 : vector<16x1xi32> to vector<16xi32>
        %parallel_loop3A_371 = tpu.dynamic_gather %parallel_loop3A_365[%parallel_loop3A_370] in [0] : vector<16xf32>, vector<16xi32> -> vector<16xf32>
        %parallel_loop3A_372 = arith.addf %parallel_loop3A_365, %parallel_loop3A_371 : vector<16xf32>
        %parallel_loop3A_373 = vector.shape_cast %xor3A_32 : vector<16xi32> to vector<16x1xi32>
        %parallel_loop3A_374 = vector.shape_cast %parallel_loop3A_373 : vector<16x1xi32> to vector<16xi32>
        %parallel_loop3A_375 = tpu.dynamic_gather %parallel_loop3A_372[%parallel_loop3A_374] in [0] : vector<16xf32>, vector<16xi32> -> vector<16xf32>
        %parallel_loop3A_376 = arith.addf %parallel_loop3A_372, %parallel_loop3A_375 : vector<16xf32>
        %parallel_loop3A_377 = vector.shape_cast %xor3A_35 : vector<16xi32> to vector<16x1xi32>
        %parallel_loop3A_378 = vector.shape_cast %parallel_loop3A_377 : vector<16x1xi32> to vector<16xi32>
        %parallel_loop3A_379 = tpu.dynamic_gather %parallel_loop3A_376[%parallel_loop3A_378] in [0] : vector<16xf32>, vector<16xi32> -> vector<16xf32>
        %parallel_loop3A_380 = arith.addf %parallel_loop3A_376, %parallel_loop3A_379 : vector<16xf32>
        %parallel_loop3A_381 = vector.shape_cast %xor3A_38 : vector<16xi32> to vector<16x1xi32>
        %parallel_loop3A_382 = vector.shape_cast %parallel_loop3A_381 : vector<16x1xi32> to vector<16xi32>
        %parallel_loop3A_383 = tpu.dynamic_gather %parallel_loop3A_380[%parallel_loop3A_382] in [0] : vector<16xf32>, vector<16xi32> -> vector<16xf32>
        %parallel_loop3A_384 = arith.addf %parallel_loop3A_380, %parallel_loop3A_383 : vector<16xf32>
        %parallel_loop3A_385 = math.exp %parallel_loop3A_384 : vector<16xf32>
        %parallel_loop3A_386 = vector.shape_cast %xor3A_29 : vector<16xi32> to vector<16x1xi32>
        %parallel_loop3A_387 = vector.shape_cast %parallel_loop3A_386 : vector<16x1xi32> to vector<16xi32>
        %parallel_loop3A_388 = tpu.dynamic_gather %parallel_loop3A_368[%parallel_loop3A_387] in [0] : vector<16xf32>, vector<16xi32> -> vector<16xf32>
        %parallel_loop3A_389 = arith.addf %parallel_loop3A_368, %parallel_loop3A_388 : vector<16xf32>
        %parallel_loop3A_390 = vector.shape_cast %xor3A_32 : vector<16xi32> to vector<16x1xi32>
        %parallel_loop3A_391 = vector.shape_cast %parallel_loop3A_390 : vector<16x1xi32> to vector<16xi32>
        %parallel_loop3A_392 = tpu.dynamic_gather %parallel_loop3A_389[%parallel_loop3A_391] in [0] : vector<16xf32>, vector<16xi32> -> vector<16xf32>
        %parallel_loop3A_393 = arith.addf %parallel_loop3A_389, %parallel_loop3A_392 : vector<16xf32>
        %parallel_loop3A_394 = vector.shape_cast %xor3A_35 : vector<16xi32> to vector<16x1xi32>
        %parallel_loop3A_395 = vector.shape_cast %parallel_loop3A_394 : vector<16x1xi32> to vector<16xi32>
        %parallel_loop3A_396 = tpu.dynamic_gather %parallel_loop3A_393[%parallel_loop3A_395] in [0] : vector<16xf32>, vector<16xi32> -> vector<16xf32>
        %parallel_loop3A_397 = arith.addf %parallel_loop3A_393, %parallel_loop3A_396 : vector<16xf32>
        %parallel_loop3A_398 = vector.shape_cast %xor3A_38 : vector<16xi32> to vector<16x1xi32>
        %parallel_loop3A_399 = vector.shape_cast %parallel_loop3A_398 : vector<16x1xi32> to vector<16xi32>
        %parallel_loop3A_400 = tpu.dynamic_gather %parallel_loop3A_397[%parallel_loop3A_399] in [0] : vector<16xf32>, vector<16xi32> -> vector<16xf32>
        %parallel_loop3A_401 = arith.addf %parallel_loop3A_397, %parallel_loop3A_400 : vector<16xf32>
        %parallel_loop3A_402 = math.exp %parallel_loop3A_401 : vector<16xf32>
        %parallel_loop3A_403 = arith.mulf %parallel_loop3A_385, %parallel_loop3A_321 : vector<16xf32>
        %parallel_loop3A_404 = arith.index_cast %parallel_loop3A_318 : i32 to index
        %parallel_loop3A_405 = arith.constant 0 : index
        %parallel_loop3A_406 = tpu.vector_load %arg23[%parallel_loop3A_404, %parallel_loop3A_405] {strides = array<i32>} : memref<64x64xf32, #tpu.memory_space<vmem>>, vector<16xf32>,
        tpu.vector_store %arg23[%parallel_loop3A_404, %parallel_loop3A_405], %parallel_loop3A_403 {strides = array<i32>} : memref<64x64xf32, #tpu.memory_space<vmem>>, vector<16xf32>,
        %parallel_loop3A_407 = arith.mulf %parallel_loop3A_385, %parallel_loop3A_324 : vector<16xf32>
        %parallel_loop3A_408 = arith.index_cast %parallel_loop3A_318 : i32 to index
        %parallel_loop3A_409 = arith.constant 16 : index
        %parallel_loop3A_410 = tpu.vector_load %arg23[%parallel_loop3A_408, %parallel_loop3A_409] {strides = array<i32>} : memref<64x64xf32, #tpu.memory_space<vmem>>, vector<16xf32>,
        tpu.vector_store %arg23[%parallel_loop3A_408, %parallel_loop3A_409], %parallel_loop3A_407 {strides = array<i32>} : memref<64x64xf32, #tpu.memory_space<vmem>>, vector<16xf32>,
        %parallel_loop3A_411 = arith.mulf %parallel_loop3A_402, %parallel_loop3A_327 : vector<16xf32>
        %parallel_loop3A_412 = arith.index_cast %parallel_loop3A_318 : i32 to index
        %parallel_loop3A_413 = arith.constant 32 : index
        %parallel_loop3A_414 = tpu.vector_load %arg23[%parallel_loop3A_412, %parallel_loop3A_413] {strides = array<i32>} : memref<64x64xf32, #tpu.memory_space<vmem>>, vector<16xf32>,
        tpu.vector_store %arg23[%parallel_loop3A_412, %parallel_loop3A_413], %parallel_loop3A_411 {strides = array<i32>} : memref<64x64xf32, #tpu.memory_space<vmem>>, vector<16xf32>,
        %parallel_loop3A_415 = arith.mulf %parallel_loop3A_402, %parallel_loop3A_330 : vector<16xf32>
        %parallel_loop3A_416 = arith.index_cast %parallel_loop3A_318 : i32 to index
        %parallel_loop3A_417 = arith.constant 48 : index
        %parallel_loop3A_418 = tpu.vector_load %arg23[%parallel_loop3A_416, %parallel_loop3A_417] {strides = array<i32>} : memref<64x64xf32, #tpu.memory_space<vmem>>, vector<16xf32>,
        tpu.vector_store %arg23[%parallel_loop3A_416, %parallel_loop3A_417], %parallel_loop3A_415 {strides = array<i32>} : memref<64x64xf32, #tpu.memory_space<vmem>>, vector<16xf32>,
        %parallel_loop3A_419 = arith.mulf %parallel_loop3A_385, %select_n3A : vector<16xf32>
        %parallel_loop3A_420 = arith.mulf %parallel_loop3A_402, %select_n3A_27 : vector<16xf32>
        %parallel_loop3A_421 = arith.addf %parallel_loop3A_419, %parallel_loop3A_420 : vector<16xf32>
        %parallel_loop3A_422 = arith.index_cast %parallel_loop3A_318 : i32 to index
        %parallel_loop3A_423 = arith.constant 0 : index
        %parallel_loop3A_424 = tpu.vector_load %arg24[%parallel_loop3A_422, %parallel_loop3A_423] {strides = array<i32>} : memref<64x16xf32, #tpu.memory_space<vmem>>, vector<16xf32>,
        tpu.vector_store %arg24[%parallel_loop3A_422, %parallel_loop3A_423], %parallel_loop3A_421 {strides = array<i32>} : memref<64x16xf32, #tpu.memory_space<vmem>>, vector<16xf32>,
      } {sc.loop_unroll_factor = 8 : i64, sc.parallel_access}
      %dma_start3A_224 = arith.constant 0 : i32
      %dma_start3A_225 = tpu.memref_slice %arg12[%add3A_199, %dma_start3A_224] : memref<164x64xi32, #tpu.memory_space<vmem>> -> memref<1x64xi32, #tpu.memory_space<vmem>>
      %dma_start3A_226 = tpu.memref_squeeze %dma_start3A_225 : memref<1x64xi32, #tpu.memory_space<vmem>> -> memref<64xi32, #tpu.memory_space<vmem>>
      %dma_start3A_227 = arith.constant 0 : i32
      %dma_start3A_228 = arith.constant 0 : i32
      %dma_start3A_229 = tpu.memref_slice %arg30[%dma_start3A_227, %dma_start3A_228] : memref<10240x64xf32, #tpu.memory_space<vmem_shared>> -> memref<10240x64xf32, #tpu.memory_space<vmem_shared>>
      tpu.enqueue_indirect_dma source(%arg23 : memref<64x64xf32, #tpu.memory_space<vmem>>) target(%dma_start3A_229 : memref<10240x64xf32, #tpu.memory_space<vmem_shared>>) offsets(%dma_start3A_226 : memref<64xi32, #tpu.memory_space<vmem>>) semaphore(%arg37 : memref<!tpu.dma_semaphore, #tpu.memory_space<semaphore_mem>>) {add = true}
      %dma_start3A_230 = arith.constant 0 : i32
      %dma_start3A_231 = tpu.memref_slice %arg12[%add3A_199, %dma_start3A_230] : memref<164x64xi32, #tpu.memory_space<vmem>> -> memref<1x64xi32, #tpu.memory_space<vmem>>
      %dma_start3A_232 = tpu.memref_squeeze %dma_start3A_231 : memref<1x64xi32, #tpu.memory_space<vmem>> -> memref<64xi32, #tpu.memory_space<vmem>>
      %dma_start3A_233 = arith.constant 0 : i32
      %dma_start3A_234 = arith.constant 0 : i32
      %dma_start3A_235 = tpu.memref_slice %arg31[%dma_start3A_233, %dma_start3A_234] : memref<10240x16xf32, #tpu.memory_space<vmem_shared>> -> memref<10240x16xf32, #tpu.memory_space<vmem_shared>>
      tpu.enqueue_indirect_dma source(%arg24 : memref<64x16xf32, #tpu.memory_space<vmem>>) target(%dma_start3A_235 : memref<10240x16xf32, #tpu.memory_space<vmem_shared>>) offsets(%dma_start3A_232 : memref<64xi32, #tpu.memory_space<vmem>>) semaphore(%arg37 : memref<!tpu.dma_semaphore, #tpu.memory_space<semaphore_mem>>) {add = true}
      %mul3A_236 = arith.constant 4 : i32
      %mul3A_237 = arith.muli %scan3A_148, %mul3A_236 : i32
      %add3A_238 = arith.constant 2 : i32
      %add3A_239 = arith.addi %mul3A_237, %add3A_238 : i32
      %dma_wait3A_240 = arith.constant 0 : i32
      %dma_wait3A_241 = tpu.memref_slice %arg11[%add3A_239, %dma_wait3A_240] : memref<164x64xi32, #tpu.memory_space<vmem>> -> memref<1x64xi32, #tpu.memory_space<vmem>>
      %dma_wait3A_242 = tpu.memref_squeeze %dma_wait3A_241 : memref<1x64xi32, #tpu.memory_space<vmem>> -> memref<64xi32, #tpu.memory_space<vmem>>
      %dma_wait3A_243 = arith.constant 0 : i32
      %dma_wait3A_244 = arith.constant 0 : i32
      %dma_wait3A_245 = tpu.memref_slice %arg2[%dma_wait3A_243, %dma_wait3A_244] : memref<10240x64xf32, #tpu.memory_space<hbm>> -> memref<10240x64xf32, #tpu.memory_space<hbm>>
      tpu.wait_indirect_dma semaphore(%arg34 : memref<!tpu.dma_semaphore, #tpu.memory_space<semaphore_mem>>) src(%dma_wait3A_245 : memref<10240x64xf32, #tpu.memory_space<hbm>>) dst(%arg17 : memref<64x64xf32, #tpu.memory_space<vmem>>)
      %dma_wait3A_246 = arith.constant 0 : i32
      %dma_wait3A_247 = tpu.memref_slice %arg12[%add3A_239, %dma_wait3A_246] : memref<164x64xi32, #tpu.memory_space<vmem>> -> memref<1x64xi32, #tpu.memory_space<vmem>>
      %dma_wait3A_248 = tpu.memref_squeeze %dma_wait3A_247 : memref<1x64xi32, #tpu.memory_space<vmem>> -> memref<64xi32, #tpu.memory_space<vmem>>
      %dma_wait3A_249 = arith.constant 0 : i32
      %dma_wait3A_250 = arith.constant 0 : i32
      %dma_wait3A_251 = tpu.memref_slice %arg3[%dma_wait3A_249, %dma_wait3A_250] : memref<10240x64xf32, #tpu.memory_space<hbm>> -> memref<10240x64xf32, #tpu.memory_space<hbm>>
      tpu.wait_indirect_dma semaphore(%arg34 : memref<!tpu.dma_semaphore, #tpu.memory_space<semaphore_mem>>) src(%dma_wait3A_251 : memref<10240x64xf32, #tpu.memory_space<hbm>>) dst(%arg18 : memref<64x64xf32, #tpu.memory_space<vmem>>)
      %lt3A_252 = arith.constant 40 : i32
      %lt3A_253 = arith.cmpi slt, %scan3A_148, %lt3A_252 : i32
      %convert_element_type3A_254 = arith.extui %lt3A_253 : i1 to i32
      %cond3A_255 = arith.constant 0 : i32
      %cond3A_256 = arith.cmpi ne, %convert_element_type3A_254, %cond3A_255 : i32
      scf.if %cond3A_256 {
        %add3A_318 = arith.constant 4 : i32
        %add3A_319 = arith.addi %add3A_239, %add3A_318 : i32
        %sub3A_320 = arith.constant 1 : i32
        %sub3A_321 = arith.subi %add3A_319, %sub3A_320 : i32
        %dma_start3A_322 = arith.constant 0 : i32
        %dma_start3A_323 = tpu.memref_slice %arg11[%sub3A_321, %dma_start3A_322] : memref<164x64xi32, #tpu.memory_space<vmem>> -> memref<1x64xi32, #tpu.memory_space<vmem>>
        %dma_start3A_324 = tpu.memref_squeeze %dma_start3A_323 : memref<1x64xi32, #tpu.memory_space<vmem>> -> memref<64xi32, #tpu.memory_space<vmem>>
        %dma_start3A_325 = arith.constant 0 : i32
        %dma_start3A_326 = arith.constant 0 : i32
        %dma_start3A_327 = tpu.memref_slice %arg2[%dma_start3A_325, %dma_start3A_326] : memref<10240x64xf32, #tpu.memory_space<hbm>> -> memref<10240x64xf32, #tpu.memory_space<hbm>>
        tpu.enqueue_indirect_dma source(%dma_start3A_327 : memref<10240x64xf32, #tpu.memory_space<hbm>>) target(%arg15 : memref<64x64xf32, #tpu.memory_space<vmem>>) offsets(%dma_start3A_324 : memref<64xi32, #tpu.memory_space<vmem>>) semaphore(%arg33 : memref<!tpu.dma_semaphore, #tpu.memory_space<semaphore_mem>>)
        %dma_start3A_328 = arith.constant 0 : i32
        %dma_start3A_329 = tpu.memref_slice %arg12[%sub3A_321, %dma_start3A_328] : memref<164x64xi32, #tpu.memory_space<vmem>> -> memref<1x64xi32, #tpu.memory_space<vmem>>
        %dma_start3A_330 = tpu.memref_squeeze %dma_start3A_329 : memref<1x64xi32, #tpu.memory_space<vmem>> -> memref<64xi32, #tpu.memory_space<vmem>>
        %dma_start3A_331 = arith.constant 0 : i32
        %dma_start3A_332 = arith.constant 0 : i32
        %dma_start3A_333 = tpu.memref_slice %arg3[%dma_start3A_331, %dma_start3A_332] : memref<10240x64xf32, #tpu.memory_space<hbm>> -> memref<10240x64xf32, #tpu.memory_space<hbm>>
        tpu.enqueue_indirect_dma source(%dma_start3A_333 : memref<10240x64xf32, #tpu.memory_space<hbm>>) target(%arg16 : memref<64x64xf32, #tpu.memory_space<vmem>>) offsets(%dma_start3A_330 : memref<64xi32, #tpu.memory_space<vmem>>) semaphore(%arg33 : memref<!tpu.dma_semaphore, #tpu.memory_space<semaphore_mem>>)
      } else {
      }
      %ge3A_257 = arith.constant 1 : i32
      %ge3A_258 = arith.cmpi sge, %scan3A_148, %ge3A_257 : i32
      %convert_element_type3A_259 = arith.extui %ge3A_258 : i1 to i32
      %cond3A_260 = arith.constant 0 : i32
      %cond3A_261 = arith.cmpi ne, %convert_element_type3A_259, %cond3A_260 : i32
      scf.if %cond3A_261 {
        %sub3A_318 = arith.constant 4 : i32
        %sub3A_319 = arith.subi %add3A_239, %sub3A_318 : i32
        %dma_wait3A_320 = arith.constant 0 : i32
        %dma_wait3A_321 = tpu.memref_slice %arg12[%sub3A_319, %dma_wait3A_320] : memref<164x64xi32, #tpu.memory_space<vmem>> -> memref<1x64xi32, #tpu.memory_space<vmem>>
        %dma_wait3A_322 = tpu.memref_squeeze %dma_wait3A_321 : memref<1x64xi32, #tpu.memory_space<vmem>> -> memref<64xi32, #tpu.memory_space<vmem>>
        %dma_wait3A_323 = arith.constant 0 : i32
        %dma_wait3A_324 = arith.constant 0 : i32
        %dma_wait3A_325 = tpu.memref_slice %arg30[%dma_wait3A_323, %dma_wait3A_324] : memref<10240x64xf32, #tpu.memory_space<vmem_shared>> -> memref<10240x64xf32, #tpu.memory_space<vmem_shared>>
        tpu.wait_indirect_dma semaphore(%arg38 : memref<!tpu.dma_semaphore, #tpu.memory_space<semaphore_mem>>) src(%arg25 : memref<64x64xf32, #tpu.memory_space<vmem>>) dst(%dma_wait3A_325 : memref<10240x64xf32, #tpu.memory_space<vmem_shared>>)
        %dma_wait3A_326 = arith.constant 0 : i32
        %dma_wait3A_327 = tpu.memref_slice %arg12[%sub3A_319, %dma_wait3A_326] : memref<164x64xi32, #tpu.memory_space<vmem>> -> memref<1x64xi32, #tpu.memory_space<vmem>>
        %dma_wait3A_328 = tpu.memref_squeeze %dma_wait3A_327 : memref<1x64xi32, #tpu.memory_space<vmem>> -> memref<64xi32, #tpu.memory_space<vmem>>
        %dma_wait3A_329 = arith.constant 0 : i32
        %dma_wait3A_330 = arith.constant 0 : i32
        %dma_wait3A_331 = tpu.memref_slice %arg31[%dma_wait3A_329, %dma_wait3A_330] : memref<10240x16xf32, #tpu.memory_space<vmem_shared>> -> memref<10240x16xf32, #tpu.memory_space<vmem_shared>>
        tpu.wait_indirect_dma semaphore(%arg38 : memref<!tpu.dma_semaphore, #tpu.memory_space<semaphore_mem>>) src(%arg26 : memref<64x16xf32, #tpu.memory_space<vmem>>) dst(%dma_wait3A_331 : memref<10240x16xf32, #tpu.memory_space<vmem_shared>>)
      } else {
      }
      %parallel_loop3A_262 = arith.constant 0 : i32
      %parallel_loop3A_263 = arith.constant 64 : i32
      %parallel_loop3A_264 = arith.constant 1 : i32
      scf.for %parallel_loop3A_318 = %parallel_loop3A_262 to %parallel_loop3A_263 step %parallel_loop3A_264  : i32 {
        %parallel_loop3A_319 = arith.index_cast %parallel_loop3A_318 : i32 to index
        %parallel_loop3A_320 = arith.constant 0 : index
        %parallel_loop3A_321 = tpu.vector_load %arg17[%parallel_loop3A_319, %parallel_loop3A_320] {strides = array<i32>} : memref<64x64xf32, #tpu.memory_space<vmem>>, vector<16xf32>,
        %parallel_loop3A_322 = arith.index_cast %parallel_loop3A_318 : i32 to index
        %parallel_loop3A_323 = arith.constant 16 : index
        %parallel_loop3A_324 = tpu.vector_load %arg17[%parallel_loop3A_322, %parallel_loop3A_323] {strides = array<i32>} : memref<64x64xf32, #tpu.memory_space<vmem>>, vector<16xf32>,
        %parallel_loop3A_325 = arith.index_cast %parallel_loop3A_318 : i32 to index
        %parallel_loop3A_326 = arith.constant 32 : index
        %parallel_loop3A_327 = tpu.vector_load %arg17[%parallel_loop3A_325, %parallel_loop3A_326] {strides = array<i32>} : memref<64x64xf32, #tpu.memory_space<vmem>>, vector<16xf32>,
        %parallel_loop3A_328 = arith.index_cast %parallel_loop3A_318 : i32 to index
        %parallel_loop3A_329 = arith.constant 48 : index
        %parallel_loop3A_330 = tpu.vector_load %arg17[%parallel_loop3A_328, %parallel_loop3A_329] {strides = array<i32>} : memref<64x64xf32, #tpu.memory_space<vmem>>, vector<16xf32>,
        %parallel_loop3A_331 = arith.index_cast %parallel_loop3A_318 : i32 to index
        %parallel_loop3A_332 = arith.constant 0 : index
        %parallel_loop3A_333 = tpu.vector_load %arg18[%parallel_loop3A_331, %parallel_loop3A_332] {strides = array<i32>} : memref<64x64xf32, #tpu.memory_space<vmem>>, vector<16xf32>,
        %parallel_loop3A_334 = arith.index_cast %parallel_loop3A_318 : i32 to index
        %parallel_loop3A_335 = arith.constant 16 : index
        %parallel_loop3A_336 = tpu.vector_load %arg18[%parallel_loop3A_334, %parallel_loop3A_335] {strides = array<i32>} : memref<64x64xf32, #tpu.memory_space<vmem>>, vector<16xf32>,
        %parallel_loop3A_337 = arith.index_cast %parallel_loop3A_318 : i32 to index
        %parallel_loop3A_338 = arith.constant 32 : index
        %parallel_loop3A_339 = tpu.vector_load %arg18[%parallel_loop3A_337, %parallel_loop3A_338] {strides = array<i32>} : memref<64x64xf32, #tpu.memory_space<vmem>>, vector<16xf32>,
        %parallel_loop3A_340 = arith.index_cast %parallel_loop3A_318 : i32 to index
        %parallel_loop3A_341 = arith.constant 48 : index
        %parallel_loop3A_342 = tpu.vector_load %arg18[%parallel_loop3A_340, %parallel_loop3A_341] {strides = array<i32>} : memref<64x64xf32, #tpu.memory_space<vmem>>, vector<16xf32>,
        %parallel_loop3A_343 = arith.addf %parallel_loop3A_321, %parallel_loop3A_333 : vector<16xf32>
        %parallel_loop3A_344 = arith.addf %parallel_loop3A_324, %parallel_loop3A_336 : vector<16xf32>
        %parallel_loop3A_345 = arith.addf %parallel_loop3A_327, %parallel_loop3A_339 : vector<16xf32>
        %parallel_loop3A_346 = arith.addf %parallel_loop3A_330, %parallel_loop3A_342 : vector<16xf32>
        %parallel_loop3A_347 = arith.constant 2.000000e-01 : f32
        %parallel_loop3A_348 = vector.broadcast %parallel_loop3A_347 : f32 to vector<16xf32>
        %parallel_loop3A_349 = arith.mulf %parallel_loop3A_343, %parallel_loop3A_348 : vector<16xf32>
        %parallel_loop3A_350 = arith.maximumf %parallel_loop3A_343, %parallel_loop3A_349 : vector<16xf32>
        %parallel_loop3A_351 = arith.constant 2.000000e-01 : f32
        %parallel_loop3A_352 = vector.broadcast %parallel_loop3A_351 : f32 to vector<16xf32>
        %parallel_loop3A_353 = arith.mulf %parallel_loop3A_344, %parallel_loop3A_352 : vector<16xf32>
        %parallel_loop3A_354 = arith.maximumf %parallel_loop3A_344, %parallel_loop3A_353 : vector<16xf32>
        %parallel_loop3A_355 = arith.constant 2.000000e-01 : f32
        %parallel_loop3A_356 = vector.broadcast %parallel_loop3A_355 : f32 to vector<16xf32>
        %parallel_loop3A_357 = arith.mulf %parallel_loop3A_345, %parallel_loop3A_356 : vector<16xf32>
        %parallel_loop3A_358 = arith.maximumf %parallel_loop3A_345, %parallel_loop3A_357 : vector<16xf32>
        %parallel_loop3A_359 = arith.constant 2.000000e-01 : f32
        %parallel_loop3A_360 = vector.broadcast %parallel_loop3A_359 : f32 to vector<16xf32>
        %parallel_loop3A_361 = arith.mulf %parallel_loop3A_346, %parallel_loop3A_360 : vector<16xf32>
        %parallel_loop3A_362 = arith.maximumf %parallel_loop3A_346, %parallel_loop3A_361 : vector<16xf32>
        %parallel_loop3A_363 = arith.mulf %parallel_loop3A_350, %get3A_9 : vector<16xf32>
        %parallel_loop3A_364 = arith.mulf %parallel_loop3A_354, %get3A_11 : vector<16xf32>
        %parallel_loop3A_365 = arith.addf %parallel_loop3A_363, %parallel_loop3A_364 : vector<16xf32>
        %parallel_loop3A_366 = arith.mulf %parallel_loop3A_358, %get3A_13 : vector<16xf32>
        %parallel_loop3A_367 = arith.mulf %parallel_loop3A_362, %get3A_15 : vector<16xf32>
        %parallel_loop3A_368 = arith.addf %parallel_loop3A_366, %parallel_loop3A_367 : vector<16xf32>
        %parallel_loop3A_369 = vector.shape_cast %xor3A_29 : vector<16xi32> to vector<16x1xi32>
        %parallel_loop3A_370 = vector.shape_cast %parallel_loop3A_369 : vector<16x1xi32> to vector<16xi32>
        %parallel_loop3A_371 = tpu.dynamic_gather %parallel_loop3A_365[%parallel_loop3A_370] in [0] : vector<16xf32>, vector<16xi32> -> vector<16xf32>
        %parallel_loop3A_372 = arith.addf %parallel_loop3A_365, %parallel_loop3A_371 : vector<16xf32>
        %parallel_loop3A_373 = vector.shape_cast %xor3A_32 : vector<16xi32> to vector<16x1xi32>
        %parallel_loop3A_374 = vector.shape_cast %parallel_loop3A_373 : vector<16x1xi32> to vector<16xi32>
        %parallel_loop3A_375 = tpu.dynamic_gather %parallel_loop3A_372[%parallel_loop3A_374] in [0] : vector<16xf32>, vector<16xi32> -> vector<16xf32>
        %parallel_loop3A_376 = arith.addf %parallel_loop3A_372, %parallel_loop3A_375 : vector<16xf32>
        %parallel_loop3A_377 = vector.shape_cast %xor3A_35 : vector<16xi32> to vector<16x1xi32>
        %parallel_loop3A_378 = vector.shape_cast %parallel_loop3A_377 : vector<16x1xi32> to vector<16xi32>
        %parallel_loop3A_379 = tpu.dynamic_gather %parallel_loop3A_376[%parallel_loop3A_378] in [0] : vector<16xf32>, vector<16xi32> -> vector<16xf32>
        %parallel_loop3A_380 = arith.addf %parallel_loop3A_376, %parallel_loop3A_379 : vector<16xf32>
        %parallel_loop3A_381 = vector.shape_cast %xor3A_38 : vector<16xi32> to vector<16x1xi32>
        %parallel_loop3A_382 = vector.shape_cast %parallel_loop3A_381 : vector<16x1xi32> to vector<16xi32>
        %parallel_loop3A_383 = tpu.dynamic_gather %parallel_loop3A_380[%parallel_loop3A_382] in [0] : vector<16xf32>, vector<16xi32> -> vector<16xf32>
        %parallel_loop3A_384 = arith.addf %parallel_loop3A_380, %parallel_loop3A_383 : vector<16xf32>
        %parallel_loop3A_385 = math.exp %parallel_loop3A_384 : vector<16xf32>
        %parallel_loop3A_386 = vector.shape_cast %xor3A_29 : vector<16xi32> to vector<16x1xi32>
        %parallel_loop3A_387 = vector.shape_cast %parallel_loop3A_386 : vector<16x1xi32> to vector<16xi32>
        %parallel_loop3A_388 = tpu.dynamic_gather %parallel_loop3A_368[%parallel_loop3A_387] in [0] : vector<16xf32>, vector<16xi32> -> vector<16xf32>
        %parallel_loop3A_389 = arith.addf %parallel_loop3A_368, %parallel_loop3A_388 : vector<16xf32>
        %parallel_loop3A_390 = vector.shape_cast %xor3A_32 : vector<16xi32> to vector<16x1xi32>
        %parallel_loop3A_391 = vector.shape_cast %parallel_loop3A_390 : vector<16x1xi32> to vector<16xi32>
        %parallel_loop3A_392 = tpu.dynamic_gather %parallel_loop3A_389[%parallel_loop3A_391] in [0] : vector<16xf32>, vector<16xi32> -> vector<16xf32>
        %parallel_loop3A_393 = arith.addf %parallel_loop3A_389, %parallel_loop3A_392 : vector<16xf32>
        %parallel_loop3A_394 = vector.shape_cast %xor3A_35 : vector<16xi32> to vector<16x1xi32>
        %parallel_loop3A_395 = vector.shape_cast %parallel_loop3A_394 : vector<16x1xi32> to vector<16xi32>
        %parallel_loop3A_396 = tpu.dynamic_gather %parallel_loop3A_393[%parallel_loop3A_395] in [0] : vector<16xf32>, vector<16xi32> -> vector<16xf32>
        %parallel_loop3A_397 = arith.addf %parallel_loop3A_393, %parallel_loop3A_396 : vector<16xf32>
        %parallel_loop3A_398 = vector.shape_cast %xor3A_38 : vector<16xi32> to vector<16x1xi32>
        %parallel_loop3A_399 = vector.shape_cast %parallel_loop3A_398 : vector<16x1xi32> to vector<16xi32>
        %parallel_loop3A_400 = tpu.dynamic_gather %parallel_loop3A_397[%parallel_loop3A_399] in [0] : vector<16xf32>, vector<16xi32> -> vector<16xf32>
        %parallel_loop3A_401 = arith.addf %parallel_loop3A_397, %parallel_loop3A_400 : vector<16xf32>
        %parallel_loop3A_402 = math.exp %parallel_loop3A_401 : vector<16xf32>
        %parallel_loop3A_403 = arith.mulf %parallel_loop3A_385, %parallel_loop3A_321 : vector<16xf32>
        %parallel_loop3A_404 = arith.index_cast %parallel_loop3A_318 : i32 to index
        %parallel_loop3A_405 = arith.constant 0 : index
        %parallel_loop3A_406 = tpu.vector_load %arg25[%parallel_loop3A_404, %parallel_loop3A_405] {strides = array<i32>} : memref<64x64xf32, #tpu.memory_space<vmem>>, vector<16xf32>,
        tpu.vector_store %arg25[%parallel_loop3A_404, %parallel_loop3A_405], %parallel_loop3A_403 {strides = array<i32>} : memref<64x64xf32, #tpu.memory_space<vmem>>, vector<16xf32>,
        %parallel_loop3A_407 = arith.mulf %parallel_loop3A_385, %parallel_loop3A_324 : vector<16xf32>
        %parallel_loop3A_408 = arith.index_cast %parallel_loop3A_318 : i32 to index
        %parallel_loop3A_409 = arith.constant 16 : index
        %parallel_loop3A_410 = tpu.vector_load %arg25[%parallel_loop3A_408, %parallel_loop3A_409] {strides = array<i32>} : memref<64x64xf32, #tpu.memory_space<vmem>>, vector<16xf32>,
        tpu.vector_store %arg25[%parallel_loop3A_408, %parallel_loop3A_409], %parallel_loop3A_407 {strides = array<i32>} : memref<64x64xf32, #tpu.memory_space<vmem>>, vector<16xf32>,
        %parallel_loop3A_411 = arith.mulf %parallel_loop3A_402, %parallel_loop3A_327 : vector<16xf32>
        %parallel_loop3A_412 = arith.index_cast %parallel_loop3A_318 : i32 to index
        %parallel_loop3A_413 = arith.constant 32 : index
        %parallel_loop3A_414 = tpu.vector_load %arg25[%parallel_loop3A_412, %parallel_loop3A_413] {strides = array<i32>} : memref<64x64xf32, #tpu.memory_space<vmem>>, vector<16xf32>,
        tpu.vector_store %arg25[%parallel_loop3A_412, %parallel_loop3A_413], %parallel_loop3A_411 {strides = array<i32>} : memref<64x64xf32, #tpu.memory_space<vmem>>, vector<16xf32>,
        %parallel_loop3A_415 = arith.mulf %parallel_loop3A_402, %parallel_loop3A_330 : vector<16xf32>
        %parallel_loop3A_416 = arith.index_cast %parallel_loop3A_318 : i32 to index
        %parallel_loop3A_417 = arith.constant 48 : index
        %parallel_loop3A_418 = tpu.vector_load %arg25[%parallel_loop3A_416, %parallel_loop3A_417] {strides = array<i32>} : memref<64x64xf32, #tpu.memory_space<vmem>>, vector<16xf32>,
        tpu.vector_store %arg25[%parallel_loop3A_416, %parallel_loop3A_417], %parallel_loop3A_415 {strides = array<i32>} : memref<64x64xf32, #tpu.memory_space<vmem>>, vector<16xf32>,
        %parallel_loop3A_419 = arith.mulf %parallel_loop3A_385, %select_n3A : vector<16xf32>
        %parallel_loop3A_420 = arith.mulf %parallel_loop3A_402, %select_n3A_27 : vector<16xf32>
        %parallel_loop3A_421 = arith.addf %parallel_loop3A_419, %parallel_loop3A_420 : vector<16xf32>
        %parallel_loop3A_422 = arith.index_cast %parallel_loop3A_318 : i32 to index
        %parallel_loop3A_423 = arith.constant 0 : index
        %parallel_loop3A_424 = tpu.vector_load %arg26[%parallel_loop3A_422, %parallel_loop3A_423] {strides = array<i32>} : memref<64x16xf32, #tpu.memory_space<vmem>>, vector<16xf32>,
        tpu.vector_store %arg26[%parallel_loop3A_422, %parallel_loop3A_423], %parallel_loop3A_421 {strides = array<i32>} : memref<64x16xf32, #tpu.memory_space<vmem>>, vector<16xf32>,
      } {sc.loop_unroll_factor = 8 : i64, sc.parallel_access}
      %dma_start3A_265 = arith.constant 0 : i32
      %dma_start3A_266 = tpu.memref_slice %arg12[%add3A_239, %dma_start3A_265] : memref<164x64xi32, #tpu.memory_space<vmem>> -> memref<1x64xi32, #tpu.memory_space<vmem>>
      %dma_start3A_267 = tpu.memref_squeeze %dma_start3A_266 : memref<1x64xi32, #tpu.memory_space<vmem>> -> memref<64xi32, #tpu.memory_space<vmem>>
      %dma_start3A_268 = arith.constant 0 : i32
      %dma_start3A_269 = arith.constant 0 : i32
      %dma_start3A_270 = tpu.memref_slice %arg30[%dma_start3A_268, %dma_start3A_269] : memref<10240x64xf32, #tpu.memory_space<vmem_shared>> -> memref<10240x64xf32, #tpu.memory_space<vmem_shared>>
      tpu.enqueue_indirect_dma source(%arg25 : memref<64x64xf32, #tpu.memory_space<vmem>>) target(%dma_start3A_270 : memref<10240x64xf32, #tpu.memory_space<vmem_shared>>) offsets(%dma_start3A_267 : memref<64xi32, #tpu.memory_space<vmem>>) semaphore(%arg38 : memref<!tpu.dma_semaphore, #tpu.memory_space<semaphore_mem>>) {add = true}
      %dma_start3A_271 = arith.constant 0 : i32
      %dma_start3A_272 = tpu.memref_slice %arg12[%add3A_239, %dma_start3A_271] : memref<164x64xi32, #tpu.memory_space<vmem>> -> memref<1x64xi32, #tpu.memory_space<vmem>>
      %dma_start3A_273 = tpu.memref_squeeze %dma_start3A_272 : memref<1x64xi32, #tpu.memory_space<vmem>> -> memref<64xi32, #tpu.memory_space<vmem>>
      %dma_start3A_274 = arith.constant 0 : i32
      %dma_start3A_275 = arith.constant 0 : i32
      %dma_start3A_276 = tpu.memref_slice %arg31[%dma_start3A_274, %dma_start3A_275] : memref<10240x16xf32, #tpu.memory_space<vmem_shared>> -> memref<10240x16xf32, #tpu.memory_space<vmem_shared>>
      tpu.enqueue_indirect_dma source(%arg26 : memref<64x16xf32, #tpu.memory_space<vmem>>) target(%dma_start3A_276 : memref<10240x16xf32, #tpu.memory_space<vmem_shared>>) offsets(%dma_start3A_273 : memref<64xi32, #tpu.memory_space<vmem>>) semaphore(%arg38 : memref<!tpu.dma_semaphore, #tpu.memory_space<semaphore_mem>>) {add = true}
      %mul3A_277 = arith.constant 4 : i32
      %mul3A_278 = arith.muli %scan3A_148, %mul3A_277 : i32
      %add3A_279 = arith.constant 3 : i32
      %add3A_280 = arith.addi %mul3A_278, %add3A_279 : i32
      %dma_wait3A_281 = arith.constant 0 : i32
      %dma_wait3A_282 = tpu.memref_slice %arg11[%add3A_280, %dma_wait3A_281] : memref<164x64xi32, #tpu.memory_space<vmem>> -> memref<1x64xi32, #tpu.memory_space<vmem>>
      %dma_wait3A_283 = tpu.memref_squeeze %dma_wait3A_282 : memref<1x64xi32, #tpu.memory_space<vmem>> -> memref<64xi32, #tpu.memory_space<vmem>>
      %dma_wait3A_284 = arith.constant 0 : i32
      %dma_wait3A_285 = arith.constant 0 : i32
      %dma_wait3A_286 = tpu.memref_slice %arg2[%dma_wait3A_284, %dma_wait3A_285] : memref<10240x64xf32, #tpu.memory_space<hbm>> -> memref<10240x64xf32, #tpu.memory_space<hbm>>
      tpu.wait_indirect_dma semaphore(%arg35 : memref<!tpu.dma_semaphore, #tpu.memory_space<semaphore_mem>>) src(%dma_wait3A_286 : memref<10240x64xf32, #tpu.memory_space<hbm>>) dst(%arg19 : memref<64x64xf32, #tpu.memory_space<vmem>>)
      %dma_wait3A_287 = arith.constant 0 : i32
      %dma_wait3A_288 = tpu.memref_slice %arg12[%add3A_280, %dma_wait3A_287] : memref<164x64xi32, #tpu.memory_space<vmem>> -> memref<1x64xi32, #tpu.memory_space<vmem>>
      %dma_wait3A_289 = tpu.memref_squeeze %dma_wait3A_288 : memref<1x64xi32, #tpu.memory_space<vmem>> -> memref<64xi32, #tpu.memory_space<vmem>>
      %dma_wait3A_290 = arith.constant 0 : i32
      %dma_wait3A_291 = arith.constant 0 : i32
      %dma_wait3A_292 = tpu.memref_slice %arg3[%dma_wait3A_290, %dma_wait3A_291] : memref<10240x64xf32, #tpu.memory_space<hbm>> -> memref<10240x64xf32, #tpu.memory_space<hbm>>
      tpu.wait_indirect_dma semaphore(%arg35 : memref<!tpu.dma_semaphore, #tpu.memory_space<semaphore_mem>>) src(%dma_wait3A_292 : memref<10240x64xf32, #tpu.memory_space<hbm>>) dst(%arg20 : memref<64x64xf32, #tpu.memory_space<vmem>>)
      %lt3A_293 = arith.constant 40 : i32
      %lt3A_294 = arith.cmpi slt, %scan3A_148, %lt3A_293 : i32
      %convert_element_type3A_295 = arith.extui %lt3A_294 : i1 to i32
      %cond3A_296 = arith.constant 0 : i32
      %cond3A_297 = arith.cmpi ne, %convert_element_type3A_295, %cond3A_296 : i32
      scf.if %cond3A_297 {
        %add3A_318 = arith.constant 4 : i32
        %add3A_319 = arith.addi %add3A_280, %add3A_318 : i32
        %sub3A_320 = arith.constant 1 : i32
        %sub3A_321 = arith.subi %add3A_319, %sub3A_320 : i32
        %dma_start3A_322 = arith.constant 0 : i32
        %dma_start3A_323 = tpu.memref_slice %arg11[%sub3A_321, %dma_start3A_322] : memref<164x64xi32, #tpu.memory_space<vmem>> -> memref<1x64xi32, #tpu.memory_space<vmem>>
        %dma_start3A_324 = tpu.memref_squeeze %dma_start3A_323 : memref<1x64xi32, #tpu.memory_space<vmem>> -> memref<64xi32, #tpu.memory_space<vmem>>
        %dma_start3A_325 = arith.constant 0 : i32
        %dma_start3A_326 = arith.constant 0 : i32
        %dma_start3A_327 = tpu.memref_slice %arg2[%dma_start3A_325, %dma_start3A_326] : memref<10240x64xf32, #tpu.memory_space<hbm>> -> memref<10240x64xf32, #tpu.memory_space<hbm>>
        tpu.enqueue_indirect_dma source(%dma_start3A_327 : memref<10240x64xf32, #tpu.memory_space<hbm>>) target(%arg17 : memref<64x64xf32, #tpu.memory_space<vmem>>) offsets(%dma_start3A_324 : memref<64xi32, #tpu.memory_space<vmem>>) semaphore(%arg34 : memref<!tpu.dma_semaphore, #tpu.memory_space<semaphore_mem>>)
        %dma_start3A_328 = arith.constant 0 : i32
        %dma_start3A_329 = tpu.memref_slice %arg12[%sub3A_321, %dma_start3A_328] : memref<164x64xi32, #tpu.memory_space<vmem>> -> memref<1x64xi32, #tpu.memory_space<vmem>>
        %dma_start3A_330 = tpu.memref_squeeze %dma_start3A_329 : memref<1x64xi32, #tpu.memory_space<vmem>> -> memref<64xi32, #tpu.memory_space<vmem>>
        %dma_start3A_331 = arith.constant 0 : i32
        %dma_start3A_332 = arith.constant 0 : i32
        %dma_start3A_333 = tpu.memref_slice %arg3[%dma_start3A_331, %dma_start3A_332] : memref<10240x64xf32, #tpu.memory_space<hbm>> -> memref<10240x64xf32, #tpu.memory_space<hbm>>
        tpu.enqueue_indirect_dma source(%dma_start3A_333 : memref<10240x64xf32, #tpu.memory_space<hbm>>) target(%arg18 : memref<64x64xf32, #tpu.memory_space<vmem>>) offsets(%dma_start3A_330 : memref<64xi32, #tpu.memory_space<vmem>>) semaphore(%arg34 : memref<!tpu.dma_semaphore, #tpu.memory_space<semaphore_mem>>)
      } else {
      }
      %ge3A_298 = arith.constant 1 : i32
      %ge3A_299 = arith.cmpi sge, %scan3A_148, %ge3A_298 : i32
      %convert_element_type3A_300 = arith.extui %ge3A_299 : i1 to i32
      %cond3A_301 = arith.constant 0 : i32
      %cond3A_302 = arith.cmpi ne, %convert_element_type3A_300, %cond3A_301 : i32
      scf.if %cond3A_302 {
        %sub3A_318 = arith.constant 4 : i32
        %sub3A_319 = arith.subi %add3A_280, %sub3A_318 : i32
        %dma_wait3A_320 = arith.constant 0 : i32
        %dma_wait3A_321 = tpu.memref_slice %arg12[%sub3A_319, %dma_wait3A_320] : memref<164x64xi32, #tpu.memory_space<vmem>> -> memref<1x64xi32, #tpu.memory_space<vmem>>
        %dma_wait3A_322 = tpu.memref_squeeze %dma_wait3A_321 : memref<1x64xi32, #tpu.memory_space<vmem>> -> memref<64xi32, #tpu.memory_space<vmem>>
        %dma_wait3A_323 = arith.constant 0 : i32
        %dma_wait3A_324 = arith.constant 0 : i32
        %dma_wait3A_325 = tpu.memref_slice %arg30[%dma_wait3A_323, %dma_wait3A_324] : memref<10240x64xf32, #tpu.memory_space<vmem_shared>> -> memref<10240x64xf32, #tpu.memory_space<vmem_shared>>
        tpu.wait_indirect_dma semaphore(%arg39 : memref<!tpu.dma_semaphore, #tpu.memory_space<semaphore_mem>>) src(%arg27 : memref<64x64xf32, #tpu.memory_space<vmem>>) dst(%dma_wait3A_325 : memref<10240x64xf32, #tpu.memory_space<vmem_shared>>)
        %dma_wait3A_326 = arith.constant 0 : i32
        %dma_wait3A_327 = tpu.memref_slice %arg12[%sub3A_319, %dma_wait3A_326] : memref<164x64xi32, #tpu.memory_space<vmem>> -> memref<1x64xi32, #tpu.memory_space<vmem>>
        %dma_wait3A_328 = tpu.memref_squeeze %dma_wait3A_327 : memref<1x64xi32, #tpu.memory_space<vmem>> -> memref<64xi32, #tpu.memory_space<vmem>>
        %dma_wait3A_329 = arith.constant 0 : i32
        %dma_wait3A_330 = arith.constant 0 : i32
        %dma_wait3A_331 = tpu.memref_slice %arg31[%dma_wait3A_329, %dma_wait3A_330] : memref<10240x16xf32, #tpu.memory_space<vmem_shared>> -> memref<10240x16xf32, #tpu.memory_space<vmem_shared>>
        tpu.wait_indirect_dma semaphore(%arg39 : memref<!tpu.dma_semaphore, #tpu.memory_space<semaphore_mem>>) src(%arg28 : memref<64x16xf32, #tpu.memory_space<vmem>>) dst(%dma_wait3A_331 : memref<10240x16xf32, #tpu.memory_space<vmem_shared>>)
      } else {
      }
      %parallel_loop3A_303 = arith.constant 0 : i32
      %parallel_loop3A_304 = arith.constant 64 : i32
      %parallel_loop3A_305 = arith.constant 1 : i32
      scf.for %parallel_loop3A_318 = %parallel_loop3A_303 to %parallel_loop3A_304 step %parallel_loop3A_305  : i32 {
        %parallel_loop3A_319 = arith.index_cast %parallel_loop3A_318 : i32 to index
        %parallel_loop3A_320 = arith.constant 0 : index
        %parallel_loop3A_321 = tpu.vector_load %arg19[%parallel_loop3A_319, %parallel_loop3A_320] {strides = array<i32>} : memref<64x64xf32, #tpu.memory_space<vmem>>, vector<16xf32>,
        %parallel_loop3A_322 = arith.index_cast %parallel_loop3A_318 : i32 to index
        %parallel_loop3A_323 = arith.constant 16 : index
        %parallel_loop3A_324 = tpu.vector_load %arg19[%parallel_loop3A_322, %parallel_loop3A_323] {strides = array<i32>} : memref<64x64xf32, #tpu.memory_space<vmem>>, vector<16xf32>,
        %parallel_loop3A_325 = arith.index_cast %parallel_loop3A_318 : i32 to index
        %parallel_loop3A_326 = arith.constant 32 : index
        %parallel_loop3A_327 = tpu.vector_load %arg19[%parallel_loop3A_325, %parallel_loop3A_326] {strides = array<i32>} : memref<64x64xf32, #tpu.memory_space<vmem>>, vector<16xf32>,
        %parallel_loop3A_328 = arith.index_cast %parallel_loop3A_318 : i32 to index
        %parallel_loop3A_329 = arith.constant 48 : index
        %parallel_loop3A_330 = tpu.vector_load %arg19[%parallel_loop3A_328, %parallel_loop3A_329] {strides = array<i32>} : memref<64x64xf32, #tpu.memory_space<vmem>>, vector<16xf32>,
        %parallel_loop3A_331 = arith.index_cast %parallel_loop3A_318 : i32 to index
        %parallel_loop3A_332 = arith.constant 0 : index
        %parallel_loop3A_333 = tpu.vector_load %arg20[%parallel_loop3A_331, %parallel_loop3A_332] {strides = array<i32>} : memref<64x64xf32, #tpu.memory_space<vmem>>, vector<16xf32>,
        %parallel_loop3A_334 = arith.index_cast %parallel_loop3A_318 : i32 to index
        %parallel_loop3A_335 = arith.constant 16 : index
        %parallel_loop3A_336 = tpu.vector_load %arg20[%parallel_loop3A_334, %parallel_loop3A_335] {strides = array<i32>} : memref<64x64xf32, #tpu.memory_space<vmem>>, vector<16xf32>,
        %parallel_loop3A_337 = arith.index_cast %parallel_loop3A_318 : i32 to index
        %parallel_loop3A_338 = arith.constant 32 : index
        %parallel_loop3A_339 = tpu.vector_load %arg20[%parallel_loop3A_337, %parallel_loop3A_338] {strides = array<i32>} : memref<64x64xf32, #tpu.memory_space<vmem>>, vector<16xf32>,
        %parallel_loop3A_340 = arith.index_cast %parallel_loop3A_318 : i32 to index
        %parallel_loop3A_341 = arith.constant 48 : index
        %parallel_loop3A_342 = tpu.vector_load %arg20[%parallel_loop3A_340, %parallel_loop3A_341] {strides = array<i32>} : memref<64x64xf32, #tpu.memory_space<vmem>>, vector<16xf32>,
        %parallel_loop3A_343 = arith.addf %parallel_loop3A_321, %parallel_loop3A_333 : vector<16xf32>
        %parallel_loop3A_344 = arith.addf %parallel_loop3A_324, %parallel_loop3A_336 : vector<16xf32>
        %parallel_loop3A_345 = arith.addf %parallel_loop3A_327, %parallel_loop3A_339 : vector<16xf32>
        %parallel_loop3A_346 = arith.addf %parallel_loop3A_330, %parallel_loop3A_342 : vector<16xf32>
        %parallel_loop3A_347 = arith.constant 2.000000e-01 : f32
        %parallel_loop3A_348 = vector.broadcast %parallel_loop3A_347 : f32 to vector<16xf32>
        %parallel_loop3A_349 = arith.mulf %parallel_loop3A_343, %parallel_loop3A_348 : vector<16xf32>
        %parallel_loop3A_350 = arith.maximumf %parallel_loop3A_343, %parallel_loop3A_349 : vector<16xf32>
        %parallel_loop3A_351 = arith.constant 2.000000e-01 : f32
        %parallel_loop3A_352 = vector.broadcast %parallel_loop3A_351 : f32 to vector<16xf32>
        %parallel_loop3A_353 = arith.mulf %parallel_loop3A_344, %parallel_loop3A_352 : vector<16xf32>
        %parallel_loop3A_354 = arith.maximumf %parallel_loop3A_344, %parallel_loop3A_353 : vector<16xf32>
        %parallel_loop3A_355 = arith.constant 2.000000e-01 : f32
        %parallel_loop3A_356 = vector.broadcast %parallel_loop3A_355 : f32 to vector<16xf32>
        %parallel_loop3A_357 = arith.mulf %parallel_loop3A_345, %parallel_loop3A_356 : vector<16xf32>
        %parallel_loop3A_358 = arith.maximumf %parallel_loop3A_345, %parallel_loop3A_357 : vector<16xf32>
        %parallel_loop3A_359 = arith.constant 2.000000e-01 : f32
        %parallel_loop3A_360 = vector.broadcast %parallel_loop3A_359 : f32 to vector<16xf32>
        %parallel_loop3A_361 = arith.mulf %parallel_loop3A_346, %parallel_loop3A_360 : vector<16xf32>
        %parallel_loop3A_362 = arith.maximumf %parallel_loop3A_346, %parallel_loop3A_361 : vector<16xf32>
        %parallel_loop3A_363 = arith.mulf %parallel_loop3A_350, %get3A_9 : vector<16xf32>
        %parallel_loop3A_364 = arith.mulf %parallel_loop3A_354, %get3A_11 : vector<16xf32>
        %parallel_loop3A_365 = arith.addf %parallel_loop3A_363, %parallel_loop3A_364 : vector<16xf32>
        %parallel_loop3A_366 = arith.mulf %parallel_loop3A_358, %get3A_13 : vector<16xf32>
        %parallel_loop3A_367 = arith.mulf %parallel_loop3A_362, %get3A_15 : vector<16xf32>
        %parallel_loop3A_368 = arith.addf %parallel_loop3A_366, %parallel_loop3A_367 : vector<16xf32>
        %parallel_loop3A_369 = vector.shape_cast %xor3A_29 : vector<16xi32> to vector<16x1xi32>
        %parallel_loop3A_370 = vector.shape_cast %parallel_loop3A_369 : vector<16x1xi32> to vector<16xi32>
        %parallel_loop3A_371 = tpu.dynamic_gather %parallel_loop3A_365[%parallel_loop3A_370] in [0] : vector<16xf32>, vector<16xi32> -> vector<16xf32>
        %parallel_loop3A_372 = arith.addf %parallel_loop3A_365, %parallel_loop3A_371 : vector<16xf32>
        %parallel_loop3A_373 = vector.shape_cast %xor3A_32 : vector<16xi32> to vector<16x1xi32>
        %parallel_loop3A_374 = vector.shape_cast %parallel_loop3A_373 : vector<16x1xi32> to vector<16xi32>
        %parallel_loop3A_375 = tpu.dynamic_gather %parallel_loop3A_372[%parallel_loop3A_374] in [0] : vector<16xf32>, vector<16xi32> -> vector<16xf32>
        %parallel_loop3A_376 = arith.addf %parallel_loop3A_372, %parallel_loop3A_375 : vector<16xf32>
        %parallel_loop3A_377 = vector.shape_cast %xor3A_35 : vector<16xi32> to vector<16x1xi32>
        %parallel_loop3A_378 = vector.shape_cast %parallel_loop3A_377 : vector<16x1xi32> to vector<16xi32>
        %parallel_loop3A_379 = tpu.dynamic_gather %parallel_loop3A_376[%parallel_loop3A_378] in [0] : vector<16xf32>, vector<16xi32> -> vector<16xf32>
        %parallel_loop3A_380 = arith.addf %parallel_loop3A_376, %parallel_loop3A_379 : vector<16xf32>
        %parallel_loop3A_381 = vector.shape_cast %xor3A_38 : vector<16xi32> to vector<16x1xi32>
        %parallel_loop3A_382 = vector.shape_cast %parallel_loop3A_381 : vector<16x1xi32> to vector<16xi32>
        %parallel_loop3A_383 = tpu.dynamic_gather %parallel_loop3A_380[%parallel_loop3A_382] in [0] : vector<16xf32>, vector<16xi32> -> vector<16xf32>
        %parallel_loop3A_384 = arith.addf %parallel_loop3A_380, %parallel_loop3A_383 : vector<16xf32>
        %parallel_loop3A_385 = math.exp %parallel_loop3A_384 : vector<16xf32>
        %parallel_loop3A_386 = vector.shape_cast %xor3A_29 : vector<16xi32> to vector<16x1xi32>
        %parallel_loop3A_387 = vector.shape_cast %parallel_loop3A_386 : vector<16x1xi32> to vector<16xi32>
        %parallel_loop3A_388 = tpu.dynamic_gather %parallel_loop3A_368[%parallel_loop3A_387] in [0] : vector<16xf32>, vector<16xi32> -> vector<16xf32>
        %parallel_loop3A_389 = arith.addf %parallel_loop3A_368, %parallel_loop3A_388 : vector<16xf32>
        %parallel_loop3A_390 = vector.shape_cast %xor3A_32 : vector<16xi32> to vector<16x1xi32>
        %parallel_loop3A_391 = vector.shape_cast %parallel_loop3A_390 : vector<16x1xi32> to vector<16xi32>
        %parallel_loop3A_392 = tpu.dynamic_gather %parallel_loop3A_389[%parallel_loop3A_391] in [0] : vector<16xf32>, vector<16xi32> -> vector<16xf32>
        %parallel_loop3A_393 = arith.addf %parallel_loop3A_389, %parallel_loop3A_392 : vector<16xf32>
        %parallel_loop3A_394 = vector.shape_cast %xor3A_35 : vector<16xi32> to vector<16x1xi32>
        %parallel_loop3A_395 = vector.shape_cast %parallel_loop3A_394 : vector<16x1xi32> to vector<16xi32>
        %parallel_loop3A_396 = tpu.dynamic_gather %parallel_loop3A_393[%parallel_loop3A_395] in [0] : vector<16xf32>, vector<16xi32> -> vector<16xf32>
        %parallel_loop3A_397 = arith.addf %parallel_loop3A_393, %parallel_loop3A_396 : vector<16xf32>
        %parallel_loop3A_398 = vector.shape_cast %xor3A_38 : vector<16xi32> to vector<16x1xi32>
        %parallel_loop3A_399 = vector.shape_cast %parallel_loop3A_398 : vector<16x1xi32> to vector<16xi32>
        %parallel_loop3A_400 = tpu.dynamic_gather %parallel_loop3A_397[%parallel_loop3A_399] in [0] : vector<16xf32>, vector<16xi32> -> vector<16xf32>
        %parallel_loop3A_401 = arith.addf %parallel_loop3A_397, %parallel_loop3A_400 : vector<16xf32>
        %parallel_loop3A_402 = math.exp %parallel_loop3A_401 : vector<16xf32>
        %parallel_loop3A_403 = arith.mulf %parallel_loop3A_385, %parallel_loop3A_321 : vector<16xf32>
        %parallel_loop3A_404 = arith.index_cast %parallel_loop3A_318 : i32 to index
        %parallel_loop3A_405 = arith.constant 0 : index
        %parallel_loop3A_406 = tpu.vector_load %arg27[%parallel_loop3A_404, %parallel_loop3A_405] {strides = array<i32>} : memref<64x64xf32, #tpu.memory_space<vmem>>, vector<16xf32>,
        tpu.vector_store %arg27[%parallel_loop3A_404, %parallel_loop3A_405], %parallel_loop3A_403 {strides = array<i32>} : memref<64x64xf32, #tpu.memory_space<vmem>>, vector<16xf32>,
        %parallel_loop3A_407 = arith.mulf %parallel_loop3A_385, %parallel_loop3A_324 : vector<16xf32>
        %parallel_loop3A_408 = arith.index_cast %parallel_loop3A_318 : i32 to index
        %parallel_loop3A_409 = arith.constant 16 : index
        %parallel_loop3A_410 = tpu.vector_load %arg27[%parallel_loop3A_408, %parallel_loop3A_409] {strides = array<i32>} : memref<64x64xf32, #tpu.memory_space<vmem>>, vector<16xf32>,
        tpu.vector_store %arg27[%parallel_loop3A_408, %parallel_loop3A_409], %parallel_loop3A_407 {strides = array<i32>} : memref<64x64xf32, #tpu.memory_space<vmem>>, vector<16xf32>,
        %parallel_loop3A_411 = arith.mulf %parallel_loop3A_402, %parallel_loop3A_327 : vector<16xf32>
        %parallel_loop3A_412 = arith.index_cast %parallel_loop3A_318 : i32 to index
        %parallel_loop3A_413 = arith.constant 32 : index
        %parallel_loop3A_414 = tpu.vector_load %arg27[%parallel_loop3A_412, %parallel_loop3A_413] {strides = array<i32>} : memref<64x64xf32, #tpu.memory_space<vmem>>, vector<16xf32>,
        tpu.vector_store %arg27[%parallel_loop3A_412, %parallel_loop3A_413], %parallel_loop3A_411 {strides = array<i32>} : memref<64x64xf32, #tpu.memory_space<vmem>>, vector<16xf32>,
        %parallel_loop3A_415 = arith.mulf %parallel_loop3A_402, %parallel_loop3A_330 : vector<16xf32>
        %parallel_loop3A_416 = arith.index_cast %parallel_loop3A_318 : i32 to index
        %parallel_loop3A_417 = arith.constant 48 : index
        %parallel_loop3A_418 = tpu.vector_load %arg27[%parallel_loop3A_416, %parallel_loop3A_417] {strides = array<i32>} : memref<64x64xf32, #tpu.memory_space<vmem>>, vector<16xf32>,
        tpu.vector_store %arg27[%parallel_loop3A_416, %parallel_loop3A_417], %parallel_loop3A_415 {strides = array<i32>} : memref<64x64xf32, #tpu.memory_space<vmem>>, vector<16xf32>,
        %parallel_loop3A_419 = arith.mulf %parallel_loop3A_385, %select_n3A : vector<16xf32>
        %parallel_loop3A_420 = arith.mulf %parallel_loop3A_402, %select_n3A_27 : vector<16xf32>
        %parallel_loop3A_421 = arith.addf %parallel_loop3A_419, %parallel_loop3A_420 : vector<16xf32>
        %parallel_loop3A_422 = arith.index_cast %parallel_loop3A_318 : i32 to index
        %parallel_loop3A_423 = arith.constant 0 : index
        %parallel_loop3A_424 = tpu.vector_load %arg28[%parallel_loop3A_422, %parallel_loop3A_423] {strides = array<i32>} : memref<64x16xf32, #tpu.memory_space<vmem>>, vector<16xf32>,
        tpu.vector_store %arg28[%parallel_loop3A_422, %parallel_loop3A_423], %parallel_loop3A_421 {strides = array<i32>} : memref<64x16xf32, #tpu.memory_space<vmem>>, vector<16xf32>,
      } {sc.loop_unroll_factor = 8 : i64, sc.parallel_access}
      %dma_start3A_306 = arith.constant 0 : i32
      %dma_start3A_307 = tpu.memref_slice %arg12[%add3A_280, %dma_start3A_306] : memref<164x64xi32, #tpu.memory_space<vmem>> -> memref<1x64xi32, #tpu.memory_space<vmem>>
      %dma_start3A_308 = tpu.memref_squeeze %dma_start3A_307 : memref<1x64xi32, #tpu.memory_space<vmem>> -> memref<64xi32, #tpu.memory_space<vmem>>
      %dma_start3A_309 = arith.constant 0 : i32
      %dma_start3A_310 = arith.constant 0 : i32
      %dma_start3A_311 = tpu.memref_slice %arg30[%dma_start3A_309, %dma_start3A_310] : memref<10240x64xf32, #tpu.memory_space<vmem_shared>> -> memref<10240x64xf32, #tpu.memory_space<vmem_shared>>
      tpu.enqueue_indirect_dma source(%arg27 : memref<64x64xf32, #tpu.memory_space<vmem>>) target(%dma_start3A_311 : memref<10240x64xf32, #tpu.memory_space<vmem_shared>>) offsets(%dma_start3A_308 : memref<64xi32, #tpu.memory_space<vmem>>) semaphore(%arg39 : memref<!tpu.dma_semaphore, #tpu.memory_space<semaphore_mem>>) {add = true}
      %dma_start3A_312 = arith.constant 0 : i32
      %dma_start3A_313 = tpu.memref_slice %arg12[%add3A_280, %dma_start3A_312] : memref<164x64xi32, #tpu.memory_space<vmem>> -> memref<1x64xi32, #tpu.memory_space<vmem>>
      %dma_start3A_314 = tpu.memref_squeeze %dma_start3A_313 : memref<1x64xi32, #tpu.memory_space<vmem>> -> memref<64xi32, #tpu.memory_space<vmem>>
      %dma_start3A_315 = arith.constant 0 : i32
      %dma_start3A_316 = arith.constant 0 : i32
      %dma_start3A_317 = tpu.memref_slice %arg31[%dma_start3A_315, %dma_start3A_316] : memref<10240x16xf32, #tpu.memory_space<vmem_shared>> -> memref<10240x16xf32, #tpu.memory_space<vmem_shared>>
      tpu.enqueue_indirect_dma source(%arg28 : memref<64x16xf32, #tpu.memory_space<vmem>>) target(%dma_start3A_317 : memref<10240x16xf32, #tpu.memory_space<vmem_shared>>) offsets(%dma_start3A_314 : memref<64xi32, #tpu.memory_space<vmem>>) semaphore(%arg39 : memref<!tpu.dma_semaphore, #tpu.memory_space<semaphore_mem>>) {add = true}
    }
    %scan3A_83 = arith.constant 41 : i32
    %dma_wait3A = arith.constant 160 : i32
    %dma_wait3A_84 = arith.constant 0 : i32
    %dma_wait3A_85 = tpu.memref_slice %arg12[%dma_wait3A, %dma_wait3A_84] : memref<164x64xi32, #tpu.memory_space<vmem>> -> memref<1x64xi32, #tpu.memory_space<vmem>>
    %dma_wait3A_86 = tpu.memref_squeeze %dma_wait3A_85 : memref<1x64xi32, #tpu.memory_space<vmem>> -> memref<64xi32, #tpu.memory_space<vmem>>
    %dma_wait3A_87 = arith.constant 0 : i32
    %dma_wait3A_88 = arith.constant 0 : i32
    %dma_wait3A_89 = tpu.memref_slice %arg30[%dma_wait3A_87, %dma_wait3A_88] : memref<10240x64xf32, #tpu.memory_space<vmem_shared>> -> memref<10240x64xf32, #tpu.memory_space<vmem_shared>>
    tpu.wait_indirect_dma semaphore(%arg36 : memref<!tpu.dma_semaphore, #tpu.memory_space<semaphore_mem>>) src(%arg21 : memref<64x64xf32, #tpu.memory_space<vmem>>) dst(%dma_wait3A_89 : memref<10240x64xf32, #tpu.memory_space<vmem_shared>>)
    %dma_wait3A_90 = arith.constant 160 : i32
    %dma_wait3A_91 = arith.constant 0 : i32
    %dma_wait3A_92 = tpu.memref_slice %arg12[%dma_wait3A_90, %dma_wait3A_91] : memref<164x64xi32, #tpu.memory_space<vmem>> -> memref<1x64xi32, #tpu.memory_space<vmem>>
    %dma_wait3A_93 = tpu.memref_squeeze %dma_wait3A_92 : memref<1x64xi32, #tpu.memory_space<vmem>> -> memref<64xi32, #tpu.memory_space<vmem>>
    %dma_wait3A_94 = arith.constant 0 : i32
    %dma_wait3A_95 = arith.constant 0 : i32
    %dma_wait3A_96 = tpu.memref_slice %arg31[%dma_wait3A_94, %dma_wait3A_95] : memref<10240x16xf32, #tpu.memory_space<vmem_shared>> -> memref<10240x16xf32, #tpu.memory_space<vmem_shared>>
    tpu.wait_indirect_dma semaphore(%arg36 : memref<!tpu.dma_semaphore, #tpu.memory_space<semaphore_mem>>) src(%arg22 : memref<64x16xf32, #tpu.memory_space<vmem>>) dst(%dma_wait3A_96 : memref<10240x16xf32, #tpu.memory_space<vmem_shared>>)
    %dma_wait3A_97 = arith.constant 161 : i32
    %dma_wait3A_98 = arith.constant 0 : i32
    %dma_wait3A_99 = tpu.memref_slice %arg12[%dma_wait3A_97, %dma_wait3A_98] : memref<164x64xi32, #tpu.memory_space<vmem>> -> memref<1x64xi32, #tpu.memory_space<vmem>>
    %dma_wait3A_100 = tpu.memref_squeeze %dma_wait3A_99 : memref<1x64xi32, #tpu.memory_space<vmem>> -> memref<64xi32, #tpu.memory_space<vmem>>
    %dma_wait3A_101 = arith.constant 0 : i32
    %dma_wait3A_102 = arith.constant 0 : i32
    %dma_wait3A_103 = tpu.memref_slice %arg30[%dma_wait3A_101, %dma_wait3A_102] : memref<10240x64xf32, #tpu.memory_space<vmem_shared>> -> memref<10240x64xf32, #tpu.memory_space<vmem_shared>>
    tpu.wait_indirect_dma semaphore(%arg37 : memref<!tpu.dma_semaphore, #tpu.memory_space<semaphore_mem>>) src(%arg23 : memref<64x64xf32, #tpu.memory_space<vmem>>) dst(%dma_wait3A_103 : memref<10240x64xf32, #tpu.memory_space<vmem_shared>>)
    %dma_wait3A_104 = arith.constant 161 : i32
    %dma_wait3A_105 = arith.constant 0 : i32
    %dma_wait3A_106 = tpu.memref_slice %arg12[%dma_wait3A_104, %dma_wait3A_105] : memref<164x64xi32, #tpu.memory_space<vmem>> -> memref<1x64xi32, #tpu.memory_space<vmem>>
    %dma_wait3A_107 = tpu.memref_squeeze %dma_wait3A_106 : memref<1x64xi32, #tpu.memory_space<vmem>> -> memref<64xi32, #tpu.memory_space<vmem>>
    %dma_wait3A_108 = arith.constant 0 : i32
    %dma_wait3A_109 = arith.constant 0 : i32
    %dma_wait3A_110 = tpu.memref_slice %arg31[%dma_wait3A_108, %dma_wait3A_109] : memref<10240x16xf32, #tpu.memory_space<vmem_shared>> -> memref<10240x16xf32, #tpu.memory_space<vmem_shared>>
    tpu.wait_indirect_dma semaphore(%arg37 : memref<!tpu.dma_semaphore, #tpu.memory_space<semaphore_mem>>) src(%arg24 : memref<64x16xf32, #tpu.memory_space<vmem>>) dst(%dma_wait3A_110 : memref<10240x16xf32, #tpu.memory_space<vmem_shared>>)
    %dma_wait3A_111 = arith.constant 162 : i32
    %dma_wait3A_112 = arith.constant 0 : i32
    %dma_wait3A_113 = tpu.memref_slice %arg12[%dma_wait3A_111, %dma_wait3A_112] : memref<164x64xi32, #tpu.memory_space<vmem>> -> memref<1x64xi32, #tpu.memory_space<vmem>>
    %dma_wait3A_114 = tpu.memref_squeeze %dma_wait3A_113 : memref<1x64xi32, #tpu.memory_space<vmem>> -> memref<64xi32, #tpu.memory_space<vmem>>
    %dma_wait3A_115 = arith.constant 0 : i32
    %dma_wait3A_116 = arith.constant 0 : i32
    %dma_wait3A_117 = tpu.memref_slice %arg30[%dma_wait3A_115, %dma_wait3A_116] : memref<10240x64xf32, #tpu.memory_space<vmem_shared>> -> memref<10240x64xf32, #tpu.memory_space<vmem_shared>>
    tpu.wait_indirect_dma semaphore(%arg38 : memref<!tpu.dma_semaphore, #tpu.memory_space<semaphore_mem>>) src(%arg25 : memref<64x64xf32, #tpu.memory_space<vmem>>) dst(%dma_wait3A_117 : memref<10240x64xf32, #tpu.memory_space<vmem_shared>>)
    %dma_wait3A_118 = arith.constant 162 : i32
    %dma_wait3A_119 = arith.constant 0 : i32
    %dma_wait3A_120 = tpu.memref_slice %arg12[%dma_wait3A_118, %dma_wait3A_119] : memref<164x64xi32, #tpu.memory_space<vmem>> -> memref<1x64xi32, #tpu.memory_space<vmem>>
    %dma_wait3A_121 = tpu.memref_squeeze %dma_wait3A_120 : memref<1x64xi32, #tpu.memory_space<vmem>> -> memref<64xi32, #tpu.memory_space<vmem>>
    %dma_wait3A_122 = arith.constant 0 : i32
    %dma_wait3A_123 = arith.constant 0 : i32
    %dma_wait3A_124 = tpu.memref_slice %arg31[%dma_wait3A_122, %dma_wait3A_123] : memref<10240x16xf32, #tpu.memory_space<vmem_shared>> -> memref<10240x16xf32, #tpu.memory_space<vmem_shared>>
    tpu.wait_indirect_dma semaphore(%arg38 : memref<!tpu.dma_semaphore, #tpu.memory_space<semaphore_mem>>) src(%arg26 : memref<64x16xf32, #tpu.memory_space<vmem>>) dst(%dma_wait3A_124 : memref<10240x16xf32, #tpu.memory_space<vmem_shared>>)
    %dma_wait3A_125 = arith.constant 163 : i32
    %dma_wait3A_126 = arith.constant 0 : i32
    %dma_wait3A_127 = tpu.memref_slice %arg12[%dma_wait3A_125, %dma_wait3A_126] : memref<164x64xi32, #tpu.memory_space<vmem>> -> memref<1x64xi32, #tpu.memory_space<vmem>>
    %dma_wait3A_128 = tpu.memref_squeeze %dma_wait3A_127 : memref<1x64xi32, #tpu.memory_space<vmem>> -> memref<64xi32, #tpu.memory_space<vmem>>
    %dma_wait3A_129 = arith.constant 0 : i32
    %dma_wait3A_130 = arith.constant 0 : i32
    %dma_wait3A_131 = tpu.memref_slice %arg30[%dma_wait3A_129, %dma_wait3A_130] : memref<10240x64xf32, #tpu.memory_space<vmem_shared>> -> memref<10240x64xf32, #tpu.memory_space<vmem_shared>>
    tpu.wait_indirect_dma semaphore(%arg39 : memref<!tpu.dma_semaphore, #tpu.memory_space<semaphore_mem>>) src(%arg27 : memref<64x64xf32, #tpu.memory_space<vmem>>) dst(%dma_wait3A_131 : memref<10240x64xf32, #tpu.memory_space<vmem_shared>>)
    %dma_wait3A_132 = arith.constant 163 : i32
    %dma_wait3A_133 = arith.constant 0 : i32
    %dma_wait3A_134 = tpu.memref_slice %arg12[%dma_wait3A_132, %dma_wait3A_133] : memref<164x64xi32, #tpu.memory_space<vmem>> -> memref<1x64xi32, #tpu.memory_space<vmem>>
    %dma_wait3A_135 = tpu.memref_squeeze %dma_wait3A_134 : memref<1x64xi32, #tpu.memory_space<vmem>> -> memref<64xi32, #tpu.memory_space<vmem>>
    %dma_wait3A_136 = arith.constant 0 : i32
    %dma_wait3A_137 = arith.constant 0 : i32
    %dma_wait3A_138 = tpu.memref_slice %arg31[%dma_wait3A_136, %dma_wait3A_137] : memref<10240x16xf32, #tpu.memory_space<vmem_shared>> -> memref<10240x16xf32, #tpu.memory_space<vmem_shared>>
    tpu.wait_indirect_dma semaphore(%arg39 : memref<!tpu.dma_semaphore, #tpu.memory_space<semaphore_mem>>) src(%arg28 : memref<64x16xf32, #tpu.memory_space<vmem>>) dst(%dma_wait3A_138 : memref<10240x16xf32, #tpu.memory_space<vmem_shared>>)
    %barrier3A_139 = arith.constant 0 : index
    tpu.barrier barrier_id(%barrier3A_139)
    %mul3A_140 = arith.constant 640 : i32
    %mul3A_141 = arith.muli %arg1, %mul3A_140 : i32
    %mul3A_142 = arith.constant 640 : i32
    %mul3A_143 = arith.muli %arg1, %mul3A_142 : i32
    "tpu.region"() ({
      %run_scoped3A = tpu.sem_alloc : memref<!tpu.dma_semaphore, #tpu.memory_space<semaphore_mem>>
      %dma_start3A_148 = arith.constant 0 : i32
      %dma_start3A_149 = tpu.memref_slice %arg9[%arg0, %mul3A_143, %dma_start3A_148] : memref<2x10240x64xf32, #tpu.memory_space<hbm>> -> memref<1x640x64xf32, #tpu.memory_space<hbm>>
      %dma_start3A_150 = tpu.memref_squeeze %dma_start3A_149 : memref<1x640x64xf32, #tpu.memory_space<hbm>> -> memref<640x64xf32, #tpu.memory_space<hbm>>
      %dma_start3A_151 = arith.constant 0 : i32
      %dma_start3A_152 = tpu.memref_slice %arg30[%mul3A_141, %dma_start3A_151] : memref<10240x64xf32, #tpu.memory_space<vmem_shared>> -> memref<640x64xf32, #tpu.memory_space<vmem_shared>>
      tpu.enqueue_dma source(%dma_start3A_152 : memref<640x64xf32, #tpu.memory_space<vmem_shared>>) target(%dma_start3A_150 : memref<640x64xf32, #tpu.memory_space<hbm>>) target_semaphore(%run_scoped3A : memref<!tpu.dma_semaphore, #tpu.memory_space<semaphore_mem>>)
      %dma_wait3A_153 = arith.constant 0 : i32
      %dma_wait3A_154 = tpu.memref_slice %arg9[%arg0, %mul3A_143, %dma_wait3A_153] : memref<2x10240x64xf32, #tpu.memory_space<hbm>> -> memref<1x640x64xf32, #tpu.memory_space<hbm>>
      %dma_wait3A_155 = tpu.memref_squeeze %dma_wait3A_154 : memref<1x640x64xf32, #tpu.memory_space<hbm>> -> memref<640x64xf32, #tpu.memory_space<hbm>>
      %dma_wait3A_156 = arith.constant 0 : i32
      %dma_wait3A_157 = tpu.memref_slice %arg30[%mul3A_141, %dma_wait3A_156] : memref<10240x64xf32, #tpu.memory_space<vmem_shared>> -> memref<640x64xf32, #tpu.memory_space<vmem_shared>>
      tpu.wait_dma2 semaphore(%run_scoped3A : memref<!tpu.dma_semaphore, #tpu.memory_space<semaphore_mem>>) src(%dma_wait3A_157 : memref<640x64xf32, #tpu.memory_space<vmem_shared>>) dst(%dma_wait3A_155 : memref<640x64xf32, #tpu.memory_space<hbm>>)
      tpu.yield
    }) : () -> ()
    %mul3A_144 = arith.constant 640 : i32
    %mul3A_145 = arith.muli %arg1, %mul3A_144 : i32
    %mul3A_146 = arith.constant 640 : i32
    %mul3A_147 = arith.muli %arg1, %mul3A_146 : i32
    "tpu.region"() ({
      %run_scoped3A = tpu.sem_alloc : memref<!tpu.dma_semaphore, #tpu.memory_space<semaphore_mem>>
      %dma_start3A_148 = arith.constant 0 : i32
      %dma_start3A_149 = tpu.memref_slice %arg10[%arg0, %mul3A_147, %dma_start3A_148] : memref<2x10240x16xf32, #tpu.memory_space<hbm>> -> memref<1x640x16xf32, #tpu.memory_space<hbm>>
      %dma_start3A_150 = tpu.memref_squeeze %dma_start3A_149 : memref<1x640x16xf32, #tpu.memory_space<hbm>> -> memref<640x16xf32, #tpu.memory_space<hbm>>
      %dma_start3A_151 = arith.constant 0 : i32
      %dma_start3A_152 = tpu.memref_slice %arg31[%mul3A_145, %dma_start3A_151] : memref<10240x16xf32, #tpu.memory_space<vmem_shared>> -> memref<640x16xf32, #tpu.memory_space<vmem_shared>>
      tpu.enqueue_dma source(%dma_start3A_152 : memref<640x16xf32, #tpu.memory_space<vmem_shared>>) target(%dma_start3A_150 : memref<640x16xf32, #tpu.memory_space<hbm>>) target_semaphore(%run_scoped3A : memref<!tpu.dma_semaphore, #tpu.memory_space<semaphore_mem>>)
      %dma_wait3A_153 = arith.constant 0 : i32
      %dma_wait3A_154 = tpu.memref_slice %arg10[%arg0, %mul3A_147, %dma_wait3A_153] : memref<2x10240x16xf32, #tpu.memory_space<hbm>> -> memref<1x640x16xf32, #tpu.memory_space<hbm>>
      %dma_wait3A_155 = tpu.memref_squeeze %dma_wait3A_154 : memref<1x640x16xf32, #tpu.memory_space<hbm>> -> memref<640x16xf32, #tpu.memory_space<hbm>>
      %dma_wait3A_156 = arith.constant 0 : i32
      %dma_wait3A_157 = tpu.memref_slice %arg31[%mul3A_145, %dma_wait3A_156] : memref<10240x16xf32, #tpu.memory_space<vmem_shared>> -> memref<640x16xf32, #tpu.memory_space<vmem_shared>>
      tpu.wait_dma2 semaphore(%run_scoped3A : memref<!tpu.dma_semaphore, #tpu.memory_space<semaphore_mem>>) src(%dma_wait3A_157 : memref<640x16xf32, #tpu.memory_space<vmem_shared>>) dst(%dma_wait3A_155 : memref<640x16xf32, #tpu.memory_space<hbm>>)
      tpu.yield
    }) : () -> ()
    return
  }
}

module attributes {stable_mosaic.version = 14 : i64} {
  func.func @_pre_body(%arg0: memref<10240x128xf32, #tpu.memory_space<vmem>>, %arg1: memref<128x128xf32, #tpu.memory_space<vmem>>, %arg2: memref<1x128xf32, #tpu.memory_space<vmem>>, %arg3: memref<10240x64xf32, #tpu.memory_space<vmem>>, %arg4: memref<10240x64xf32, #tpu.memory_space<vmem>>) attributes {dimension_semantics = [], scalar_prefetch = 0 : i64, scratch_operands = 0 : i64, tpu.core_type = #tpu.core_type<tc>} {
    %get3A = arith.constant 0 : index
    %get3A_0 = arith.constant 0 : index
    %get3A_1 = vector.load %arg0[%get3A, %get3A_0] : memref<10240x128xf32, #tpu.memory_space<vmem>>, vector<10240x128xf32>
    %get3A_2 = arith.constant 0 : index
    %get3A_3 = arith.constant 0 : index
    %get3A_4 = vector.load %arg1[%get3A_2, %get3A_3] : memref<128x128xf32, #tpu.memory_space<vmem>>, vector<128x128xf32>
    %dot_general3A = arith.constant dense<0.000000e+00> : vector<10240x128xf32>
    %dot_general3A_5 = tpu.matmul %get3A_1, %get3A_4, %dot_general3A {dimension_numbers = #tpu.dot_dimension_numbers<[1], [0], [0], [1], [0, 0, 1, 1], [], []>, transpose_lhs_hint = false} : vector<10240x128xf32>, vector<128x128xf32>, vector<10240x128xf32> -> vector<10240x128xf32>
    %get3A_6 = arith.constant 0 : index
    %get3A_7 = arith.constant 0 : index
    %get3A_8 = vector.load %arg2[%get3A_6, %get3A_7] : memref<1x128xf32, #tpu.memory_space<vmem>>, vector<1x128xf32>
    %add3A = vector.broadcast %get3A_8 : vector<1x128xf32> to vector<10240x128xf32>
    %add3A_9 = arith.addf %dot_general3A_5, %add3A : vector<10240x128xf32>
    %slice3A = vector.extract_strided_slice %add3A_9 {offsets = [0, 0], sizes = [10240, 64], strides = [1, 1]} : vector<10240x128xf32> to vector<10240x64xf32>
    %swap3A = arith.constant 0 : index
    %swap3A_10 = arith.constant 0 : index
    %swap3A_11 = vector.load %arg3[%swap3A, %swap3A_10] : memref<10240x64xf32, #tpu.memory_space<vmem>>, vector<10240x64xf32>
    tpu.vector_store %arg3[%swap3A, %swap3A_10], %slice3A {strides = array<i32>} : memref<10240x64xf32, #tpu.memory_space<vmem>>, vector<10240x64xf32>,
    %slice3A_12 = vector.extract_strided_slice %add3A_9 {offsets = [0, 64], sizes = [10240, 64], strides = [1, 1]} : vector<10240x128xf32> to vector<10240x64xf32>
    %swap3A_13 = arith.constant 0 : index
    %swap3A_14 = arith.constant 0 : index
    %swap3A_15 = vector.load %arg4[%swap3A_13, %swap3A_14] : memref<10240x64xf32, #tpu.memory_space<vmem>>, vector<10240x64xf32>
    tpu.vector_store %arg4[%swap3A_13, %swap3A_14], %slice3A_12 {strides = array<i32>} : memref<10240x64xf32, #tpu.memory_space<vmem>>, vector<10240x64xf32>,
    return
  }
}

module attributes {stable_mosaic.version = 14 : i64} {
  func.func @_mid_body(%arg0: memref<2x10240x64xf32, #tpu.memory_space<vmem>>, %arg1: memref<2x10240x16xf32, #tpu.memory_space<vmem>>, %arg2: memref<1x64xf32, #tpu.memory_space<vmem>>, %arg3: memref<64x2xf32, #tpu.memory_space<vmem>>, %arg4: memref<1x1xf32, #tpu.memory_space<vmem>>, %arg5: memref<10000x64xf32, #tpu.memory_space<vmem>>, %arg6: memref<10000x1xf32, #tpu.memory_space<vmem>>, %arg7: memref<10000x1xf32, #tpu.memory_space<vmem>>) attributes {dimension_semantics = [], scalar_prefetch = 0 : i64, scratch_operands = 0 : i64, tpu.core_type = #tpu.core_type<tc>} {
    %get3A = arith.constant 0 : index
    %get3A_0 = arith.constant 0 : index
    %get3A_1 = arith.constant 0 : index
    %get3A_2 = vector.load %arg0[%get3A, %get3A_0, %get3A_1] : memref<2x10240x64xf32, #tpu.memory_space<vmem>>, vector<1x10240x64xf32>
    %get3A_3 = vector.shape_cast %get3A_2 : vector<1x10240x64xf32> to vector<10240x64xf32>
    %slice3A = vector.extract_strided_slice %get3A_3 {offsets = [0, 0], sizes = [10000, 64], strides = [1, 1]} : vector<10240x64xf32> to vector<10000x64xf32>
    %get3A_4 = arith.constant 1 : index
    %get3A_5 = arith.constant 0 : index
    %get3A_6 = arith.constant 0 : index
    %get3A_7 = vector.load %arg0[%get3A_4, %get3A_5, %get3A_6] : memref<2x10240x64xf32, #tpu.memory_space<vmem>>, vector<1x10240x64xf32>
    %get3A_8 = vector.shape_cast %get3A_7 : vector<1x10240x64xf32> to vector<10240x64xf32>
    %slice3A_9 = vector.extract_strided_slice %get3A_8 {offsets = [0, 0], sizes = [10000, 64], strides = [1, 1]} : vector<10240x64xf32> to vector<10000x64xf32>
    %add3A = arith.addf %slice3A, %slice3A_9 : vector<10000x64xf32>
    %get3A_10 = arith.constant 0 : index
    %get3A_11 = arith.constant 0 : index
    %get3A_12 = arith.constant 0 : index
    %get3A_13 = vector.load %arg1[%get3A_10, %get3A_11, %get3A_12] : memref<2x10240x16xf32, #tpu.memory_space<vmem>>, vector<1x10240x16xf32>
    %get3A_14 = vector.shape_cast %get3A_13 : vector<1x10240x16xf32> to vector<10240x16xf32>
    %slice3A_15 = vector.extract_strided_slice %get3A_14 {offsets = [0, 0], sizes = [10000, 16], strides = [1, 1]} : vector<10240x16xf32> to vector<10000x16xf32>
    %get3A_16 = arith.constant 1 : index
    %get3A_17 = arith.constant 0 : index
    %get3A_18 = arith.constant 0 : index
    %get3A_19 = vector.load %arg1[%get3A_16, %get3A_17, %get3A_18] : memref<2x10240x16xf32, #tpu.memory_space<vmem>>, vector<1x10240x16xf32>
    %get3A_20 = vector.shape_cast %get3A_19 : vector<1x10240x16xf32> to vector<10240x16xf32>
    %slice3A_21 = vector.extract_strided_slice %get3A_20 {offsets = [0, 0], sizes = [10000, 16], strides = [1, 1]} : vector<10240x16xf32> to vector<10000x16xf32>
    %add3A_22 = arith.addf %slice3A_15, %slice3A_21 : vector<10000x16xf32>
    %slice3A_23 = vector.extract_strided_slice %add3A_22 {offsets = [0, 0], sizes = [10000, 1], strides = [1, 1]} : vector<10000x16xf32> to vector<10000x1xf32>
    %add3A_24 = arith.constant 1.000000e-16 : f32
    %add3A_25 = vector.broadcast %add3A_24 : f32 to vector<10000x1xf32>
    %add3A_26 = arith.addf %slice3A_23, %add3A_25 : vector<10000x1xf32>
    %slice3A_27 = vector.extract_strided_slice %add3A_22 {offsets = [0, 1], sizes = [10000, 1], strides = [1, 1]} : vector<10000x16xf32> to vector<10000x1xf32>
    %add3A_28 = arith.constant 1.000000e-16 : f32
    %add3A_29 = vector.broadcast %add3A_28 : f32 to vector<10000x1xf32>
    %add3A_30 = arith.addf %slice3A_27, %add3A_29 : vector<10000x1xf32>
    %slice3A_31 = vector.extract_strided_slice %add3A {offsets = [0, 0], sizes = [10000, 32], strides = [1, 1]} : vector<10000x64xf32> to vector<10000x32xf32>
    %div3A = vector.broadcast %add3A_26 : vector<10000x1xf32> to vector<10000x32xf32>
    %div3A_32 = arith.divf %slice3A_31, %div3A : vector<10000x32xf32>
    %slice3A_33 = vector.extract_strided_slice %add3A {offsets = [0, 32], sizes = [10000, 32], strides = [1, 1]} : vector<10000x64xf32> to vector<10000x32xf32>
    %div3A_34 = vector.broadcast %add3A_30 : vector<10000x1xf32> to vector<10000x32xf32>
    %div3A_35 = arith.divf %slice3A_33, %div3A_34 : vector<10000x32xf32>
    %concatenate3A = tpu.concatenate %div3A_32, %div3A_35 in 1 : vector<10000x32xf32>, vector<10000x32xf32> -> vector<10000x64xf32>
    %get3A_36 = arith.constant 0 : index
    %get3A_37 = arith.constant 0 : index
    %get3A_38 = vector.load %arg2[%get3A_36, %get3A_37] : memref<1x64xf32, #tpu.memory_space<vmem>>, vector<1x64xf32>
    %add3A_39 = vector.broadcast %get3A_38 : vector<1x64xf32> to vector<10000x64xf32>
    %add3A_40 = arith.addf %concatenate3A, %add3A_39 : vector<10000x64xf32>
    %swap3A = arith.constant 0 : index
    %swap3A_41 = arith.constant 0 : index
    %swap3A_42 = vector.load %arg5[%swap3A, %swap3A_41] : memref<10000x64xf32, #tpu.memory_space<vmem>>, vector<10000x64xf32>
    tpu.vector_store %arg5[%swap3A, %swap3A_41], %add3A_40 {strides = array<i32>} : memref<10000x64xf32, #tpu.memory_space<vmem>>, vector<10000x64xf32>,
    %get3A_43 = arith.constant 0 : index
    %get3A_44 = arith.constant 0 : index
    %get3A_45 = vector.load %arg3[%get3A_43, %get3A_44] : memref<64x2xf32, #tpu.memory_space<vmem>>, vector<64x2xf32>
    %dot_general3A = arith.constant dense<0.000000e+00> : vector<10000x2xf32>
    %dot_general3A_46 = tpu.matmul %add3A_40, %get3A_45, %dot_general3A {dimension_numbers = #tpu.dot_dimension_numbers<[1], [0], [0], [1], [0, 0, 1, 1], [], []>, transpose_lhs_hint = false} : vector<10000x64xf32>, vector<64x2xf32>, vector<10000x2xf32> -> vector<10000x2xf32>
    %slice3A_47 = vector.extract_strided_slice %dot_general3A_46 {offsets = [0, 0], sizes = [10000, 1], strides = [1, 1]} : vector<10000x2xf32> to vector<10000x1xf32>
    %swap3A_48 = arith.constant 0 : index
    %swap3A_49 = arith.constant 0 : index
    %swap3A_50 = vector.load %arg6[%swap3A_48, %swap3A_49] : memref<10000x1xf32, #tpu.memory_space<vmem>>, vector<10000x1xf32>
    tpu.vector_store %arg6[%swap3A_48, %swap3A_49], %slice3A_47 {strides = array<i32>} : memref<10000x1xf32, #tpu.memory_space<vmem>>, vector<10000x1xf32>,
    %slice3A_51 = vector.extract_strided_slice %dot_general3A_46 {offsets = [0, 1], sizes = [10000, 1], strides = [1, 1]} : vector<10000x2xf32> to vector<10000x1xf32>
    %get3A_52 = arith.constant 0 : index
    %get3A_53 = arith.constant 0 : index
    %get3A_54 = vector.load %arg4[%get3A_52, %get3A_53] : memref<1x1xf32, #tpu.memory_space<vmem>>, vector<1x1xf32>
    %add3A_55 = vector.broadcast %get3A_54 : vector<1x1xf32> to vector<10000x1xf32>
    %add3A_56 = arith.addf %slice3A_51, %add3A_55 : vector<10000x1xf32>
    %swap3A_57 = arith.constant 0 : index
    %swap3A_58 = arith.constant 0 : index
    %swap3A_59 = vector.load %arg7[%swap3A_57, %swap3A_58] : memref<10000x1xf32, #tpu.memory_space<vmem>>, vector<10000x1xf32>
    tpu.vector_store %arg7[%swap3A_57, %swap3A_58], %add3A_56 {strides = array<i32>} : memref<10000x1xf32, #tpu.memory_space<vmem>>, vector<10000x1xf32>,
    return
  }
}

module attributes {stable_mosaic.version = 14 : i64} {
  func.func @_post_body(%arg0: memref<10000x64xf32, #tpu.memory_space<vmem>>, %arg1: memref<2x10240x1xf32, #tpu.memory_space<vmem>>, %arg2: memref<10000x1xf32, #tpu.memory_space<vmem>>, %arg3: memref<10000x1xi32, #tpu.memory_space<vmem>>, %arg4: memref<64x64xf32, #tpu.memory_space<vmem>>) attributes {dimension_semantics = [], scalar_prefetch = 0 : i64, scratch_operands = 0 : i64, tpu.core_type = #tpu.core_type<tc>} {
    %get3A = arith.constant 0 : index
    %get3A_0 = arith.constant 0 : index
    %get3A_1 = arith.constant 0 : index
    %get3A_2 = vector.load %arg1[%get3A, %get3A_0, %get3A_1] : memref<2x10240x1xf32, #tpu.memory_space<vmem>>, vector<1x10240x1xf32>
    %get3A_3 = vector.shape_cast %get3A_2 : vector<1x10240x1xf32> to vector<10240x1xf32>
    %slice3A = vector.extract_strided_slice %get3A_3 {offsets = [0, 0], sizes = [10000, 1], strides = [1, 1]} : vector<10240x1xf32> to vector<10000x1xf32>
    %get3A_4 = arith.constant 1 : index
    %get3A_5 = arith.constant 0 : index
    %get3A_6 = arith.constant 0 : index
    %get3A_7 = vector.load %arg1[%get3A_4, %get3A_5, %get3A_6] : memref<2x10240x1xf32, #tpu.memory_space<vmem>>, vector<1x10240x1xf32>
    %get3A_8 = vector.shape_cast %get3A_7 : vector<1x10240x1xf32> to vector<10240x1xf32>
    %slice3A_9 = vector.extract_strided_slice %get3A_8 {offsets = [0, 0], sizes = [10000, 1], strides = [1, 1]} : vector<10240x1xf32> to vector<10000x1xf32>
    %add3A = arith.addf %slice3A, %slice3A_9 : vector<10000x1xf32>
    %get3A_10 = arith.constant 0 : index
    %get3A_11 = arith.constant 0 : index
    %get3A_12 = vector.load %arg2[%get3A_10, %get3A_11] : memref<10000x1xf32, #tpu.memory_space<vmem>>, vector<10000x1xf32>
    %add3A_13 = arith.addf %add3A, %get3A_12 : vector<10000x1xf32>
    %reduce_max3A = vector.shape_cast %add3A_13 : vector<10000x1xf32> to vector<1x10000x1xf32>
    %reduce_max3A_14 = arith.constant dense<0xFF800000> : vector<1xf32>
    %reduce_max3A_15 = vector.multi_reduction <maximumf>, %reduce_max3A, %reduce_max3A_14 [1, 2] : vector<1x10000x1xf32> to vector<1xf32>
    %reduce_max3A_16 = vector.shape_cast %reduce_max3A_15 : vector<1xf32> to vector<1x1x1xf32>
    %reduce_max3A_17 = vector.extract %reduce_max3A_16[0, 0, 0] : f32 from vector<1x1x1xf32>
    %sub3A = vector.broadcast %reduce_max3A_17 : f32 to vector<10000x1xf32>
    %sub3A_18 = arith.subf %add3A_13, %sub3A : vector<10000x1xf32>
    %exp3A = math.exp %sub3A_18 : vector<10000x1xf32>
    %iota3A = tpu.iota {dimensions = array<i32: 1>} : vector<1x64xi32>
    %get3A_19 = arith.constant 0 : index
    %get3A_20 = arith.constant 0 : index
    %get3A_21 = vector.load %arg3[%get3A_19, %get3A_20] : memref<10000x1xi32, #tpu.memory_space<vmem>>, vector<10000x1xi32>
    %eq3A = vector.broadcast %get3A_21 : vector<10000x1xi32> to vector<10000x64xi32>
    %eq3A_22 = vector.broadcast %iota3A : vector<1x64xi32> to vector<10000x64xi32>
    %eq3A_23 = arith.cmpi eq, %eq3A, %eq3A_22 : vector<10000x64xi32>
    %convert_element_type3A = arith.extui %eq3A_23 : vector<10000x64xi1> to vector<10000x64xi32>
    %convert_element_type3A_24 = arith.sitofp %convert_element_type3A : vector<10000x64xi32> to vector<10000x64xf32>
    %mul3A = vector.broadcast %exp3A : vector<10000x1xf32> to vector<10000x64xf32>
    %mul3A_25 = arith.mulf %convert_element_type3A_24, %mul3A : vector<10000x64xf32>
    %reduce_sum3A = arith.constant dense<0.000000e+00> : vector<64xf32>
    %reduce_sum3A_26 = vector.multi_reduction <add>, %mul3A_25, %reduce_sum3A [0] : vector<10000x64xf32> to vector<64xf32>
    %broadcast_in_dim3A = vector.shape_cast %reduce_sum3A_26 : vector<64xf32> to vector<1x64xf32>
    %reduce_sum3A_27 = arith.constant dense<0.000000e+00> : vector<64xf32>
    %reduce_sum3A_28 = vector.multi_reduction <add>, %convert_element_type3A_24, %reduce_sum3A_27 [0] : vector<10000x64xf32> to vector<64xf32>
    %broadcast_in_dim3A_29 = vector.shape_cast %reduce_sum3A_28 : vector<64xf32> to vector<1x64xf32>
    %get3A_30 = arith.constant 0 : index
    %get3A_31 = arith.constant 0 : index
    %get3A_32 = vector.load %arg0[%get3A_30, %get3A_31] : memref<10000x64xf32, #tpu.memory_space<vmem>>, vector<10000x64xf32>
    %dot_general3A = arith.constant dense<0.000000e+00> : vector<64x64xf32>
    %dot_general3A_33 = tpu.matmul %mul3A_25, %get3A_32, %dot_general3A {dimension_numbers = #tpu.dot_dimension_numbers<[0], [0], [1], [1], [0, 1, 1, 1], [], []>, transpose_lhs_hint = false} : vector<10000x64xf32>, vector<10000x64xf32>, vector<64x64xf32> -> vector<64x64xf32>
    %max3A = arith.constant 1.000000e+00 : f32
    %max3A_34 = vector.broadcast %max3A : f32 to vector<1x64xf32>
    %max3A_35 = arith.maximumf %broadcast_in_dim3A_29, %max3A_34 : vector<1x64xf32>
    %div3A = arith.constant 1.000000e+00 : f32
    %div3A_36 = vector.broadcast %div3A : f32 to vector<1x64xf32>
    %div3A_37 = arith.divf %div3A_36, %max3A_35 : vector<1x64xf32>
    %add3A_38 = arith.constant 1.000000e+00 : f32
    %add3A_39 = vector.broadcast %add3A_38 : f32 to vector<1x64xf32>
    %add3A_40 = arith.addf %add3A_39, %div3A_37 : vector<1x64xf32>
    %add3A_41 = arith.constant 1.000000e-16 : f32
    %add3A_42 = vector.broadcast %add3A_41 : f32 to vector<1x64xf32>
    %add3A_43 = arith.addf %broadcast_in_dim3A, %add3A_42 : vector<1x64xf32>
    %div3A_44 = arith.divf %add3A_40, %add3A_43 : vector<1x64xf32>
    %reshape3A = vector.shape_cast %div3A_44 : vector<1x64xf32> to vector<64x1xf32>
    %mul3A_45 = vector.broadcast %reshape3A : vector<64x1xf32> to vector<64x64xf32>
    %mul3A_46 = arith.mulf %dot_general3A_33, %mul3A_45 : vector<64x64xf32>
    %swap3A = arith.constant 0 : index
    %swap3A_47 = arith.constant 0 : index
    %swap3A_48 = vector.load %arg4[%swap3A, %swap3A_47] : memref<64x64xf32, #tpu.memory_space<vmem>>, vector<64x64xf32>
    tpu.vector_store %arg4[%swap3A, %swap3A_47], %mul3A_46 {strides = array<i32>} : memref<64x64xf32, #tpu.memory_space<vmem>>, vector<64x64xf32>,
    return
  }
}

</mosaic_0001>

<sc_bundles>
// kernel: kernel.10.cloned.1.call-start
scs
__scs_entry_jumppad:
0x0: {  	(pc) =	sbr.rel $0x88, $3  }
0x1: {  	(tag) =	ssettag $0x0;
	lr =	simm.s32 $0x1  }
0x2: {  	[smem:$0x3F95] =	sst lr;
	_ =	strace $0xD0000000  }
0x3: {  	_ = 	snop  }
0x4: {  	_ = 	snop  }
0x5: {  	_ = 	snop  }
0x6: {  	_ = 	snop  }
0x7: {  	_ = 	snop  }
__scs_overlays_trampoline_lowered:
0x8: {  	[smem:$0x3FA4] =	sst s0  }
0x9: {  	[smem:$0x3FA5] =	sst s1  }
0xa: {  	[smem:$0x3FA6] =	sst s2  }
0xb: {  	[smem:$0x3FA7] =	sst s3  }
0xc: {  	[smem:$0x3FA8] =	sst s4  }
0xd: {  	[smem:$0x3FA9] =	sst s5  }
0xe: {  	[smem:$0x3FAA] =	sst s6  }
0xf: {  	[smem:$0x3FAB] =	sst s7  }
0x10: {  	[smem:$0x3FAC] =	sst s8  }
0x11: {  	[smem:$0x3FAD] =	sst s9;
	s0 =	simm.s32 @!p0 $0x0  }
0x12: {  	s1 =	sld [smem:$0x3F93];
	s0 =	simm.s32 @p0 $0x1  }
0x13: {  	[smem:$0x3FAE] =	sst s0;
	s0 =	simm.s32 @!p1 $0x0  }
0x14: {  	s2 =	sld [smem:$0x3F92];
	s0 =	simm.s32 @p1 $0x1  }
0x15: {  	[smem:$0x3FAF] =	sst s0;
	s0 =	simm.s32 @!p2 $0x0  }
0x16: {  	s3 =	sld [smem:$0x3FDB];
	s0 =	simm.s32 @p2 $0x1  }
0x17: {  	s4 =	simm.s32 $0x1BF5;
	[smem:$0x3FB1] =	sst s0  }
0x18: {  	s0 =	sld [smem:$0x3F94];
	_ =	swait.ge [sflag:s4], $0x0  }
0x19: {  	s7 =	sld [smem:$0x3F95]  }
0x1a: {  	s8 =	sadd.s32 $0xFFFFE003, lr  }
0x1b: {  	s9 =	sadd.s32 $0xFFFFFEF7, lr;
	s5 =	simm.s32 $0xFFFFFFFF;
	p2 =	slt.u32 s8, $0xFFFFF086  }
0x1c: {  	p1 =	slt.u32 s9, $0xF7A;
	s5 =	simm.s32 @!p2 $0x0  }
0x1d: {  	s5 =	simm.s32 @p1 $0x1;
	p0 =	seq.s32 s7, s2  }
0x1e: {  	s7 =	smul.u32 @!p0 $0xF7A, s2;
	p2 =	seq.s32 @!p0 s5, $0x0  }
0x1f: {  	s9 =	smul.u32 $0xF7A, s1;
	s8 =	simm.s32 @!p0 $0x1BF5;
	p2 =	por !p2, p0  }
0x20: {  	[sflag:s8] =	ssyncset.s32 @!p0 $0xFFFFF086;
	s6 =	sadd.s32 @!p0 s3, s7;
	s7 =	simm.s32 @!p0 $0x108  }
0x21: {  	s3 =	sadd.s32 s3, s9;
	s6 =	sadd.s32 @!p0 $0x88, s6;
	s7 =	simm.s32 @p2 $0x1082  }
0x22: {  	[simem:s7], [sflag:s8] =	dma.local @!p0 [hbm:s6], $0xF7A  }
0x23: {  	s9 =	sor.u32 $0xD0000000, s2;
	s6 =	simm.s32 $0x108;
	_ =	swait.ge @!p0 [sflag:s8], $0x0  }
0x24: {  	s3 =	sadd.s32 $0x88, s3;
	s6 =	simm.s32 @!p1 $0x1082;
	[sflag:s4] =	ssyncset.s32 $0xFFFFF086  }
0x25: {  	[simem:s6], [sflag:s4] =	dma.local [hbm:s3], $0xF7A  }
0x26: {  	[smem:$0x3F95] =	sst s1;
	(tag) =	ssettag s2;
	_ =	strace s9  }
0x27: {  	s1 =	sld [smem:$0x3FA5]  }
0x28: {  	s2 =	sld [smem:$0x3FA6]  }
0x29: {  	s4 =	sld [smem:$0x3FA8]  }
0x2a: {  	p0 =	seq.s32 s5, $0x0;
	s5 =	sld [smem:$0x3FA9]  }
0x2b: {  	s6 =	sld [smem:$0x3FAA]  }
0x2c: {  	s7 =	sld [smem:$0x3FAB]  }
0x2d: {  	s3 =	simm.s32 $0x108;
	s8 =	sld [smem:$0x3FAC]  }
0x2e: {  	s3 =	simm.s32 @!p0 $0x1082;
	s9 =	sld [smem:$0x3FAD]  }
0x2f: {  	lr =	sadd.s32 s0, s3;
	s0 =	sld [smem:$0x3FA4]  }
0x30: {  	s3 =	sld [smem:$0x3FA7]  }
0x31: {  	[smem:$0x3FB0] =	sst s10  }
0x32: {  	s10 =	sld [smem:$0x3FAE];
	_ =	sdelay $0x3  }
0x33: {  	p0 =	seq.s32 s10, $0x1;
	s10 =	sld [smem:$0x3FB0];
	_ =	sdelay $0x3  }
0x34: {  	[smem:$0x3FB0] =	sst s10  }
0x35: {  	s10 =	sld [smem:$0x3FAF];
	_ =	sdelay $0x3  }
0x36: {  	p1 =	seq.s32 s10, $0x1;
	s10 =	sld [smem:$0x3FB0];
	_ =	sdelay $0x3  }
0x37: {  	[smem:$0x3FB0] =	sst s10  }
0x38: {  	s10 =	sld [smem:$0x3FB1]  }
0x39: {  	_ = 	snop;
	(pc) =	sbr.ind lr, $3  }
0x3a: {  	_ = 	snop  }
0x3b: {  	_ = 	snop  }
0x3c: {  	p2 =	seq.s32 s10, $0x1;
	s10 =	sld [smem:$0x3FB0]  }
0x3d: {  	_ =	shalt  }
0x3e: {  	_ =	shalt  }
0x3f: {  	_ =	shalt  }
0x40: {  	_ =	shalt  }
0x41: {  	_ =	shalt  }
0x42: {  	_ =	shalt  }
0x43: {  	_ =	shalt  }
0x44: {  	_ =	shalt  }
0x45: {  	_ =	shalt  }
0x46: {  	_ =	shalt  }
0x47: {  	_ =	shalt  }
0x48: {  	_ =	shalt  }
0x49: {  	_ =	shalt  }
0x4a: {  	_ =	shalt  }
0x4b: {  	_ =	shalt  }
0x4c: {  	_ =	shalt  }
0x4d: {  	_ =	shalt  }
0x4e: {  	_ =	shalt  }
0x4f: {  	_ =	shalt  }
0x50: {  	_ =	shalt  }
0x51: {  	_ =	shalt  }
0x52: {  	_ =	shalt  }
0x53: {  	_ =	shalt  }
0x54: {  	_ =	shalt  }
0x55: {  	_ =	shalt  }
0x56: {  	_ =	shalt  }
0x57: {  	_ =	shalt  }
0x58: {  	_ =	shalt  }
0x59: {  	_ =	shalt  }
0x5a: {  	_ =	shalt  }
0x5b: {  	_ =	shalt  }
0x5c: {  	_ =	shalt  }
0x5d: {  	_ =	shalt  }
0x5e: {  	_ =	shalt  }
0x5f: {  	_ =	shalt  }
0x60: {  	_ =	shalt  }
0x61: {  	_ =	shalt  }
0x62: {  	_ =	shalt  }
0x63: {  	_ =	shalt  }
0x64: {  	_ =	shalt  }
0x65: {  	_ =	shalt  }
0x66: {  	_ =	shalt  }
0x67: {  	_ =	shalt  }
0x68: {  	_ =	shalt  }
0x69: {  	_ =	shalt  }
0x6a: {  	_ =	shalt  }
0x6b: {  	_ =	shalt  }
0x6c: {  	_ =	shalt  }
0x6d: {  	_ =	shalt  }
0x6e: {  	_ =	shalt  }
0x6f: {  	_ =	shalt  }
0x70: {  	_ =	shalt  }
0x71: {  	_ =	shalt  }
0x72: {  	_ =	shalt  }
0x73: {  	_ =	shalt  }
0x74: {  	_ =	shalt  }
0x75: {  	_ =	shalt  }
0x76: {  	_ =	shalt  }
0x77: {  	_ =	shalt  }
0x78: {  	_ =	shalt  }
0x79: {  	_ =	shalt  }
0x7a: {  	_ =	shalt  }
0x7b: {  	_ =	shalt  }
0x7c: {  	_ =	shalt  }
0x7d: {  	_ =	shalt  }
0x7e: {  	_ =	shalt  }
0x7f: {  	_ =	shalt  }
0x80: {  	_ =	shalt  }
0x81: {  	_ =	shalt  }
0x82: {  	_ =	shalt  }
0x83: {  	_ =	shalt  }
0x84: {  	_ =	shalt  }
0x85: {  	_ =	shalt  }
0x86: {  	_ =	shalt  }
0x87: {  	_ =	shalt  }
.Lfunc_end0:
.L_simem_size_0:
called_computation.1_lowered:
.L_overlay_start_0:
0x88: {  	s2 =	sld [smem:$0x3FD9]  }
0x89: {  	s3 =	sld [smem:$0x3FFE];
	_ =	sdelay $0x1  }
0x8a: {  	s1 =	srdreg.scid  }
0x8b: {  	s0 =	sand.u32 $0x1, s1  }
0x8c: {  	s16 =	sshll.u32 s0, $0xA;
	s2 =	sadd.s32 s3, s2  }
0x8d: {  	s2 =	sadd.s32 s2, s16  }
0x8e: {  	[smem:$0x3FBC] =	sst s2  }
0x8f: {  	_ = 	snop  }
0x90: {  	(tm) =	ssettm $0x1  }
0x91: {  	s17 =	sld [smem:$0x3FFB];
	_ =	sdelay $0x3  }
0x92: {  	_ =	strace s17  }
0x93: {  	s2 =	sld [smem:$0x3FFC];
	_ =	sdelay $0x3  }
0x94: {  	_ =	strace s2  }
0x95: {  	s2 =	sld [smem:$0x3FFD];
	_ =	sdelay $0x3  }
0x96: {  	_ =	strace s2  }
0x97: {  	_ =	strace $0x8FFFFFFF  }
0x98: {  	s18 =	sld [smem:$0x3FDB];
	_ =	sdelay $0x1  }
0x99: {  	s19 =	simm.s32 $_scs_section_size  }
0x9a: {  	s4 =	simm.s32 $_size__tile_overlayer_lowered;
	s5 =	simm.s32 $_tile_overlayer_lowered  }
0x9b: {  	s22 =	simm.s32 $0x1BFF;
	s21 =	sshll.u32 s5, $0x1;
	s2 =	sadd.s32 s19, s18  }
0x9c: {  	s6 =	simm.s32 $0x0;
	s20 =	sshll.u32 s4, $0x1;
	s4 =	sadd.s32 s21, s2  }
0x9d: {  	[timem:s6], [sflag:s22] =	dma.local [hbm:s4], s20  }
0x9e: {  	_ =	swait.ge [sflag:s22], s20  }
0x9f: {  	s3 =	ssub.s32 $0x0, s20;
	[sflag:s22] =	ssyncset.done $0x0  }
0xa0: {  	[sflag:s22] =	ssyncadd.s32 s3;
	_ =	sdelay $0x1  }
0xa1: {  	s23 =	simm.s32 $0x1B8B  }
0xa2: {  	_ =	swait.ge [sflag:s23], $0x1  }
0xa3: {  	[sflag:s23] =	ssyncset.done $0x0  }
0xa4: {  	s25 =	simm.s32 $0x1B8E;
	s24 =	sld [smem:$0x3FFE];
	[sflag:s23] =	ssyncadd.s32 $0xFFFFFFFF  }
0xa5: {  	s26 =	simm.s32 $execute0_lowered;
	[smem:$0x3FD2] =	sst s25  }
0xa6: {  	s4 =	sshll.u32 s26, $0x1;
	_ =	strace $0x80000049;
	[dreg:$0x1] =	wrdreg $0xFFFFFFFF  }
0xa7: {  	s28 =	simm.s32 $_size_execute0_lowered;
	s2 =	sadd.s32 s2, s4;
	[dreg:$0x0] =	wrdreg $0x0  }
0xa8: {  	s4 =	sshll.u32 s28, $0x1;
	[dreg:$0x2] =	wrdreg s2  }
0xa9: {  	[dreg:$0x3] =	wrdreg s4  }
0xaa: {  	[dreg:$0x4] =	wrdreg $0xC0  }
0xab: {  	_ =	task [dreg:s6], $0x5FFFF  }
0xac: {  	[dreg:$0x1] =	wrdreg $0xFFFFFFFF  }
0xad: {  	[dreg:$0x0] =	wrdreg $0x60  }
0xae: {  	[dreg:$0x2] =	wrdreg s24  }
0xaf: {  	[dreg:$0x3] =	wrdreg $0x9FB00  }
0xb0: {  	[dreg:$0x4] =	wrdreg $0x9  }
0xb1: {  	_ =	task.clear_ibuf [dreg:s6], $0x5FFFF;
	_ =	strace $0x90000049  }
0xb2: {  	s29 =	simm.s32 $0x9;
	_ =	strace $0x8000004B  }
0xb3: {  	_ =	swait.ge [sflag:s29], $0x1  }
0xb4: {  	[sflag:s29] =	ssyncadd.s32 $0xFFFFFFFF  }
0xb5: {  	_ =	strace $0x9000004B  }
0xb6: {  	_ =	sfence  }
0xb7: {  	s30 =	sld [smem:$0x0];
	_ =	sdelay $0x2  }
0xb8: {  	s31 =	sshll.u32 s1, $0xD;
	s1 =	sshrl.u32 s1, $0x2  }
0xb9: {  	s3 =	sand.u32 $0x4000, s31;
	s1 =	sadd.s32 s1, s30  }
0xba: {  	s0 =	sor.u32 s3, s0;
	s1 =	sshll.u32 s1, $0x11  }
0xbb: {  	s0 =	sor.u32 s1, s0  }
0xbc: {  	s0 =	sadd.s32 $0x8F2B, s0  }
0xbd: {  	[sflag:s0] =	ssyncadd.remote.s32 $0x1  }
0xbe: {  	_ =	sfence.sel $0xFFFF  }
0xbf: {  	[dreg:$0x0] =	wrdreg $0xFFFFFFFF;
	(pc) =	sbr.abs _section_cstart, $3  }
0xc0: {  	[dreg:$0x1] =	wrdreg $0xFFFFFFFF  }
0xc1: {  	_ =	task.clear_ibuf [dreg:s6], $0x2FFFF;
	_ =	strace $0x9FFFFFFF  }
0xc2: {  	(tm) =	ssettm $0x7FFFFFFF  }
0xc3: {  	_ =	shalt  }
tec
execute0_lowered:
.L_overlay_start_1:
0x0: {  	(tag) =	ssettag $0x1  }
0x1: {  	s6 =	rddreg [dreg:$0x0];
	s0 =	srdreg.scid  }
0x2: {  	s2 =	rddreg [dreg:$0x1];
	s1 =	stileid.u32  }
0x3: {  	s3 =	simm.s32 $0x0;
	s14 =	simm.s32 $0x2710;
	s15 =	simm.s32 $0x4E20  }
0x4: {  	s16 =	simm.s32 $0x7530;
	s17 =	simm.s32 $0x280;
	s18 =	simm.s32 $0x9D30  }
0x5: {  	s19 =	simm.s32 $0x0;
	s5 =	sand.u32 $0x1, s0;
	s0 =	rddreg [dreg:$0x2]  }
0x6: {  	s7 =	smul.u32 $0x280, s1;
	[smem:$0x7FF] =	sst s3;
	s31 =	sshll.u32 s1, $0x6  }
0x7: {  	s4 =	sshll.u32 s5, $0x4;
	s8 =	smul.u32 $0x2800, s5;
	_ =	strace $0x8000004A  }
0x8: {  	s10 =	ssub.s32 $0x2, s5;
	s5 =	sadd.s32 $0x47C00, s6;
	s4 =	sor.u32 s1, s4  }
0x9: {  	s29 =	sshrl.u32 s10, $0x1;
	s30 =	sshrl.u32 s7, $0x3;
	s13 =	sadd.s32 s7, s2  }
0xa: {  	s9 =	smul.u32 $0x4E2, s4;
	s4 =	sadd.s32 $0x15800, s6;
	s8 =	sadd.s32 s7, s8  }
0xb: {  	s12 =	ssub.s32 s10, s29;
	s7 =	sor.u32 $0x1C01, s31;
	s8 =	sshrl.u32 s8, $0x3  }
0xc: {  	s9 =	sadd.s32 s9, s6;
	s11 =	sadd.s32 s8, s6;
	s6 =	sadd.s32 s5, s30  }
0xd: {  	s8 =	sadd.s32 $0xBA00, s9;
	s9 =	sadd.s32 $0x1C00, s9;
	s10 =	sadd.s32 $0x15E00, s11  }
0xe: {  	v0 =	vlaneseq.u32;
	s11 =	smax.u32 s12, $0x1;
	s12 =	sshrl.u32 s13, $0x3;
	s13 =	simm.s32 $0x1  }
.LBB2_1:
0xf: {  	[spmem:s12], [sflag:s7] =	dma.local [hbm:s6], $0x50  }
0x10: {  	_ =	swait.ge [sflag:s13], $0x50  }
0x11: {  	[sflag:s13] =	ssyncset.done $0x0  }
0x12: {  	[sflag:s13] =	ssyncadd.s32 $0xFFFFFFB0  }
0x13: {  	[bflag:$0x0] =	sbarrier.arrive $0xFFFF  }
0x14: {  	[tilespmem:s3], [sflag:$0x1] =	stream.linear.gather [hbm4b:s4+s3], $0x2710, $0x38;
	[tilespmem:$0xA230] =	vst v63  }
0x15: {  	_ =	swait.ge [sflag:s13], $0x2710  }
0x16: {  	[sflag:s13] =	ssyncset.done $0x0  }
0x17: {  	[sflag:s13] =	ssyncadd.s32 $0xFFFFD8F0  }
0x18: {  	[tilespmem:s14], [sflag:$0x1] =	stream.linear.gather [hbm4b:s8+s3], $0x2710, $0x38;
	[tilespmem:$0xA230] =	vst v63  }
0x19: {  	_ =	swait.ge [sflag:s13], $0x2710  }
0x1a: {  	[sflag:s13] =	ssyncset.done $0x0  }
0x1b: {  	[sflag:s13] =	ssyncadd.s32 $0xFFFFD8F0  }
0x1c: {  	[tilespmem:s15], [sflag:$0x1] =	stream.linear.gather [hbm4b:s9+s3], $0x2710, $0x38;
	[tilespmem:$0xA230] =	vst v63  }
0x1d: {  	_ =	swait.ge [sflag:s13], $0x2710  }
0x1e: {  	[sflag:s13] =	ssyncset.done $0x0  }
0x1f: {  	[sflag:s13] =	ssyncadd.s32 $0xFFFFD8F0  }
0x20: {  	[tilespmem:s16], [sflag:$0x1] =	stream.linear.gather [hbm4b:s5+s3], $0x2800, $0x38;
	[tilespmem:$0xA230] =	vst v63  }
0x21: {  	_ =	swait.ge [sflag:s13], $0x2800  }
0x22: {  	[sflag:s13] =	ssyncset.done $0x0  }
0x23: {  	s20 =	simm.s32 $0x9D30;
	s21 =	simm.s32 $0x0;
	[sflag:s13] =	ssyncadd.s32 $0xFFFFD800  }
.LBB2_2:
0x24: {  	p0 =	sne.s32 s21, $0x270  }
.Ltmp0:
0x25: {  	_ = 	snop;
	(pc) =	sbr.rel @p0 .LBB2_2-.Ltmp0, $3  }
0x26: {  	_ =	sdelay $0x1  }
0x27: {  	v1 =	vor.u32 s21, v0  }
0x28: {  	s21 =	sadd.s32 $0x10, s21;
	[tilespmem:s20+$0x0] =	vst v1;
	s20 =	sadd.s32 $0x10, s20  }
0x29: {  	s20 =	simm.s32 $0xFFFFFFFE;
	s21 =	simm.s32 $0x2720;
	s22 =	simm.s32 $0x4E30  }
.LBB2_4:
0x2a: {  	v1 =	vld [tilespmem:s21+$0xFFFFFFF0];
	_ =	sdelay $0x4  }
0x2b: {  	v2 =	vld [tilespmem:s22+$0xFFFFFFF0];
	_ =	sdelay $0x2  }
0x2c: {  	v1 =	vld.idx.msk [tilespmem:v1+s3+$0x0], $0xffff;
	_ =	sdelay $0x4  }
0x2d: {  	[tilespmem:v2+s16+$0x0] =	vst.idx.add.f32.msk $0xffff, v1  }
0x2e: {  	v1 =	vld [tilespmem:s21+$0x0];
	_ =	sdelay $0x4  }
0x2f: {  	v2 =	vld [tilespmem:s22+$0x0];
	_ =	sdelay $0x1  }
0x30: {  	s20 =	sadd.s32 $0x2, s20  }
0x31: {  	p0 =	slt.u32 s20, $0x26E;
	v1 =	vld.idx.msk [tilespmem:v1+s3+$0x0], $0xffff  }
.Ltmp1:
0x32: {  	_ = 	snop;
	(pc) =	sbr.rel @p0 .LBB2_4-.Ltmp1, $2  }
0x33: {  	_ =	sdelay $0x2  }
0x34: {  	s21 =	sadd.s32 $0x20, s21;
	s22 =	sadd.s32 $0x20, s22;
	[tilespmem:v2+s16+$0x0] =	vst.idx.add.f32.msk $0xffff, v1  }
0x35: {  	v1 =	vld [tilespmem:$0x4E10];
	_ =	sdelay $0x4  }
0x36: {  	v2 =	vld [tilespmem:$0x7520];
	_ =	sdelay $0x2  }
0x37: {  	v1 =	vld.idx.msk [tilespmem:v1+s3+$0x0], $0xffff;
	_ =	sdelay $0x4  }
0x38: {  	[tilespmem:v2+s16+$0x0] =	vst.idx.add.f32.msk $0xffff, v1  }
0x39: {  	[spmem:s2] =	stream.indirect.scatter.add.f32 [tilespmem:s16], [sflag:$0x1], $0x10, s18, s17, $0xb8;
	[tilespmem:$0xA230] =	vst v63  }
0x3a: {  	_ =	swait.ge [sflag:s13], $0x2800  }
0x3b: {  	s19 =	sadd.s32 $0x1, s19;
	[sflag:s13] =	ssyncset.done $0x0  }
0x3c: {  	p0 =	sne.s32 s19, s11;
	[sflag:s13] =	ssyncadd.s32 $0xFFFFD800  }
.Ltmp2:
0x3d: {  	[bflag:$0x0] =	sbarrier.arrive $0xFFFF;
	(pc) =	sbr.rel @p0 .LBB2_1-.Ltmp2, $4  }
0x3e: {  	[hbm:s10], [sflag:s7] =	dma.local [spmem:s12], $0x50  }
0x3f: {  	_ =	swait.ge [sflag:s13], $0x50  }
0x40: {  	[sflag:s13] =	ssyncset.done $0x0  }
0x41: {  	[sflag:s13] =	ssyncadd.s32 $0xFFFFFFB0  }
0x42: {  	_ =	sfence.sel $0x180000  }
0x43: {  	[bflag:$0x0] =	sbarrier.arrive $0xFFFF  }
0x44: {  	p0 =	sne.s32 s1, $0x0;
	_ =	strace $0x9000004A  }
0x45: {  	s0 =	sadd.s32 @!p0 $0x100000, s0;
	[bflag:$0x2] =	sbarrier.arrive $0xFFFF  }
0x46: {  	[sflag:s0] =	ssyncadd.tile.s32 @!p0 $0x1;
	_ =	shalt  }
.Lfunc_end2:
_tile_overlayer_lowered:
.L_overlay_start_2:
0x47: {  	(tag) =	ssettag $0x2  }
0x48: {  	s0 =	rddreg [dreg:$0x0];
	s2 =	stileid.u32  }
0x49: {  	s1 =	rddreg [dreg:$0x1];
	p0 =	sne.s32 s2, $0x0  }
0x4a: {  	s3 =	rddreg [dreg:$0x2];
	[bflag:$0x3] =	sbarrier.arrive $0xFFFF;
	s2 =	simm.s32 @!p0 $0x1C01  }
0x4b: {  	[timem:s3], [sflag:s2] =	dma.local @!p0 [hbm:s0], s1  }
0x4c: {  	s0 =	simm.s32 @!p0 $0x1  }
0x4d: {  	_ =	swait.ge @!p0 [sflag:s0], s1  }
0x4e: {  	s1 =	ssub.s32 @!p0 $0x0, s1;
	[sflag:s0] =	ssyncset.done @!p0 $0x0  }
0x4f: {  	[sflag:s0] =	ssyncadd.s32 @!p0 s1  }
0x50: {  	[bflag:$0x3] =	sbarrier.arrive $0xFFFF  }
0x51: {  	_ =	shalt  }

// kernel: kernel.7.cloned.1.call-start
scs
__scs_entry_jumppad:
0x0: {  	(pc) =	sbr.rel $0x88, $3  }
0x1: {  	(tag) =	ssettag $0x0;
	lr =	simm.s32 $0x1  }
0x2: {  	[smem:$0x3F95] =	sst lr;
	_ =	strace $0xD0000000  }
0x3: {  	_ = 	snop  }
0x4: {  	_ = 	snop  }
0x5: {  	_ = 	snop  }
0x6: {  	_ = 	snop  }
0x7: {  	_ = 	snop  }
__scs_overlays_trampoline_lowered:
0x8: {  	[smem:$0x3FA4] =	sst s0  }
0x9: {  	[smem:$0x3FA5] =	sst s1  }
0xa: {  	[smem:$0x3FA6] =	sst s2  }
0xb: {  	[smem:$0x3FA7] =	sst s3  }
0xc: {  	[smem:$0x3FA8] =	sst s4  }
0xd: {  	[smem:$0x3FA9] =	sst s5  }
0xe: {  	[smem:$0x3FAA] =	sst s6  }
0xf: {  	[smem:$0x3FAB] =	sst s7  }
0x10: {  	[smem:$0x3FAC] =	sst s8  }
0x11: {  	[smem:$0x3FAD] =	sst s9;
	s0 =	simm.s32 @!p0 $0x0  }
0x12: {  	s1 =	sld [smem:$0x3F93];
	s0 =	simm.s32 @p0 $0x1  }
0x13: {  	[smem:$0x3FAE] =	sst s0;
	s0 =	simm.s32 @!p1 $0x0  }
0x14: {  	s2 =	sld [smem:$0x3F92];
	s0 =	simm.s32 @p1 $0x1  }
0x15: {  	[smem:$0x3FAF] =	sst s0;
	s0 =	simm.s32 @!p2 $0x0  }
0x16: {  	s3 =	sld [smem:$0x3FDB];
	s0 =	simm.s32 @p2 $0x1  }
0x17: {  	s4 =	simm.s32 $0x1BF5;
	[smem:$0x3FB1] =	sst s0  }
0x18: {  	s0 =	sld [smem:$0x3F94];
	_ =	swait.ge [sflag:s4], $0x0  }
0x19: {  	s7 =	sld [smem:$0x3F95]  }
0x1a: {  	s8 =	sadd.s32 $0xFFFFE003, lr  }
0x1b: {  	s9 =	sadd.s32 $0xFFFFFEF7, lr;
	s5 =	simm.s32 $0xFFFFFFFF;
	p2 =	slt.u32 s8, $0xFFFFF086  }
0x1c: {  	p1 =	slt.u32 s9, $0xF7A;
	s5 =	simm.s32 @!p2 $0x0  }
0x1d: {  	s5 =	simm.s32 @p1 $0x1;
	p0 =	seq.s32 s7, s2  }
0x1e: {  	s7 =	smul.u32 @!p0 $0xF7A, s2;
	p2 =	seq.s32 @!p0 s5, $0x0  }
0x1f: {  	s9 =	smul.u32 $0xF7A, s1;
	s8 =	simm.s32 @!p0 $0x1BF5;
	p2 =	por !p2, p0  }
0x20: {  	[sflag:s8] =	ssyncset.s32 @!p0 $0xFFFFF086;
	s6 =	sadd.s32 @!p0 s3, s7;
	s7 =	simm.s32 @!p0 $0x108  }
0x21: {  	s3 =	sadd.s32 s3, s9;
	s6 =	sadd.s32 @!p0 $0x88, s6;
	s7 =	simm.s32 @p2 $0x1082  }
0x22: {  	[simem:s7], [sflag:s8] =	dma.local @!p0 [hbm:s6], $0xF7A  }
0x23: {  	s9 =	sor.u32 $0xD0000000, s2;
	s6 =	simm.s32 $0x108;
	_ =	swait.ge @!p0 [sflag:s8], $0x0  }
0x24: {  	s3 =	sadd.s32 $0x88, s3;
	s6 =	simm.s32 @!p1 $0x1082;
	[sflag:s4] =	ssyncset.s32 $0xFFFFF086  }
0x25: {  	[simem:s6], [sflag:s4] =	dma.local [hbm:s3], $0xF7A  }
0x26: {  	[smem:$0x3F95] =	sst s1;
	(tag) =	ssettag s2;
	_ =	strace s9  }
0x27: {  	s1 =	sld [smem:$0x3FA5]  }
0x28: {  	s2 =	sld [smem:$0x3FA6]  }
0x29: {  	s4 =	sld [smem:$0x3FA8]  }
0x2a: {  	p0 =	seq.s32 s5, $0x0;
	s5 =	sld [smem:$0x3FA9]  }
0x2b: {  	s6 =	sld [smem:$0x3FAA]  }
0x2c: {  	s7 =	sld [smem:$0x3FAB]  }
0x2d: {  	s3 =	simm.s32 $0x108;
	s8 =	sld [smem:$0x3FAC]  }
0x2e: {  	s3 =	simm.s32 @!p0 $0x1082;
	s9 =	sld [smem:$0x3FAD]  }
0x2f: {  	lr =	sadd.s32 s0, s3;
	s0 =	sld [smem:$0x3FA4]  }
0x30: {  	s3 =	sld [smem:$0x3FA7]  }
0x31: {  	[smem:$0x3FB0] =	sst s10  }
0x32: {  	s10 =	sld [smem:$0x3FAE];
	_ =	sdelay $0x3  }
0x33: {  	p0 =	seq.s32 s10, $0x1;
	s10 =	sld [smem:$0x3FB0];
	_ =	sdelay $0x3  }
0x34: {  	[smem:$0x3FB0] =	sst s10  }
0x35: {  	s10 =	sld [smem:$0x3FAF];
	_ =	sdelay $0x3  }
0x36: {  	p1 =	seq.s32 s10, $0x1;
	s10 =	sld [smem:$0x3FB0];
	_ =	sdelay $0x3  }
0x37: {  	[smem:$0x3FB0] =	sst s10  }
0x38: {  	s10 =	sld [smem:$0x3FB1]  }
0x39: {  	_ = 	snop;
	(pc) =	sbr.ind lr, $3  }
0x3a: {  	_ = 	snop  }
0x3b: {  	_ = 	snop  }
0x3c: {  	p2 =	seq.s32 s10, $0x1;
	s10 =	sld [smem:$0x3FB0]  }
0x3d: {  	_ =	shalt  }
0x3e: {  	_ =	shalt  }
0x3f: {  	_ =	shalt  }
0x40: {  	_ =	shalt  }
0x41: {  	_ =	shalt  }
0x42: {  	_ =	shalt  }
0x43: {  	_ =	shalt  }
0x44: {  	_ =	shalt  }
0x45: {  	_ =	shalt  }
0x46: {  	_ =	shalt  }
0x47: {  	_ =	shalt  }
0x48: {  	_ =	shalt  }
0x49: {  	_ =	shalt  }
0x4a: {  	_ =	shalt  }
0x4b: {  	_ =	shalt  }
0x4c: {  	_ =	shalt  }
0x4d: {  	_ =	shalt  }
0x4e: {  	_ =	shalt  }
0x4f: {  	_ =	shalt  }
0x50: {  	_ =	shalt  }
0x51: {  	_ =	shalt  }
0x52: {  	_ =	shalt  }
0x53: {  	_ =	shalt  }
0x54: {  	_ =	shalt  }
0x55: {  	_ =	shalt  }
0x56: {  	_ =	shalt  }
0x57: {  	_ =	shalt  }
0x58: {  	_ =	shalt  }
0x59: {  	_ =	shalt  }
0x5a: {  	_ =	shalt  }
0x5b: {  	_ =	shalt  }
0x5c: {  	_ =	shalt  }
0x5d: {  	_ =	shalt  }
0x5e: {  	_ =	shalt  }
0x5f: {  	_ =	shalt  }
0x60: {  	_ =	shalt  }
0x61: {  	_ =	shalt  }
0x62: {  	_ =	shalt  }
0x63: {  	_ =	shalt  }
0x64: {  	_ =	shalt  }
0x65: {  	_ =	shalt  }
0x66: {  	_ =	shalt  }
0x67: {  	_ =	shalt  }
0x68: {  	_ =	shalt  }
0x69: {  	_ =	shalt  }
0x6a: {  	_ =	shalt  }
0x6b: {  	_ =	shalt  }
0x6c: {  	_ =	shalt  }
0x6d: {  	_ =	shalt  }
0x6e: {  	_ =	shalt  }
0x6f: {  	_ =	shalt  }
0x70: {  	_ =	shalt  }
0x71: {  	_ =	shalt  }
0x72: {  	_ =	shalt  }
0x73: {  	_ =	shalt  }
0x74: {  	_ =	shalt  }
0x75: {  	_ =	shalt  }
0x76: {  	_ =	shalt  }
0x77: {  	_ =	shalt  }
0x78: {  	_ =	shalt  }
0x79: {  	_ =	shalt  }
0x7a: {  	_ =	shalt  }
0x7b: {  	_ =	shalt  }
0x7c: {  	_ =	shalt  }
0x7d: {  	_ =	shalt  }
0x7e: {  	_ =	shalt  }
0x7f: {  	_ =	shalt  }
0x80: {  	_ =	shalt  }
0x81: {  	_ =	shalt  }
0x82: {  	_ =	shalt  }
0x83: {  	_ =	shalt  }
0x84: {  	_ =	shalt  }
0x85: {  	_ =	shalt  }
0x86: {  	_ =	shalt  }
0x87: {  	_ =	shalt  }
.Lfunc_end0:
.L_simem_size_0:
called_computation_lowered:
.L_overlay_start_0:
0x88: {  	s2 =	sld [smem:$0x3FD9]  }
0x89: {  	s3 =	sld [smem:$0x3FFE];
	_ =	sdelay $0x1  }
0x8a: {  	s1 =	srdreg.scid  }
0x8b: {  	s0 =	sand.u32 $0x1, s1  }
0x8c: {  	s14 =	sshll.u32 s0, $0xA;
	s2 =	sadd.s32 s3, s2  }
0x8d: {  	s2 =	sadd.s32 s2, s14  }
0x8e: {  	[smem:$0x3FBC] =	sst s2  }
0x8f: {  	_ = 	snop  }
0x90: {  	s2 =	sld [smem:$0x3FD0];
	_ =	sdelay $0x2  }
0x91: {  	s15 =	simm.s32 $0xA;
	s4 =	simm.s32 $0x10  }
0x92: {  	[smem:s4], [sflag:s15] =	dma.local [hbm:s2], $0x1  }
0x93: {  	_ =	swait.eq [sflag:s15], $0x1  }
0x94: {  	[sflag:s15] =	ssyncset.done $0x0  }
0x95: {  	s16 =	sld [smem:$0x10];
	[sflag:s15] =	ssyncadd.s32 $0xFFFFFFFF  }
0x96: {  	s17 =	sld [smem:$0x11];
	(tm) =	ssettm $0x1  }
0x97: {  	s18 =	sld [smem:$0x3FFB];
	_ =	sdelay $0x3  }
0x98: {  	_ =	strace s18  }
0x99: {  	s4 =	sld [smem:$0x3FFC];
	_ =	sdelay $0x3  }
0x9a: {  	_ =	strace s4  }
0x9b: {  	s4 =	sld [smem:$0x3FFD];
	_ =	sdelay $0x3  }
0x9c: {  	_ =	strace s4  }
0x9d: {  	_ =	strace $0x8FFFFFFF  }
0x9e: {  	s19 =	sld [smem:$0x3FDB];
	_ =	sdelay $0x1  }
0x9f: {  	s5 =	simm.s32 $_scs_section_size  }
0xa0: {  	s6 =	simm.s32 $_size__tile_overlayer_lowered;
	s7 =	simm.s32 $_tile_overlayer_lowered  }
0xa1: {  	s22 =	simm.s32 $0x1BFF;
	s21 =	sshll.u32 s7, $0x1;
	s4 =	sadd.s32 s5, s19  }
0xa2: {  	s8 =	simm.s32 $0x0;
	s20 =	sshll.u32 s6, $0x1;
	s6 =	sadd.s32 s21, s4  }
0xa3: {  	[timem:s8], [sflag:s22] =	dma.local [hbm:s6], s20  }
0xa4: {  	_ =	swait.ge [sflag:s22], s20  }
0xa5: {  	s5 =	ssub.s32 $0x0, s20;
	[sflag:s22] =	ssyncset.done $0x0  }
0xa6: {  	[sflag:s22] =	ssyncadd.s32 s5;
	_ =	sdelay $0x1  }
0xa7: {  	s23 =	simm.s32 $0x1B8B  }
0xa8: {  	_ =	swait.ge [sflag:s23], $0x1  }
0xa9: {  	[sflag:s23] =	ssyncset.done $0x0  }
0xaa: {  	s25 =	simm.s32 $0x1B8E;
	s24 =	sld [smem:$0x3FFE];
	[sflag:s23] =	ssyncadd.s32 $0xFFFFFFFF  }
0xab: {  	s26 =	simm.s32 $execute0_lowered;
	[smem:$0x3FD2] =	sst s25  }
0xac: {  	s6 =	sshll.u32 s26, $0x1;
	_ =	strace $0x80000046;
	[dreg:$0x1] =	wrdreg $0xFFFFFFFF  }
0xad: {  	s28 =	simm.s32 $_size_execute0_lowered;
	s4 =	sadd.s32 s4, s6;
	[dreg:$0x0] =	wrdreg $0x0  }
0xae: {  	s6 =	sshll.u32 s28, $0x1;
	[dreg:$0x2] =	wrdreg s4  }
0xaf: {  	[dreg:$0x3] =	wrdreg s6  }
0xb0: {  	[dreg:$0x4] =	wrdreg $0xC0  }
0xb1: {  	_ =	task [dreg:s8], $0x5FFFF  }
0xb2: {  	[dreg:$0x1] =	wrdreg $0xFFFFFFFF  }
0xb3: {  	[dreg:$0x0] =	wrdreg $0x60  }
0xb4: {  	[dreg:$0x2] =	wrdreg s24  }
0xb5: {  	[dreg:$0x3] =	wrdreg s16  }
0xb6: {  	[dreg:$0x4] =	wrdreg s17  }
0xb7: {  	[dreg:$0x5] =	wrdreg $0x122400  }
0xb8: {  	[dreg:$0x6] =	wrdreg $0x1C2400  }
0xb9: {  	[dreg:$0x7] =	wrdreg $0x9  }
0xba: {  	_ =	task.clear_ibuf [dreg:s8], $0x8FFFF;
	_ =	strace $0x90000046  }
0xbb: {  	s29 =	simm.s32 $0x9;
	_ =	strace $0x80000048  }
0xbc: {  	_ =	swait.ge [sflag:s29], $0x1  }
0xbd: {  	[sflag:s29] =	ssyncadd.s32 $0xFFFFFFFF  }
0xbe: {  	_ =	strace $0x90000048  }
0xbf: {  	_ =	sfence  }
0xc0: {  	s30 =	sld [smem:$0x0];
	_ =	sdelay $0x2  }
0xc1: {  	s31 =	sshll.u32 s1, $0xD;
	s1 =	sshrl.u32 s1, $0x2  }
0xc2: {  	s3 =	sand.u32 $0x4000, s31;
	s1 =	sadd.s32 s1, s30  }
0xc3: {  	s0 =	sor.u32 s3, s0;
	s1 =	sshll.u32 s1, $0x11  }
0xc4: {  	s0 =	sor.u32 s1, s0  }
0xc5: {  	s0 =	sadd.s32 $0x8F2B, s0  }
0xc6: {  	[sflag:s0] =	ssyncadd.remote.s32 $0x1  }
0xc7: {  	_ =	sfence.sel $0xFFFF  }
0xc8: {  	[dreg:$0x0] =	wrdreg $0xFFFFFFFF;
	(pc) =	sbr.abs _section_cstart, $3  }
0xc9: {  	[dreg:$0x1] =	wrdreg $0xFFFFFFFF  }
0xca: {  	_ =	task.clear_ibuf [dreg:s8], $0x2FFFF;
	_ =	strace $0x9FFFFFFF  }
0xcb: {  	(tm) =	ssettm $0x7FFFFFFF  }
tec
execute0_lowered:
.L_overlay_start_1:
0x0: {  	(tag) =	ssettag $0x1  }
0x1: {  	s0 =	rddreg [dreg:$0x0]  }
0x2: {  	s1 =	rddreg [dreg:$0x1]  }
0x3: {  	s2 =	srdreg.scid;
	s3 =	rddreg [dreg:$0x3]  }
0x4: {  	s16 =	stileid.u32;
	s4 =	rddreg [dreg:$0x4];
	s6 =	simm.s32 $0x0  }
0x5: {  	s19 =	simm.s32 $0xD200;
	s21 =	simm.s32 $0xE200;
	s28 =	simm.s32 $0xFA00  }
0x6: {  	s29 =	simm.s32 $0x10A00;
	s30 =	simm.s32 $0x4;
	s31 =	simm.s32 $0x10E00  }
0x7: {  	s20 =	simm.s32 $0x11E00;
	s2 =	sand.u32 $0x1, s2;
	s8 =	smul.u32 $0xA000, s16  }
0x8: {  	[smem:$0x7FF] =	sst s6;
	s9 =	smul.u32 $0x2800, s16;
	s6 =	sadd.s32 $0x33C00, s0  }
0x9: {  	s7 =	sadd.s32 $0x1FC00, s0;
	s22 =	sshll.u32 s16, $0x6;
	s10 =	smul.u32 $0xA0000, s2  }
0xa: {  	s5 =	sshll.u32 s2, $0x4;
	_ =	strace $0x80000047;
	s13 =	smul.u32 $0x28000, s2  }
0xb: {  	s2 =	ssub.s32 $0x2, s2;
	s5 =	sor.u32 s16, s5;
	s11 =	sshrl.u32 s8, $0x3  }
0xc: {  	s12 =	sshrl.u32 s9, $0x3;
	s15 =	sshrl.u32 s2, $0x1;
	s5 =	smul.u32 $0x520, s5  }
0xd: {  	s11 =	sadd.s32 s11, s0;
	s12 =	sadd.s32 s12, s0;
	s10 =	sadd.s32 s8, s10  }
0xe: {  	v0 =	vimm.s32 $0xEFCDAB89;
	v1 =	vimm.s32 $0x67452301;
	s13 =	sadd.s32 s9, s13;
	s2 =	ssub.s32 s2, s15;
	s8 =	sadd.s32 s8, s3  }
0xf: {  	v2 =	vimm.s32 $0xDCFE98BA;
	v0 =	vunpack.c.l.s4.s8 v0;
	v1 =	vunpack.c.l.s4.s8 v1;
	s9 =	sadd.s32 s9, s4;
	s15 =	simm.s32 $0x0;
	s10 =	sshrl.u32 s10, $0x3  }
0x10: {  	v3 =	vimm.s32 $0xBA98FEDC;
	v4 =	vimm.s32 $0x32107654;
	s13 =	sshrl.u32 s13, $0x3;
	s11 =	sadd.s32 $0x4CC00, s11;
	s23 =	sadd.s32 $0x47C00, s12  }
0x11: {  	v2 =	vunpack.c.l.s4.s8 v2;
	v0 =	vunpack.c.0.s8.s32 v0;
	v1 =	vunpack.c.0.s8.s32 v1;
	s26 =	smax.u32 s2, $0x1;
	s8 =	sshrl.u32 s8, $0x3;
	[dreg:$0x6] =	wrdreg s11  }
0x12: {  	v3 =	vunpack.c.l.s4.s8 v3;
	v4 =	vunpack.c.l.s4.s8 v4;
	s9 =	sshrl.u32 s9, $0x3;
	s2 =	simm.s32 $0x1;
	[dreg:$0x8] =	wrdreg s23  }
0x13: {  	v0 =	vcombine.low v1, v0;
	v1 =	vunpack.c.0.s8.s32 v2;
	v2 =	vimm.s32 $0x54761032;
	s12 =	simm.s32 $0x8;
	s14 =	sadd.s32 s5, s0;
	[dreg:$0xd] =	wrdreg s26  }
0x14: {  	s10 =	sadd.s32 s10, s0;
	s0 =	sadd.s32 s13, s0;
	v2 =	vunpack.c.l.s4.s8 v2;
	[dreg:$0xe] =	wrdreg s8  }
0x15: {  	v5 =	vimm.s32 $0xFEDCBA98;
	v3 =	vunpack.c.0.s8.s32 v3;
	v4 =	vunpack.c.0.s8.s32 v4;
	s13 =	sor.u32 $0x1C09, s22;
	s1 =	sadd.s32 s1, s5;
	[dreg:$0xf] =	wrdreg s9  }
0x16: {  	v6 =	vimm.s32 $0x76543210;
	v5 =	vunpack.c.l.s4.s8 v5;
	s23 =	simm.s32 $0x40;
	s22 =	simm.s32 $0x2;
	[dreg:$0x9] =	wrdreg s1;
	v2 =	vunpack.c.0.s8.s32 v2  }
0x17: {  	vm0 =	vcmask $0x300;
	v6 =	vunpack.c.l.s4.s8 v6;
	v4 =	vcombine.low v4, v3;
	s26 =	simm.s32 $0x3;
	s24 =	sadd.s32 $0x15800, s14;
	[dreg:$0x7] =	wrdreg s13  }
0x18: {  	vm15 =	vcmask $0x704;
	s11 =	simm.s32 $0x7;
	s25 =	sadd.s32 $0x6AC00, s10;
	[dreg:$0xa] =	wrdreg s24;
	v7 =	vcombine.low v2, v1;
	v1 =	vunpack.c.0.s8.s32 v5  }
0x19: {  	s0 =	sadd.s32 $0x60C00, s0;
	s14 =	simm.s32 $0x9;
	v0 =	vand.u32 $0xF, v0;
	v4 =	vand.u32 $0xF, v4;
	[dreg:$0xb] =	wrdreg s25;
	v2 =	vunpack.c.0.s8.s32 v6  }
0x1a: {  	s1 =	simm.s32 $0xC200;
	s10 =	simm.s32 $0x6;
	[dreg:$0xc] =	wrdreg s0;
	v5 =	vimm.f32 $0.0e+00;
	v1 =	vand.u32 $0xF, v1;
	v3 =	vand.u32 $0xF, v7  }
0x1b: {  	s0 =	simm.s32 $0xB200;
	s24 =	simm.s32 $0xE600;
	s25 =	simm.s32 $0xF600;
	v1 =	vcombine.low v1, v2;
	v2 =	vsel vm0, $0x3F800000, v5;
	v5 =	vsel vm15, $0x3F800000, v5  }
.LBB2_1:
0x1c: {  	[dreg:$0x10] =	wrdreg s15  }
0x1d: {  	s5 =	rddreg [dreg:$0x6]  }
0x1e: {  	[spmem:s8], [sflag:s13] =	dma.local [hbm:s5], $0x1400  }
0x1f: {  	_ =	swait.ge [sflag:s14], $0x1400  }
0x20: {  	[sflag:s14] =	ssyncset.done $0x0  }
0x21: {  	s8 =	rddreg [dreg:$0x8];
	[sflag:s14] =	ssyncadd.s32 $0xFFFFEC00  }
0x22: {  	[spmem:s9], [sflag:s13] =	dma.local [hbm:s8], $0x500  }
0x23: {  	_ =	swait.ge [sflag:s14], $0x500  }
0x24: {  	[sflag:s14] =	ssyncset.done $0x0  }
0x25: {  	[sflag:s14] =	ssyncadd.s32 $0xFFFFFB00  }
0x26: {  	s8 =	simm.s32 $0x0;
	s13 =	simm.s32 $0x12200;
	s9 =	rddreg [dreg:$0x2]  }
0x27: {  	[tilespmem:s13], [sflag:$0x9] =	stream.linear.gather [hbm4b:s9+s8], $0x40, $0x38;
	[tilespmem:$0x1EA40] =	vst v63  }
0x28: {  	_ =	swait.ge [sflag:s14], $0x40  }
0x29: {  	[sflag:s14] =	ssyncset.done $0x0  }
0x2a: {  	s15 =	rddreg [dreg:$0x9];
	[sflag:s14] =	ssyncadd.s32 $0xFFFFFFC0  }
0x2b: {  	[tilespmem:s8], [sflag:$0x9] =	stream.linear.gather [hbm4b:s15+s8], $0x2900, $0x38;
	[tilespmem:$0x1EA40] =	vst v63  }
0x2c: {  	_ =	swait.ge [sflag:s14], $0x2900  }
0x2d: {  	[sflag:s14] =	ssyncset.done $0x0  }
0x2e: {  	s17 =	simm.s32 $0x2900;
	s16 =	rddreg [dreg:$0xa];
	[sflag:s14] =	ssyncadd.s32 $0xFFFFD700  }
0x2f: {  	[tilespmem:s17], [sflag:$0x9] =	stream.linear.gather [hbm4b:s16+s8], $0x2900, $0x38;
	[tilespmem:$0x1EA40] =	vst v63  }
0x30: {  	_ =	swait.ge [sflag:s14], $0x2900  }
0x31: {  	[sflag:s14] =	ssyncset.done $0x0  }
0x32: {  	[sflag:s14] =	ssyncadd.s32 $0xFFFFD700  }
0x33: {  	[bflag:$0x0] =	sbarrier.arrive $0xFFFF  }
0x34: {  	v6 =	vld [tilespmem:$0x12200]  }
0x35: {  	v7 =	vld [tilespmem:$0x12210]  }
0x36: {  	s18 =	simm.s32 $0x5200;
	v8 =	vld [tilespmem:$0x12220]  }
0x37: {  	v9 =	vld [tilespmem:$0x12230];
	[tilespmem:s18], [sflag:$0x1] =	stream.indirect.gather [hbm4b:s6+s23], $0x40, s8, s23, $0xb8  }
0x38: {  	s8 =	simm.s32 $0x6200  }
0x39: {  	[tilespmem:s8], [sflag:$0x1] =	stream.indirect.gather [hbm4b:s7+s23], $0x40, s17, s23, $0xb8;
	[tilespmem:$0x1EA40] =	vst v63  }
0x3a: {  	s9 =	simm.s32 $0x7200  }
0x3b: {  	[tilespmem:s9], [sflag:$0x2] =	stream.indirect.gather [hbm4b:s6+s23], $0x40, s23, s23, $0xb8;
	[tilespmem:$0x1EA40] =	vst v63  }
0x3c: {  	s13 =	simm.s32 $0x2940;
	s14 =	simm.s32 $0x8200  }
0x3d: {  	[tilespmem:s14], [sflag:$0x2] =	stream.indirect.gather [hbm4b:s7+s23], $0x40, s13, s23, $0xb8;
	[tilespmem:$0x1EA40] =	vst v63  }
0x3e: {  	s15 =	simm.s32 $0x80;
	s16 =	simm.s32 $0x9200  }
0x3f: {  	[tilespmem:s16], [sflag:$0x3] =	stream.indirect.gather [hbm4b:s6+s23], $0x40, s15, s23, $0xb8;
	[tilespmem:$0x1EA40] =	vst v63  }
0x40: {  	s18 =	simm.s32 $0xA200;
	s17 =	simm.s32 $0x2980;
	s14 =	simm.s32 $0x0  }
0x41: {  	[tilespmem:s18], [sflag:$0x3] =	stream.indirect.gather [hbm4b:s7+s23], $0x40, s17, s23, $0xb8;
	[tilespmem:$0x1EA40] =	vst v63  }
.LBB2_2:
0x42: {  	_ =	swait.ge [sflag:s2], $0x1000  }
0x43: {  	[sflag:s2] =	ssyncset.done $0x0  }
0x44: {  	[sflag:s2] =	ssyncadd.s32 $0xFFFFF000  }
0x45: {  	_ =	swait.ge [sflag:s2], $0x1000  }
0x46: {  	s5 =	sshll.u32 s14, $0x8;
	[sflag:s2] =	ssyncset.done $0x0  }
0x47: {  	p0 =	seq.s32 s14, $0x0;
	s8 =	sor.u32 $0xC0, s5;
	[sflag:s2] =	ssyncadd.s32 $0xFFFFF000  }
0x48: {  	[tilespmem:s0], [sflag:$0x4] =	stream.indirect.gather [hbm4b:s6+s23], $0x40, s8, s23, $0xb8;
	[tilespmem:$0x1EA40] =	vst v63  }
0x49: {  	s15 =	sadd.s32 $0x29C0, s5;
	s8 =	simm.s32 @!p0 $0x5  }
0x4a: {  	[tilespmem:s1], [sflag:$0x4] =	stream.indirect.gather [hbm4b:s7+s23], $0x40, s15, s23, $0xb8;
	[tilespmem:$0x1EA40] =	vst v63  }
0x4b: {  	_ =	swait.ge @!p0 [sflag:s8], $0x1000  }
0x4c: {  	[sflag:s8] =	ssyncset.done @!p0 $0x0  }
0x4d: {  	[sflag:s8] =	ssyncadd.s32 @!p0 $0xFFFFF000  }
0x4e: {  	s16 =	simm.s32 $0xFFFFFFF8;
	_ =	swait.ge @!p0 [sflag:s8], $0x400  }
0x4f: {  	s18 =	simm.s32 $0xD300;
	s9 =	simm.s32 $0x5300;
	[sflag:s8] =	ssyncset.done @!p0 $0x0  }
0x50: {  	s13 =	simm.s32 $0xE240;
	[sflag:s8] =	ssyncadd.s32 @!p0 $0xFFFFFC00;
	s8 =	simm.s32 $0x6300  }
.LBB2_3:
0x51: {  	v21 =	vld [tilespmem:s9+$0xFFFFFF00]  }
0x52: {  	v18 =	vld [tilespmem:s9+$0xFFFFFF10]  }
0x53: {  	v10 =	vld [tilespmem:s8+$0xFFFFFF00]  }
0x54: {  	v11 =	vld [tilespmem:s8+$0xFFFFFF10]  }
0x55: {  	v22 =	vld [tilespmem:s9+$0xFFFFFF20]  }
0x56: {  	v19 =	vld [tilespmem:s9+$0xFFFFFF30]  }
0x57: {  	v12 =	vld [tilespmem:s8+$0xFFFFFF20]  }
0x58: {  	v15 =	vld [tilespmem:s8+$0xFFFFFF30]  }
0x59: {  	v14 =	vld [tilespmem:s9+$0xFFFFFF40]  }
0x5a: {  	v13 =	vld [tilespmem:s9+$0xFFFFFF50]  }
0x5b: {  	v42 =	vld [tilespmem:s8+$0xFFFFFF40]  }
0x5c: {  	v43 =	vld [tilespmem:s8+$0xFFFFFF50];
	v10 =	vadd.f32 v10, v21;
	v11 =	vadd.f32 v11, v18  }
0x5d: {  	v12 =	vadd.f32 v12, v22;
	v15 =	vadd.f32 v15, v19  }
0x5e: {  	v17 =	vld [tilespmem:s9+$0xFFFFFF60];
	v20 =	vmul.f32 $2.000000030e-01, v10;
	v23 =	vmul.f32 $2.000000030e-01, v11  }
0x5f: {  	v24 =	vld [tilespmem:s8+$0xFFFFFF60];
	v25 =	vmul.f32 $2.000000030e-01, v12;
	v26 =	vmul.f32 $2.000000030e-01, v15  }
0x60: {  	v10 =	vmax.f32 v10, v20;
	v11 =	vmax.f32 v11, v23;
	v20 =	vadd.f32 v42, v14  }
0x61: {  	v23 =	vadd.f32 v43, v13;
	v10 =	vmul.f32 v10, v6;
	v11 =	vmul.f32 v11, v7  }
0x62: {  	v16 =	vld [tilespmem:s9+$0xFFFFFF70];
	v12 =	vmax.f32 v12, v25;
	v15 =	vmax.f32 v15, v26  }
0x63: {  	v45 =	vmul.f32 $2.000000030e-01, v20;
	v46 =	vmul.f32 $2.000000030e-01, v23;
	v10 =	vadd.f32 v11, v10;
	v11 =	vld [tilespmem:s8+$0xFFFFFF70]  }
0x64: {  	v24 =	vadd.f32 v24, v17;
	v12 =	vmul.f32 v12, v8;
	v15 =	vmul.f32 v15, v9  }
0x65: {  	v20 =	vmax.f32 v20, v45;
	v23 =	vmax.f32 v23, v46;
	v44 =	vperm.xlane v10, v0  }
0x66: {  	v12 =	vadd.f32 v15, v12;
	v50 =	vmul.f32 v20, v6;
	v51 =	vmul.f32 v23, v7  }
0x67: {  	v48 =	vmul.f32 $2.000000030e-01, v24;
	v10 =	vadd.f32 v10, v44  }
0x68: {  	v52 =	vperm.xlane v12, v0;
	v15 =	vadd.f32 v51, v50;
	v11 =	vadd.f32 v11, v16  }
0x69: {  	v24 =	vmax.f32 v24, v48;
	v47 =	vperm.xlane v10, v3  }
0x6a: {  	v12 =	vadd.f32 v52, v12;
	v55 =	vperm.xlane v15, v0;
	v49 =	vmul.f32 $2.000000030e-01, v11  }
0x6b: {  	v53 =	vmul.f32 v24, v8;
	v10 =	vadd.f32 v10, v47  }
0x6c: {  	v56 =	vperm.xlane v12, v3;
	v15 =	vadd.f32 v15, v55;
	v11 =	vmax.f32 v11, v49  }
0x6d: {  	v11 =	vmul.f32 v11, v9;
	v54 =	vperm.xlane v10, v4  }
0x6e: {  	v30 =	vld [tilespmem:s9+$0xFFFFFF90];
	v12 =	vadd.f32 v56, v12;
	v60 =	vperm.xlane v15, v3  }
0x6f: {  	v61 =	vld [tilespmem:s8+$0xFFFFFF90];
	v11 =	vadd.f32 v11, v53;
	v10 =	vadd.f32 v10, v54  }
0x70: {  	v59 =	vld [tilespmem:s8+$0xFFFFFF80];
	v62 =	vperm.xlane v12, v4;
	v15 =	vadd.f32 v15, v60  }
0x71: {  	v20 =	vld [tilespmem:s9+$0xFFFFFF80];
	v57 =	vperm.xlane v11, v0;
	v58 =	vperm.xlane v10, v1  }
0x72: {  	v32 =	vld [tilespmem:s9+$0xFFFFFFA0];
	v12 =	vadd.f32 v62, v12;
	v34 =	vperm.xlane v15, v4  }
0x73: {  	v35 =	vld [tilespmem:s8+$0xFFFFFFA0];
	v11 =	vadd.f32 v57, v11;
	v10 =	vadd.f32 v10, v58  }
0x74: {  	v23 =	vadd.f32 v61, v30;
	v27 =	vperm.xlane v12, v1;
	v15 =	vadd.f32 v15, v34  }
0x75: {  	v63 =	vperm.xlane v11, v3;
	v10 =	vmul.f32 $1.442695020e+00, v10  }
0x76: {  	v31 =	vld [tilespmem:s9+$0xFFFFFFB0];
	v29 =	vmul.f32 $2.000000030e-01, v23;
	v26 =	vadd.f32 v59, v20;
	v37 =	vperm.xlane v15, v1  }
0x77: {  	v12 =	vadd.f32 v27, v12;
	v11 =	vadd.f32 v63, v11;
	(erf) = vpow2.f32 v10;
	v10 =	vld [tilespmem:s8+$0xFFFFFFB0]  }
0x78: {  	v24 =	vadd.f32 v35, v32;
	v28 =	vmul.f32 $2.000000030e-01, v26;
	v15 =	vadd.f32 v15, v37  }
0x79: {  	v23 =	vmax.f32 v23, v29;
	v12 =	vmul.f32 $1.442695020e+00, v12;
	v36 =	vperm.xlane v11, v4  }
0x7a: {  	v23 =	vmul.f32 v23, v7;
	v38 =	vmax.f32 v26, v28;
	v42 =	vmul.f32 $1.442695020e+00, v15  }
0x7b: {  	v25 =	vmul.f32 v38, v6;
	(erf) = vpow2.f32 v12;
	v11 =	vadd.f32 v36, v11  }
0x7c: {  	v37 =	vld [tilespmem:s8+$0xFFFFFFD0];
	(erf) = vpow2.f32 v42;
	v10 =	vadd.f32 v10, v31  }
0x7d: {  	v40 =	vmul.f32 $2.000000030e-01, v24;
	v23 =	vadd.f32 v23, v25;
	v12 =	vld [tilespmem:s9+$0xFFFFFFD0];
	v39 =	vperm.xlane v11, v1  }
0x7e: {  	v41 =	vmul.f32 $2.000000030e-01, v10  }
0x7f: {  	v43 =	vmax.f32 v24, v40;
	v44 =	vperm.xlane v23, v0;
	v11 =	vadd.f32 v39, v11  }
0x80: {  	v61 =	vld [tilespmem:s8+$0x30];
	v15 =	vmul.f32 v43, v8;
	v10 =	vmax.f32 v10, v41  }
0x81: {  	v51 =	vld [tilespmem:s8+$0xFFFFFFE0];
	v23 =	vadd.f32 v23, v44;
	v10 =	vmul.f32 v10, v9;
	v11 =	vmul.f32 $1.442695020e+00, v11  }
0x82: {  	v38 =	vld [tilespmem:s8+$0xFFFFFFF0];
	v55 =	vadd.f32 v37, v12  }
0x83: {  	v36 =	vld [tilespmem:s8+$0xFFFFFFC0];
	v46 =	vpop (erf);
	v10 =	vadd.f32 v10, v15;
	(erf) = vpow2.f32 v11;
	v11 =	vperm.xlane v23, v3  }
0x84: {  	v42 =	vmul.f32 $2.000000030e-01, v55;
	v33 =	vpop (erf);
	v29 =	vmul.f32 v46, v21;
	v15 =	vld [tilespmem:s9+$0xFFFFFFC0]  }
0x85: {  	v28 =	vmul.f32 v46, v18;
	v52 =	vpop (erf);
	v45 =	vperm.xlane v10, v0;
	v23 =	vadd.f32 v23, v11;
	v11 =	vld [tilespmem:s9+$0xFFFFFFE0]  }
0x86: {  	v34 =	vmul.f32 v2, v46;
	v27 =	vmul.f32 v52, v14;
	v14 =	vld [tilespmem:s9+$0x30]  }
0x87: {  	v26 =	vmul.f32 v33, v22;
	v25 =	vmul.f32 v33, v19;
	v24 =	vadd.f32 v45, v10;
	v10 =	vld [tilespmem:s9+$0xFFFFFFF0]  }
0x88: {  	v35 =	vmul.f32 v5, v33;
	v33 =	vmax.f32 v55, v42;
	v47 =	vperm.xlane v23, v4  }
0x89: {  	v33 =	vmul.f32 v33, v7;
	v40 =	vadd.f32 v36, v15;
	v48 =	vperm.xlane v24, v3  }
0x8a: {  	v60 =	vld [tilespmem:s8+$0x20];
	v36 =	vmul.f32 v2, v52;
	v49 =	vadd.f32 v23, v47;
	v21 =	vadd.f32 v51, v11  }
0x8b: {  	v58 =	vld [tilespmem:s8+$0x10];
	v41 =	vmul.f32 $2.000000030e-01, v40;
	v51 =	vadd.f32 v61, v14;
	v50 =	vadd.f32 v48, v24  }
0x8c: {  	v44 =	vld [tilespmem:s8+$0x0];
	v53 =	vperm.xlane v49, v1;
	v24 =	vmul.f32 v52, v13;
	v38 =	vadd.f32 v38, v10  }
0x8d: {  	v13 =	vld [tilespmem:s9+$0x0];
	v39 =	vpop (erf);
	v43 =	vmul.f32 $2.000000030e-01, v21;
	v40 =	vmax.f32 v40, v41;
	v54 =	vperm.xlane v50, v4  }
0x8e: {  	v23 =	vmul.f32 v39, v17;
	v18 =	vadd.f32 v49, v53;
	v22 =	vmul.f32 v39, v16;
	v16 =	vld [tilespmem:s9+$0x10]  }
0x8f: {  	v17 =	vld [tilespmem:s9+$0x20];
	v59 =	vmul.f32 v40, v6;
	v57 =	vmul.f32 $2.000000030e-01, v38;
	v21 =	vmax.f32 v21, v43  }
0x90: {  	v19 =	vadd.f32 v54, v50;
	v18 =	vmul.f32 $1.442695020e+00, v18;
	v21 =	vmul.f32 v21, v8  }
0x91: {  	v33 =	vadd.f32 v33, v59;
	v37 =	vmax.f32 v38, v57;
	v57 =	vmul.f32 $2.000000030e-01, v51  }
0x92: {  	v63 =	vadd.f32 v44, v13;
	v56 =	vperm.xlane v19, v1;
	v37 =	vmul.f32 v37, v9  }
0x93: {  	(erf) = vpow2.f32 v18;
	v47 =	vperm.xlane v33, v0;
	v48 =	vadd.f32 v58, v16  }
0x94: {  	v50 =	vmul.f32 $2.000000030e-01, v63;
	v40 =	vadd.f32 v60, v17;
	v19 =	vadd.f32 v56, v19  }
0x95: {  	v62 =	vadd.f32 v37, v21;
	v37 =	vmax.f32 v51, v57;
	v52 =	vmul.f32 $2.000000030e-01, v48  }
0x96: {  	v33 =	vadd.f32 v33, v47;
	v56 =	vmul.f32 $2.000000030e-01, v40;
	v37 =	vmul.f32 v37, v9  }
0x97: {  	v18 =	vld [tilespmem:s9+$0x40];
	v54 =	vmax.f32 v63, v50;
	v19 =	vmul.f32 $1.442695020e+00, v19;
	v49 =	vperm.xlane v62, v0  }
0x98: {  	v63 =	vld [tilespmem:s8+$0x40];
	v58 =	vmul.f32 v54, v6;
	v59 =	vperm.xlane v33, v3  }
0x99: {  	v50 =	vld [tilespmem:s8+$0x60];
	v55 =	vmax.f32 v48, v52;
	v21 =	vmax.f32 v40, v56;
	(erf) = vpow2.f32 v19  }
0x9a: {  	v54 =	vld [tilespmem:s8+$0x50];
	v53 =	vadd.f32 v49, v62;
	v19 =	vmul.f32 v55, v7;
	v46 =	vmul.f32 v21, v8  }
0x9b: {  	v43 =	vmul.f32 v5, v39;
	v21 =	vld [tilespmem:s9+$0x60];
	v33 =	vadd.f32 v33, v59  }
0x9c: {  	v60 =	vperm.xlane v53, v3;
	v61 =	vadd.f32 v19, v58;
	v19 =	vld [tilespmem:s9+$0x50];
	v37 =	vadd.f32 v37, v46;
	v45 =	vpop (erf)  }
0x9d: {  	v52 =	vperm.xlane v33, v4;
	v38 =	vmul.f32 v45, v20  }
0x9e: {  	v42 =	vadd.f32 v63, v18;
	v47 =	vperm.xlane v61, v0;
	v49 =	vperm.xlane v37, v0  }
0x9f: {  	v40 =	vmul.f32 v45, v30;
	v62 =	vadd.f32 v60, v53;
	v45 =	vmul.f32 v2, v45  }
0xa0: {  	v57 =	vld [tilespmem:s8+$0x70];
	v53 =	vadd.f32 v61, v47;
	v58 =	vadd.f32 v49, v37;
	v61 =	vmul.f32 $2.000000030e-01, v42  }
0xa1: {  	v20 =	vld [tilespmem:s9+$0x70];
	v50 =	vadd.f32 v50, v21;
	v55 =	vperm.xlane v62, v4;
	v46 =	vadd.f32 v54, v19  }
0xa2: {  	v56 =	vperm.xlane v53, v3;
	v49 =	vperm.xlane v58, v3;
	v42 =	vmax.f32 v42, v61;
	v48 =	vpop (erf)  }
0xa3: {  	v47 =	vadd.f32 v55, v62;
	v42 =	vmul.f32 v42, v6;
	v39 =	vmul.f32 v48, v32  }
0xa4: {  	v41 =	vmul.f32 v48, v31;
	v32 =	vadd.f32 v33, v52;
	v48 =	vmul.f32 v5, v48  }
0xa5: {  	v31 =	vadd.f32 v53, v56;
	v60 =	vperm.xlane v47, v1;
	v49 =	vadd.f32 v49, v58  }
0xa6: {  	v33 =	vadd.f32 v57, v20;
	v52 =	vmul.f32 $2.000000030e-01, v46;
	v53 =	vmul.f32 $2.000000030e-01, v50  }
0xa7: {  	v59 =	vperm.xlane v32, v1;
	v51 =	vperm.xlane v31, v4  }
0xa8: {  	v43 =	vadd.f32 v43, v36;
	v36 =	vld [tilespmem:s9+$0xF0];
	v54 =	vperm.xlane v49, v4;
	v62 =	vmul.f32 $2.000000030e-01, v33  }
0xa9: {  	v30 =	vld [tilespmem:s9+$0x80];
	v46 =	vmax.f32 v46, v52;
	v50 =	vmax.f32 v50, v53;
	v44 =	vadd.f32 v60, v47  }
0xaa: {  	v61 =	vld [tilespmem:s8+$0xA0];
	v53 =	vadd.f32 v35, v34;
	v46 =	vmul.f32 v46, v7;
	v50 =	vmul.f32 v50, v8  }
0xab: {  	v52 =	vld [tilespmem:s8+$0x90];
	v51 =	vadd.f32 v31, v51;
	v33 =	vmax.f32 v33, v62;
	v37 =	vadd.f32 v32, v59  }
0xac: {  	v31 =	vld [tilespmem:s9+$0x90];
	v49 =	vadd.f32 v54, v49;
	v63 =	vmul.f32 v33, v9;
	v42 =	vadd.f32 v46, v42  }
0xad: {  	v55 =	vld [tilespmem:s8+$0xB0];
	v45 =	vadd.f32 v48, v45;
	v56 =	vperm.xlane v51, v1;
	v37 =	vmul.f32 $1.442695020e+00, v37  }
0xae: {  	v32 =	vld [tilespmem:s9+$0xB0];
	v58 =	vperm.xlane v49, v1;
	v57 =	vadd.f32 v63, v50;
	v59 =	vperm.xlane v42, v0  }
0xaf: {  	v44 =	vmul.f32 $1.442695020e+00, v44;
	v50 =	vld [tilespmem:s8+$0x80];
	v47 =	vadd.f32 v51, v56;
	(erf) = vpow2.f32 v37  }
0xb0: {  	v34 =	vld [tilespmem:s9+$0xC0];
	v63 =	vadd.f32 v58, v49;
	v60 =	vperm.xlane v57, v0;
	v42 =	vadd.f32 v42, v59  }
0xb1: {  	v33 =	vld [tilespmem:s9+$0xA0];
	(erf) = vpow2.f32 v44;
	v48 =	vadd.f32 v52, v31;
	v62 =	vmul.f32 $1.442695020e+00, v47  }
0xb2: {  	v37 =	vld [tilespmem:s9+$0xE0];
	v56 =	vadd.f32 v60, v57;
	v57 =	vmul.f32 $1.442695020e+00, v63;
	v58 =	vperm.xlane v42, v3  }
0xb3: {  	v49 =	vadd.f32 v55, v32;
	v47 =	vld [tilespmem:s8+$0xC0];
	v52 =	vmul.f32 $2.000000030e-01, v48;
	(erf) = vpow2.f32 v62  }
0xb4: {  	v63 =	vld [tilespmem:s8+$0xE0];
	v50 =	vadd.f32 v50, v30;
	v59 =	vperm.xlane v56, v3;
	(erf) = vpow2.f32 v57  }
0xb5: {  	v35 =	vld [tilespmem:s9+$0xD0];
	v42 =	vadd.f32 v42, v58;
	v48 =	vmax.f32 v48, v52;
	v57 =	vmul.f32 $2.000000030e-01, v49  }
0xb6: {  	v61 =	vadd.f32 v61, v33;
	v62 =	vld [tilespmem:s8+$0xD0];
	v60 =	vmul.f32 $2.000000030e-01, v50;
	v48 =	vmul.f32 v48, v7  }
0xb7: {  	v58 =	vld [tilespmem:s8+$0xF0];
	v44 =	vadd.f32 v59, v56;
	v55 =	vperm.xlane v42, v4;
	v49 =	vmax.f32 v49, v57  }
0xb8: {  	v47 =	vadd.f32 v47, v34;
	v46 =	vmax.f32 v50, v60;
	v60 =	vmul.f32 $2.000000030e-01, v61  }
0xb9: {  	v50 =	vadd.f32 v63, v37;
	v56 =	vperm.xlane v44, v4;
	v46 =	vmul.f32 v46, v6  }
0xba: {  	v42 =	vadd.f32 v42, v55;
	v63 =	vmul.f32 $2.000000030e-01, v47;
	v51 =	vmax.f32 v61, v60  }
0xbb: {  	v46 =	vadd.f32 v48, v46;
	v61 =	vmul.f32 v51, v8;
	v51 =	vadd.f32 v62, v35  }
0xbc: {  	v49 =	vmul.f32 v49, v9;
	v54 =	vadd.f32 v58, v36;
	v44 =	vadd.f32 v56, v44  }
0xbd: {  	v47 =	vmax.f32 v47, v63;
	v62 =	vperm.xlane v46, v0;
	v60 =	vmul.f32 $2.000000030e-01, v51  }
0xbe: {  	v56 =	vperm.xlane v42, v1;
	v48 =	vadd.f32 v49, v61;
	v61 =	vmul.f32 $2.000000030e-01, v50  }
0xbf: {  	v46 =	vadd.f32 v46, v62;
	v62 =	vmul.f32 $2.000000030e-01, v54;
	v49 =	vmax.f32 v51, v60  }
0xc0: {  	v47 =	vmul.f32 v47, v6;
	v49 =	vmul.f32 v49, v7  }
0xc1: {  	[tilespmem:s18+$0xFFFFFF00] =	vst v29;
	v50 =	vmax.f32 v50, v61;
	v63 =	vperm.xlane v48, v0;
	v52 =	vmax.f32 v54, v62  }
0xc2: {  	[tilespmem:s18+$0xFFFFFF10] =	vst v28;
	v55 =	vmul.f32 v50, v8;
	v29 =	vmul.f32 v52, v9;
	v47 =	vadd.f32 v49, v47  }
0xc3: {  	[tilespmem:s18+$0xFFFFFF20] =	vst v26  }
0xc4: {  	[tilespmem:s18+$0xFFFFFF30] =	vst v25;
	v54 =	vadd.f32 v63, v48;
	v29 =	vadd.f32 v29, v55;
	v61 =	vperm.xlane v47, v0  }
0xc5: {  	[tilespmem:s18+$0xFFFFFF40] =	vst v27;
	v58 =	vperm.xlane v44, v1;
	v26 =	vadd.f32 v42, v56;
	v57 =	vperm.xlane v46, v3  }
0xc6: {  	[tilespmem:s18+$0xFFFFFF50] =	vst v24;
	v56 =	vpop (erf);
	v59 =	vperm.xlane v54, v3;
	v63 =	vperm.xlane v29, v0;
	v49 =	vadd.f32 v47, v61  }
0xc7: {  	[tilespmem:s18+$0xFFFFFF80] =	vst v38;
	v15 =	vmul.f32 v56, v15;
	v38 =	vmul.f32 v2, v56;
	v60 =	vadd.f32 v46, v57  }
0xc8: {  	[tilespmem:s18+$0xFFFFFF60] =	vst v23;
	v62 =	vadd.f32 v59, v54;
	v52 =	vadd.f32 v63, v29;
	v55 =	vperm.xlane v49, v3  }
0xc9: {  	[tilespmem:s18+$0xFFFFFF70] =	vst v22;
	v25 =	vadd.f32 v58, v44;
	v48 =	vmul.f32 $1.442695020e+00, v26;
	v50 =	vperm.xlane v60, v4  }
0xca: {  	[tilespmem:s13+$0xFFFFFFC0] =	vst v53;
	v53 =	vperm.xlane v62, v4;
	v58 =	vperm.xlane v52, v3;
	v24 =	vadd.f32 v49, v55  }
0xcb: {  	[tilespmem:s13+$0xFFFFFFD0] =	vst v43;
	v51 =	vmul.f32 $1.442695020e+00, v25;
	(erf) = vpow2.f32 v48;
	v54 =	vadd.f32 v60, v50  }
0xcc: {  	[tilespmem:s18+$0xFFFFFF90] =	vst v40;
	v57 =	vadd.f32 v53, v62;
	v25 =	vadd.f32 v58, v52;
	v62 =	vperm.xlane v24, v4  }
0xcd: {  	[tilespmem:s18+$0xFFFFFFA0] =	vst v39;
	(erf) = vpow2.f32 v51;
	v60 =	vpop (erf);
	v59 =	vperm.xlane v54, v1  }
0xce: {  	[tilespmem:s18+$0xFFFFFFB0] =	vst v41;
	v11 =	vmul.f32 v60, v11;
	v63 =	vperm.xlane v25, v4;
	v24 =	vadd.f32 v24, v62  }
0xcf: {  	[tilespmem:s13+$0xFFFFFFE0] =	vst v45;
	v10 =	vmul.f32 v60, v10;
	v61 =	vperm.xlane v57, v1;
	v22 =	vadd.f32 v54, v59  }
0xd0: {  	[tilespmem:s18+$0xFFFFFFC0] =	vst v15;
	v40 =	vmul.f32 v5, v60;
	v39 =	vadd.f32 v63, v25;
	v41 =	vperm.xlane v24, v1  }
0xd1: {  	v12 =	vmul.f32 v56, v12;
	[tilespmem:s18+$0xFFFFFFE0] =	vst v11;
	v23 =	vadd.f32 v61, v57;
	v22 =	vmul.f32 $1.442695020e+00, v22  }
0xd2: {  	v11 =	vadd.f32 v40, v38;
	[tilespmem:s18+$0xFFFFFFF0] =	vst v10;
	v43 =	vperm.xlane v39, v1;
	v10 =	vadd.f32 v24, v41  }
0xd3: {  	[tilespmem:s18+$0xFFFFFFD0] =	vst v12;
	v42 =	vpop (erf);
	v23 =	vmul.f32 $1.442695020e+00, v23;
	(erf) = vpow2.f32 v22  }
0xd4: {  	v45 =	vmul.f32 v42, v13;
	[tilespmem:s13+$0xFFFFFFF0] =	vst v11;
	v11 =	vadd.f32 v43, v39;
	v10 =	vmul.f32 $1.442695020e+00, v10  }
0xd5: {  	v44 =	vpop (erf);
	v46 =	vmul.f32 v42, v16;
	(erf) = vpow2.f32 v23  }
0xd6: {  	v47 =	vmul.f32 v44, v17;
	[tilespmem:s18+$0x0] =	vst v45;
	v11 =	vmul.f32 $1.442695020e+00, v11  }
0xd7: {  	v50 =	vmul.f32 v44, v14;
	[tilespmem:s18+$0x10] =	vst v46;
	v51 =	vpop (erf);
	(erf) = vpow2.f32 v10  }
0xd8: {  	[tilespmem:s18+$0x20] =	vst v47;
	v10 =	vpop (erf);
	(erf) = vpow2.f32 v11;
	v11 =	vmul.f32 v51, v18  }
0xd9: {  	[tilespmem:s18+$0x30] =	vst v50;
	v52 =	vmul.f32 v51, v19;
	v53 =	vmul.f32 v10, v21  }
0xda: {  	v54 =	vmul.f32 v5, v10;
	[tilespmem:s18+$0x40] =	vst v11;
	v11 =	vmul.f32 v2, v51  }
0xdb: {  	[tilespmem:s18+$0x50] =	vst v52;
	v10 =	vmul.f32 v10, v20  }
0xdc: {  	v48 =	vmul.f32 v2, v42;
	v55 =	vpop (erf);
	[tilespmem:s18+$0x60] =	vst v53;
	v11 =	vadd.f32 v54, v11  }
0xdd: {  	v49 =	vmul.f32 v5, v44;
	[tilespmem:s18+$0x70] =	vst v10;
	v10 =	vmul.f32 v55, v30  }
0xde: {  	v56 =	vpop (erf);
	[tilespmem:s13+$0x10] =	vst v11;
	v11 =	vmul.f32 v55, v31  }
0xdf: {  	v12 =	vadd.f32 v49, v48;
	v57 =	vmul.f32 v56, v33;
	v58 =	vmul.f32 v5, v56;
	[tilespmem:s18+$0x80] =	vst v10  }
0xe0: {  	v10 =	vmul.f32 v2, v55;
	[tilespmem:s18+$0x90] =	vst v11;
	v11 =	vmul.f32 v56, v32  }
0xe1: {  	[tilespmem:s13+$0x0] =	vst v12  }
0xe2: {  	[tilespmem:s18+$0xA0] =	vst v57;
	v59 =	vpop (erf);
	v10 =	vadd.f32 v58, v10  }
0xe3: {  	s16 =	sadd.s32 $0x8, s16;
	v60 =	vmul.f32 v59, v34;
	[tilespmem:s18+$0xB0] =	vst v11  }
0xe4: {  	p0 =	slt.u32 s16, $0x38;
	v62 =	vmul.f32 v2, v59;
	[tilespmem:s13+$0x20] =	vst v10;
	v10 =	vmul.f32 v59, v35;
	v11 =	vpop (erf)  }
.Ltmp0:
0xe5: {  	[tilespmem:s18+$0xC0] =	vst v60;
	v61 =	vmul.f32 v11, v37;
	v63 =	vmul.f32 v5, v11;
	(pc) =	sbr.rel @p0 .LBB2_3-.Ltmp0, $4  }
0xe6: {  	[tilespmem:s18+$0xD0] =	vst v10;
	v10 =	vmul.f32 v11, v36  }
0xe7: {  	[tilespmem:s18+$0xE0] =	vst v61;
	v11 =	vadd.f32 v63, v62  }
0xe8: {  	s9 =	sadd.s32 $0x200, s9;
	[tilespmem:s18+$0xF0] =	vst v10  }
0xe9: {  	s8 =	sadd.s32 $0x200, s8;
	s18 =	sadd.s32 $0x200, s18;
	[tilespmem:s13+$0x30] =	vst v11;
	s13 =	sadd.s32 $0x80, s13  }
0xea: {  	s16 =	sand.u32 $0x3FFFFF00, s5  }
0xeb: {  	s8 =	sadd.s32 $0x2900, s16  }
0xec: {  	[spmem:s3] =	stream.indirect.scatter.add.f32 [tilespmem:s19], [sflag:$0x5], $0x40, s8, s23, $0xb8;
	[tilespmem:$0x1EA40] =	vst v63  }
0xed: {  	_ = 	snop  }
0xee: {  	[spmem:s4] =	stream.indirect.scatter.add.f32 [tilespmem:s21], [sflag:$0x5], $0x10, s8, s23, $0xb8;
	[tilespmem:$0x1EA40] =	vst v63  }
0xef: {  	_ =	swait.ge [sflag:s22], $0x1000  }
0xf0: {  	[sflag:s22] =	ssyncset.done $0x0  }
0xf1: {  	[sflag:s22] =	ssyncadd.s32 $0xFFFFF000  }
0xf2: {  	p0 =	seq.s32 s14, $0x28;
	_ =	swait.ge [sflag:s22], $0x1000  }
0xf3: {  	s9 =	simm.s32 @!p0 $0x40;
	s13 =	simm.s32 @!p0 $0x5200;
	[sflag:s22] =	ssyncset.done $0x0  }
0xf4: {  	p1 =	seq.s32 @!p0 s14, $0x0;
	s8 =	sadd.s32 @!p0 $0x100, s5;
	[sflag:s22] =	ssyncadd.s32 $0xFFFFF000  }
0xf5: {  	[tilespmem:s13], [sflag:$0x1] =	stream.indirect.gather @!p0 [hbm4b:s6+s9], $0x40, s8, s9, $0xb8;
	[tilespmem:$0x1EA40] =	vst v63  }
0xf6: {  	p1 =	por p0, !p1;
	s8 =	sadd.s32 @!p0 $0x2A00, s5;
	s13 =	simm.s32 @!p0 $0x6200  }
0xf7: {  	[tilespmem:s13], [sflag:$0x1] =	stream.indirect.gather @!p0 [hbm4b:s7+s9], $0x40, s8, s9, $0xb8;
	[tilespmem:$0x1EA40] =	vst v63  }
0xf8: {  	_ =	swait.ge @p1 [sflag:s10], $0x1000  }
0xf9: {  	[sflag:s10] =	ssyncset.done @p1 $0x0  }
0xfa: {  	[sflag:s10] =	ssyncadd.s32 @p1 $0xFFFFF000  }
0xfb: {  	s18 =	simm.s32 $0xFFFFFFF8;
	_ =	swait.ge @p1 [sflag:s10], $0x400  }
0xfc: {  	s17 =	simm.s32 $0xF640;
	s8 =	simm.s32 $0xE700;
	[sflag:s10] =	ssyncset.done @p1 $0x0  }
0xfd: {  	s9 =	simm.s32 $0x8300;
	s13 =	simm.s32 $0x7300;
	[sflag:s10] =	ssyncadd.s32 @p1 $0xFFFFFC00  }
.LBB2_5:
0xfe: {  	v21 =	vld [tilespmem:s13+$0xFFFFFF00]  }
0xff: {  	v18 =	vld [tilespmem:s13+$0xFFFFFF10]  }
0x100: {  	v10 =	vld [tilespmem:s9+$0xFFFFFF00]  }
0x101: {  	v11 =	vld [tilespmem:s9+$0xFFFFFF10]  }
0x102: {  	v22 =	vld [tilespmem:s13+$0xFFFFFF20]  }
0x103: {  	v19 =	vld [tilespmem:s13+$0xFFFFFF30]  }
0x104: {  	v12 =	vld [tilespmem:s9+$0xFFFFFF20]  }
0x105: {  	v15 =	vld [tilespmem:s9+$0xFFFFFF30]  }
0x106: {  	v14 =	vld [tilespmem:s13+$0xFFFFFF40]  }
0x107: {  	v13 =	vld [tilespmem:s13+$0xFFFFFF50]  }
0x108: {  	v42 =	vld [tilespmem:s9+$0xFFFFFF40]  }
0x109: {  	v43 =	vld [tilespmem:s9+$0xFFFFFF50];
	v10 =	vadd.f32 v10, v21;
	v11 =	vadd.f32 v11, v18  }
0x10a: {  	v12 =	vadd.f32 v12, v22;
	v15 =	vadd.f32 v15, v19  }
0x10b: {  	v17 =	vld [tilespmem:s13+$0xFFFFFF60];
	v20 =	vmul.f32 $2.000000030e-01, v10;
	v23 =	vmul.f32 $2.000000030e-01, v11  }
0x10c: {  	v24 =	vld [tilespmem:s9+$0xFFFFFF60];
	v25 =	vmul.f32 $2.000000030e-01, v12;
	v26 =	vmul.f32 $2.000000030e-01, v15  }
0x10d: {  	v10 =	vmax.f32 v10, v20;
	v11 =	vmax.f32 v11, v23;
	v20 =	vadd.f32 v42, v14  }
0x10e: {  	v23 =	vadd.f32 v43, v13;
	v10 =	vmul.f32 v10, v6;
	v11 =	vmul.f32 v11, v7  }
0x10f: {  	v16 =	vld [tilespmem:s13+$0xFFFFFF70];
	v12 =	vmax.f32 v12, v25;
	v15 =	vmax.f32 v15, v26  }
0x110: {  	v45 =	vmul.f32 $2.000000030e-01, v20;
	v46 =	vmul.f32 $2.000000030e-01, v23;
	v10 =	vadd.f32 v11, v10;
	v11 =	vld [tilespmem:s9+$0xFFFFFF70]  }
0x111: {  	v24 =	vadd.f32 v24, v17;
	v12 =	vmul.f32 v12, v8;
	v15 =	vmul.f32 v15, v9  }
0x112: {  	v20 =	vmax.f32 v20, v45;
	v23 =	vmax.f32 v23, v46;
	v44 =	vperm.xlane v10, v0  }
0x113: {  	v12 =	vadd.f32 v15, v12;
	v50 =	vmul.f32 v20, v6;
	v51 =	vmul.f32 v23, v7  }
0x114: {  	v48 =	vmul.f32 $2.000000030e-01, v24;
	v10 =	vadd.f32 v10, v44  }
0x115: {  	v52 =	vperm.xlane v12, v0;
	v15 =	vadd.f32 v51, v50;
	v11 =	vadd.f32 v11, v16  }
0x116: {  	v24 =	vmax.f32 v24, v48;
	v47 =	vperm.xlane v10, v3  }
0x117: {  	v12 =	vadd.f32 v52, v12;
	v55 =	vperm.xlane v15, v0;
	v49 =	vmul.f32 $2.000000030e-01, v11  }
0x118: {  	v53 =	vmul.f32 v24, v8;
	v10 =	vadd.f32 v10, v47  }
0x119: {  	v56 =	vperm.xlane v12, v3;
	v15 =	vadd.f32 v15, v55;
	v11 =	vmax.f32 v11, v49  }
0x11a: {  	v11 =	vmul.f32 v11, v9;
	v54 =	vperm.xlane v10, v4  }
0x11b: {  	v30 =	vld [tilespmem:s13+$0xFFFFFF90];
	v12 =	vadd.f32 v56, v12;
	v60 =	vperm.xlane v15, v3  }
0x11c: {  	v61 =	vld [tilespmem:s9+$0xFFFFFF90];
	v11 =	vadd.f32 v11, v53;
	v10 =	vadd.f32 v10, v54  }
0x11d: {  	v59 =	vld [tilespmem:s9+$0xFFFFFF80];
	v62 =	vperm.xlane v12, v4;
	v15 =	vadd.f32 v15, v60  }
0x11e: {  	v20 =	vld [tilespmem:s13+$0xFFFFFF80];
	v57 =	vperm.xlane v11, v0;
	v58 =	vperm.xlane v10, v1  }
0x11f: {  	v32 =	vld [tilespmem:s13+$0xFFFFFFA0];
	v12 =	vadd.f32 v62, v12;
	v34 =	vperm.xlane v15, v4  }
0x120: {  	v35 =	vld [tilespmem:s9+$0xFFFFFFA0];
	v11 =	vadd.f32 v57, v11;
	v10 =	vadd.f32 v10, v58  }
0x121: {  	v23 =	vadd.f32 v61, v30;
	v27 =	vperm.xlane v12, v1;
	v15 =	vadd.f32 v15, v34  }
0x122: {  	v63 =	vperm.xlane v11, v3;
	v10 =	vmul.f32 $1.442695020e+00, v10  }
0x123: {  	v31 =	vld [tilespmem:s13+$0xFFFFFFB0];
	v29 =	vmul.f32 $2.000000030e-01, v23;
	v26 =	vadd.f32 v59, v20;
	v37 =	vperm.xlane v15, v1  }
0x124: {  	v12 =	vadd.f32 v27, v12;
	v11 =	vadd.f32 v63, v11;
	(erf) = vpow2.f32 v10;
	v10 =	vld [tilespmem:s9+$0xFFFFFFB0]  }
0x125: {  	v24 =	vadd.f32 v35, v32;
	v28 =	vmul.f32 $2.000000030e-01, v26;
	v15 =	vadd.f32 v15, v37  }
0x126: {  	v23 =	vmax.f32 v23, v29;
	v12 =	vmul.f32 $1.442695020e+00, v12;
	v36 =	vperm.xlane v11, v4  }
0x127: {  	v23 =	vmul.f32 v23, v7;
	v38 =	vmax.f32 v26, v28;
	v42 =	vmul.f32 $1.442695020e+00, v15  }
0x128: {  	v25 =	vmul.f32 v38, v6;
	(erf) = vpow2.f32 v12;
	v11 =	vadd.f32 v36, v11  }
0x129: {  	v37 =	vld [tilespmem:s9+$0xFFFFFFD0];
	(erf) = vpow2.f32 v42;
	v10 =	vadd.f32 v10, v31  }
0x12a: {  	v40 =	vmul.f32 $2.000000030e-01, v24;
	v23 =	vadd.f32 v23, v25;
	v12 =	vld [tilespmem:s13+$0xFFFFFFD0];
	v39 =	vperm.xlane v11, v1  }
0x12b: {  	v41 =	vmul.f32 $2.000000030e-01, v10  }
0x12c: {  	v43 =	vmax.f32 v24, v40;
	v44 =	vperm.xlane v23, v0;
	v11 =	vadd.f32 v39, v11  }
0x12d: {  	v61 =	vld [tilespmem:s9+$0x30];
	v15 =	vmul.f32 v43, v8;
	v10 =	vmax.f32 v10, v41  }
0x12e: {  	v51 =	vld [tilespmem:s9+$0xFFFFFFE0];
	v23 =	vadd.f32 v23, v44;
	v10 =	vmul.f32 v10, v9;
	v11 =	vmul.f32 $1.442695020e+00, v11  }
0x12f: {  	v38 =	vld [tilespmem:s9+$0xFFFFFFF0];
	v55 =	vadd.f32 v37, v12  }
0x130: {  	v36 =	vld [tilespmem:s9+$0xFFFFFFC0];
	v46 =	vpop (erf);
	v10 =	vadd.f32 v10, v15;
	(erf) = vpow2.f32 v11;
	v11 =	vperm.xlane v23, v3  }
0x131: {  	v42 =	vmul.f32 $2.000000030e-01, v55;
	v33 =	vpop (erf);
	v29 =	vmul.f32 v46, v21;
	v15 =	vld [tilespmem:s13+$0xFFFFFFC0]  }
0x132: {  	v28 =	vmul.f32 v46, v18;
	v52 =	vpop (erf);
	v45 =	vperm.xlane v10, v0;
	v23 =	vadd.f32 v23, v11;
	v11 =	vld [tilespmem:s13+$0xFFFFFFE0]  }
0x133: {  	v34 =	vmul.f32 v2, v46;
	v27 =	vmul.f32 v52, v14;
	v14 =	vld [tilespmem:s13+$0x30]  }
0x134: {  	v26 =	vmul.f32 v33, v22;
	v25 =	vmul.f32 v33, v19;
	v24 =	vadd.f32 v45, v10;
	v10 =	vld [tilespmem:s13+$0xFFFFFFF0]  }
0x135: {  	v35 =	vmul.f32 v5, v33;
	v33 =	vmax.f32 v55, v42;
	v47 =	vperm.xlane v23, v4  }
0x136: {  	v33 =	vmul.f32 v33, v7;
	v40 =	vadd.f32 v36, v15;
	v48 =	vperm.xlane v24, v3  }
0x137: {  	v60 =	vld [tilespmem:s9+$0x20];
	v36 =	vmul.f32 v2, v52;
	v49 =	vadd.f32 v23, v47;
	v21 =	vadd.f32 v51, v11  }
0x138: {  	v58 =	vld [tilespmem:s9+$0x10];
	v41 =	vmul.f32 $2.000000030e-01, v40;
	v51 =	vadd.f32 v61, v14;
	v50 =	vadd.f32 v48, v24  }
0x139: {  	v44 =	vld [tilespmem:s9+$0x0];
	v53 =	vperm.xlane v49, v1;
	v24 =	vmul.f32 v52, v13;
	v38 =	vadd.f32 v38, v10  }
0x13a: {  	v13 =	vld [tilespmem:s13+$0x0];
	v39 =	vpop (erf);
	v43 =	vmul.f32 $2.000000030e-01, v21;
	v40 =	vmax.f32 v40, v41;
	v54 =	vperm.xlane v50, v4  }
0x13b: {  	v23 =	vmul.f32 v39, v17;
	v18 =	vadd.f32 v49, v53;
	v22 =	vmul.f32 v39, v16;
	v16 =	vld [tilespmem:s13+$0x10]  }
0x13c: {  	v17 =	vld [tilespmem:s13+$0x20];
	v59 =	vmul.f32 v40, v6;
	v57 =	vmul.f32 $2.000000030e-01, v38;
	v21 =	vmax.f32 v21, v43  }
0x13d: {  	v19 =	vadd.f32 v54, v50;
	v18 =	vmul.f32 $1.442695020e+00, v18;
	v21 =	vmul.f32 v21, v8  }
0x13e: {  	v33 =	vadd.f32 v33, v59;
	v37 =	vmax.f32 v38, v57;
	v57 =	vmul.f32 $2.000000030e-01, v51  }
0x13f: {  	v63 =	vadd.f32 v44, v13;
	v56 =	vperm.xlane v19, v1;
	v37 =	vmul.f32 v37, v9  }
0x140: {  	(erf) = vpow2.f32 v18;
	v47 =	vperm.xlane v33, v0;
	v48 =	vadd.f32 v58, v16  }
0x141: {  	v50 =	vmul.f32 $2.000000030e-01, v63;
	v40 =	vadd.f32 v60, v17;
	v19 =	vadd.f32 v56, v19  }
0x142: {  	v62 =	vadd.f32 v37, v21;
	v37 =	vmax.f32 v51, v57;
	v52 =	vmul.f32 $2.000000030e-01, v48  }
0x143: {  	v33 =	vadd.f32 v33, v47;
	v56 =	vmul.f32 $2.000000030e-01, v40;
	v37 =	vmul.f32 v37, v9  }
0x144: {  	v18 =	vld [tilespmem:s13+$0x40];
	v54 =	vmax.f32 v63, v50;
	v19 =	vmul.f32 $1.442695020e+00, v19;
	v49 =	vperm.xlane v62, v0  }
0x145: {  	v63 =	vld [tilespmem:s9+$0x40];
	v58 =	vmul.f32 v54, v6;
	v59 =	vperm.xlane v33, v3  }
0x146: {  	v50 =	vld [tilespmem:s9+$0x60];
	v55 =	vmax.f32 v48, v52;
	v21 =	vmax.f32 v40, v56;
	(erf) = vpow2.f32 v19  }
0x147: {  	v54 =	vld [tilespmem:s9+$0x50];
	v53 =	vadd.f32 v49, v62;
	v19 =	vmul.f32 v55, v7;
	v46 =	vmul.f32 v21, v8  }
0x148: {  	v43 =	vmul.f32 v5, v39;
	v21 =	vld [tilespmem:s13+$0x60];
	v33 =	vadd.f32 v33, v59  }
0x149: {  	v60 =	vperm.xlane v53, v3;
	v61 =	vadd.f32 v19, v58;
	v19 =	vld [tilespmem:s13+$0x50];
	v37 =	vadd.f32 v37, v46;
	v45 =	vpop (erf)  }
0x14a: {  	v52 =	vperm.xlane v33, v4;
	v38 =	vmul.f32 v45, v20  }
0x14b: {  	v42 =	vadd.f32 v63, v18;
	v47 =	vperm.xlane v61, v0;
	v49 =	vperm.xlane v37, v0  }
0x14c: {  	v40 =	vmul.f32 v45, v30;
	v62 =	vadd.f32 v60, v53;
	v45 =	vmul.f32 v2, v45  }
0x14d: {  	v57 =	vld [tilespmem:s9+$0x70];
	v53 =	vadd.f32 v61, v47;
	v58 =	vadd.f32 v49, v37;
	v61 =	vmul.f32 $2.000000030e-01, v42  }
0x14e: {  	v20 =	vld [tilespmem:s13+$0x70];
	v50 =	vadd.f32 v50, v21;
	v55 =	vperm.xlane v62, v4;
	v46 =	vadd.f32 v54, v19  }
0x14f: {  	v56 =	vperm.xlane v53, v3;
	v49 =	vperm.xlane v58, v3;
	v42 =	vmax.f32 v42, v61;
	v48 =	vpop (erf)  }
0x150: {  	v47 =	vadd.f32 v55, v62;
	v42 =	vmul.f32 v42, v6;
	v39 =	vmul.f32 v48, v32  }
0x151: {  	v41 =	vmul.f32 v48, v31;
	v32 =	vadd.f32 v33, v52;
	v48 =	vmul.f32 v5, v48  }
0x152: {  	v31 =	vadd.f32 v53, v56;
	v60 =	vperm.xlane v47, v1;
	v49 =	vadd.f32 v49, v58  }
0x153: {  	v33 =	vadd.f32 v57, v20;
	v52 =	vmul.f32 $2.000000030e-01, v46;
	v53 =	vmul.f32 $2.000000030e-01, v50  }
0x154: {  	v59 =	vperm.xlane v32, v1;
	v51 =	vperm.xlane v31, v4  }
0x155: {  	v43 =	vadd.f32 v43, v36;
	v36 =	vld [tilespmem:s13+$0xF0];
	v54 =	vperm.xlane v49, v4;
	v62 =	vmul.f32 $2.000000030e-01, v33  }
0x156: {  	v30 =	vld [tilespmem:s13+$0x80];
	v46 =	vmax.f32 v46, v52;
	v50 =	vmax.f32 v50, v53;
	v44 =	vadd.f32 v60, v47  }
0x157: {  	v61 =	vld [tilespmem:s9+$0xA0];
	v53 =	vadd.f32 v35, v34;
	v46 =	vmul.f32 v46, v7;
	v50 =	vmul.f32 v50, v8  }
0x158: {  	v52 =	vld [tilespmem:s9+$0x90];
	v51 =	vadd.f32 v31, v51;
	v33 =	vmax.f32 v33, v62;
	v37 =	vadd.f32 v32, v59  }
0x159: {  	v31 =	vld [tilespmem:s13+$0x90];
	v49 =	vadd.f32 v54, v49;
	v63 =	vmul.f32 v33, v9;
	v42 =	vadd.f32 v46, v42  }
0x15a: {  	v55 =	vld [tilespmem:s9+$0xB0];
	v45 =	vadd.f32 v48, v45;
	v56 =	vperm.xlane v51, v1;
	v37 =	vmul.f32 $1.442695020e+00, v37  }
0x15b: {  	v32 =	vld [tilespmem:s13+$0xB0];
	v58 =	vperm.xlane v49, v1;
	v57 =	vadd.f32 v63, v50;
	v59 =	vperm.xlane v42, v0  }
0x15c: {  	v44 =	vmul.f32 $1.442695020e+00, v44;
	v50 =	vld [tilespmem:s9+$0x80];
	v47 =	vadd.f32 v51, v56;
	(erf) = vpow2.f32 v37  }
0x15d: {  	v34 =	vld [tilespmem:s13+$0xC0];
	v63 =	vadd.f32 v58, v49;
	v60 =	vperm.xlane v57, v0;
	v42 =	vadd.f32 v42, v59  }
0x15e: {  	v33 =	vld [tilespmem:s13+$0xA0];
	(erf) = vpow2.f32 v44;
	v48 =	vadd.f32 v52, v31;
	v62 =	vmul.f32 $1.442695020e+00, v47  }
0x15f: {  	v37 =	vld [tilespmem:s13+$0xE0];
	v56 =	vadd.f32 v60, v57;
	v57 =	vmul.f32 $1.442695020e+00, v63;
	v58 =	vperm.xlane v42, v3  }
0x160: {  	v49 =	vadd.f32 v55, v32;
	v47 =	vld [tilespmem:s9+$0xC0];
	v52 =	vmul.f32 $2.000000030e-01, v48;
	(erf) = vpow2.f32 v62  }
0x161: {  	v63 =	vld [tilespmem:s9+$0xE0];
	v50 =	vadd.f32 v50, v30;
	v59 =	vperm.xlane v56, v3;
	(erf) = vpow2.f32 v57  }
0x162: {  	v35 =	vld [tilespmem:s13+$0xD0];
	v42 =	vadd.f32 v42, v58;
	v48 =	vmax.f32 v48, v52;
	v57 =	vmul.f32 $2.000000030e-01, v49  }
0x163: {  	v61 =	vadd.f32 v61, v33;
	v62 =	vld [tilespmem:s9+$0xD0];
	v60 =	vmul.f32 $2.000000030e-01, v50;
	v48 =	vmul.f32 v48, v7  }
0x164: {  	v58 =	vld [tilespmem:s9+$0xF0];
	v44 =	vadd.f32 v59, v56;
	v55 =	vperm.xlane v42, v4;
	v49 =	vmax.f32 v49, v57  }
0x165: {  	v47 =	vadd.f32 v47, v34;
	v46 =	vmax.f32 v50, v60;
	v60 =	vmul.f32 $2.000000030e-01, v61  }
0x166: {  	v50 =	vadd.f32 v63, v37;
	v56 =	vperm.xlane v44, v4;
	v46 =	vmul.f32 v46, v6  }
0x167: {  	v42 =	vadd.f32 v42, v55;
	v63 =	vmul.f32 $2.000000030e-01, v47;
	v51 =	vmax.f32 v61, v60  }
0x168: {  	v46 =	vadd.f32 v48, v46;
	v61 =	vmul.f32 v51, v8;
	v51 =	vadd.f32 v62, v35  }
0x169: {  	v49 =	vmul.f32 v49, v9;
	v54 =	vadd.f32 v58, v36;
	v44 =	vadd.f32 v56, v44  }
0x16a: {  	v47 =	vmax.f32 v47, v63;
	v62 =	vperm.xlane v46, v0;
	v60 =	vmul.f32 $2.000000030e-01, v51  }
0x16b: {  	v56 =	vperm.xlane v42, v1;
	v48 =	vadd.f32 v49, v61;
	v61 =	vmul.f32 $2.000000030e-01, v50  }
0x16c: {  	v46 =	vadd.f32 v46, v62;
	v62 =	vmul.f32 $2.000000030e-01, v54;
	v49 =	vmax.f32 v51, v60  }
0x16d: {  	v47 =	vmul.f32 v47, v6;
	v49 =	vmul.f32 v49, v7  }
0x16e: {  	[tilespmem:s8+$0xFFFFFF00] =	vst v29;
	v50 =	vmax.f32 v50, v61;
	v63 =	vperm.xlane v48, v0;
	v52 =	vmax.f32 v54, v62  }
0x16f: {  	[tilespmem:s8+$0xFFFFFF10] =	vst v28;
	v55 =	vmul.f32 v50, v8;
	v29 =	vmul.f32 v52, v9;
	v47 =	vadd.f32 v49, v47  }
0x170: {  	[tilespmem:s8+$0xFFFFFF20] =	vst v26  }
0x171: {  	[tilespmem:s8+$0xFFFFFF30] =	vst v25;
	v54 =	vadd.f32 v63, v48;
	v29 =	vadd.f32 v29, v55;
	v61 =	vperm.xlane v47, v0  }
0x172: {  	[tilespmem:s8+$0xFFFFFF40] =	vst v27;
	v58 =	vperm.xlane v44, v1;
	v26 =	vadd.f32 v42, v56;
	v57 =	vperm.xlane v46, v3  }
0x173: {  	[tilespmem:s8+$0xFFFFFF50] =	vst v24;
	v56 =	vpop (erf);
	v59 =	vperm.xlane v54, v3;
	v63 =	vperm.xlane v29, v0;
	v49 =	vadd.f32 v47, v61  }
0x174: {  	[tilespmem:s8+$0xFFFFFF80] =	vst v38;
	v15 =	vmul.f32 v56, v15;
	v38 =	vmul.f32 v2, v56;
	v60 =	vadd.f32 v46, v57  }
0x175: {  	[tilespmem:s8+$0xFFFFFF60] =	vst v23;
	v62 =	vadd.f32 v59, v54;
	v52 =	vadd.f32 v63, v29;
	v55 =	vperm.xlane v49, v3  }
0x176: {  	[tilespmem:s8+$0xFFFFFF70] =	vst v22;
	v25 =	vadd.f32 v58, v44;
	v48 =	vmul.f32 $1.442695020e+00, v26;
	v50 =	vperm.xlane v60, v4  }
0x177: {  	[tilespmem:s17+$0xFFFFFFC0] =	vst v53;
	v53 =	vperm.xlane v62, v4;
	v58 =	vperm.xlane v52, v3;
	v24 =	vadd.f32 v49, v55  }
0x178: {  	[tilespmem:s17+$0xFFFFFFD0] =	vst v43;
	v51 =	vmul.f32 $1.442695020e+00, v25;
	(erf) = vpow2.f32 v48;
	v54 =	vadd.f32 v60, v50  }
0x179: {  	[tilespmem:s8+$0xFFFFFF90] =	vst v40;
	v57 =	vadd.f32 v53, v62;
	v25 =	vadd.f32 v58, v52;
	v62 =	vperm.xlane v24, v4  }
0x17a: {  	[tilespmem:s8+$0xFFFFFFA0] =	vst v39;
	(erf) = vpow2.f32 v51;
	v60 =	vpop (erf);
	v59 =	vperm.xlane v54, v1  }
0x17b: {  	[tilespmem:s8+$0xFFFFFFB0] =	vst v41;
	v11 =	vmul.f32 v60, v11;
	v63 =	vperm.xlane v25, v4;
	v24 =	vadd.f32 v24, v62  }
0x17c: {  	[tilespmem:s17+$0xFFFFFFE0] =	vst v45;
	v10 =	vmul.f32 v60, v10;
	v61 =	vperm.xlane v57, v1;
	v22 =	vadd.f32 v54, v59  }
0x17d: {  	[tilespmem:s8+$0xFFFFFFC0] =	vst v15;
	v40 =	vmul.f32 v5, v60;
	v39 =	vadd.f32 v63, v25;
	v41 =	vperm.xlane v24, v1  }
0x17e: {  	v12 =	vmul.f32 v56, v12;
	[tilespmem:s8+$0xFFFFFFE0] =	vst v11;
	v23 =	vadd.f32 v61, v57;
	v22 =	vmul.f32 $1.442695020e+00, v22  }
0x17f: {  	v11 =	vadd.f32 v40, v38;
	[tilespmem:s8+$0xFFFFFFF0] =	vst v10;
	v43 =	vperm.xlane v39, v1;
	v10 =	vadd.f32 v24, v41  }
0x180: {  	[tilespmem:s8+$0xFFFFFFD0] =	vst v12;
	v42 =	vpop (erf);
	v23 =	vmul.f32 $1.442695020e+00, v23;
	(erf) = vpow2.f32 v22  }
0x181: {  	v45 =	vmul.f32 v42, v13;
	[tilespmem:s17+$0xFFFFFFF0] =	vst v11;
	v11 =	vadd.f32 v43, v39;
	v10 =	vmul.f32 $1.442695020e+00, v10  }
0x182: {  	v44 =	vpop (erf);
	v46 =	vmul.f32 v42, v16;
	(erf) = vpow2.f32 v23  }
0x183: {  	v47 =	vmul.f32 v44, v17;
	[tilespmem:s8+$0x0] =	vst v45;
	v11 =	vmul.f32 $1.442695020e+00, v11  }
0x184: {  	v50 =	vmul.f32 v44, v14;
	[tilespmem:s8+$0x10] =	vst v46;
	v51 =	vpop (erf);
	(erf) = vpow2.f32 v10  }
0x185: {  	[tilespmem:s8+$0x20] =	vst v47;
	v10 =	vpop (erf);
	(erf) = vpow2.f32 v11;
	v11 =	vmul.f32 v51, v18  }
0x186: {  	[tilespmem:s8+$0x30] =	vst v50;
	v52 =	vmul.f32 v51, v19;
	v53 =	vmul.f32 v10, v21  }
0x187: {  	v54 =	vmul.f32 v5, v10;
	[tilespmem:s8+$0x40] =	vst v11;
	v11 =	vmul.f32 v2, v51  }
0x188: {  	[tilespmem:s8+$0x50] =	vst v52;
	v10 =	vmul.f32 v10, v20  }
0x189: {  	v48 =	vmul.f32 v2, v42;
	v55 =	vpop (erf);
	[tilespmem:s8+$0x60] =	vst v53;
	v11 =	vadd.f32 v54, v11  }
0x18a: {  	v49 =	vmul.f32 v5, v44;
	[tilespmem:s8+$0x70] =	vst v10;
	v10 =	vmul.f32 v55, v30  }
0x18b: {  	v56 =	vpop (erf);
	[tilespmem:s17+$0x10] =	vst v11;
	v11 =	vmul.f32 v55, v31  }
0x18c: {  	v12 =	vadd.f32 v49, v48;
	v57 =	vmul.f32 v56, v33;
	v58 =	vmul.f32 v5, v56;
	[tilespmem:s8+$0x80] =	vst v10  }
0x18d: {  	v10 =	vmul.f32 v2, v55;
	[tilespmem:s8+$0x90] =	vst v11;
	v11 =	vmul.f32 v56, v32  }
0x18e: {  	[tilespmem:s17+$0x0] =	vst v12  }
0x18f: {  	[tilespmem:s8+$0xA0] =	vst v57;
	v59 =	vpop (erf);
	v10 =	vadd.f32 v58, v10  }
0x190: {  	s18 =	sadd.s32 $0x8, s18;
	v60 =	vmul.f32 v59, v34;
	[tilespmem:s8+$0xB0] =	vst v11  }
0x191: {  	p2 =	slt.u32 s18, $0x38;
	v62 =	vmul.f32 v2, v59;
	[tilespmem:s17+$0x20] =	vst v10;
	v10 =	vmul.f32 v59, v35;
	v11 =	vpop (erf)  }
.Ltmp1:
0x192: {  	[tilespmem:s8+$0xC0] =	vst v60;
	v61 =	vmul.f32 v11, v37;
	v63 =	vmul.f32 v5, v11;
	(pc) =	sbr.rel @p2 .LBB2_5-.Ltmp1, $4  }
0x193: {  	[tilespmem:s8+$0xD0] =	vst v10;
	v10 =	vmul.f32 v11, v36  }
0x194: {  	[tilespmem:s8+$0xE0] =	vst v61;
	v11 =	vadd.f32 v63, v62  }
0x195: {  	s13 =	sadd.s32 $0x200, s13;
	[tilespmem:s8+$0xF0] =	vst v10  }
0x196: {  	s9 =	sadd.s32 $0x200, s9;
	s8 =	sadd.s32 $0x200, s8;
	[tilespmem:s17+$0x30] =	vst v11;
	s17 =	sadd.s32 $0x80, s17  }
0x197: {  	s8 =	sadd.s32 $0x2940, s16  }
0x198: {  	[spmem:s3] =	stream.indirect.scatter.add.f32 [tilespmem:s24], [sflag:$0x6], $0x40, s8, s23, $0xb8;
	[tilespmem:$0x1EA40] =	vst v63  }
0x199: {  	_ = 	snop  }
0x19a: {  	[spmem:s4] =	stream.indirect.scatter.add.f32 [tilespmem:s25], [sflag:$0x6], $0x10, s8, s23, $0xb8;
	[tilespmem:$0x1EA40] =	vst v63  }
0x19b: {  	_ =	swait.ge [sflag:s26], $0x1000  }
0x19c: {  	[sflag:s26] =	ssyncset.done $0x0  }
0x19d: {  	[sflag:s26] =	ssyncadd.s32 $0xFFFFF000  }
0x19e: {  	_ =	swait.ge [sflag:s26], $0x1000  }
0x19f: {  	s9 =	simm.s32 @!p0 $0x40;
	[sflag:s26] =	ssyncset.done $0x0  }
0x1a0: {  	s13 =	simm.s32 @!p0 $0x7200;
	s8 =	sadd.s32 @!p0 $0x140, s5;
	[sflag:s26] =	ssyncadd.s32 $0xFFFFF000  }
0x1a1: {  	[tilespmem:s13], [sflag:$0x2] =	stream.indirect.gather @!p0 [hbm4b:s6+s9], $0x40, s8, s9, $0xb8;
	[tilespmem:$0x1EA40] =	vst v63  }
0x1a2: {  	s8 =	sadd.s32 @!p0 $0x2A40, s5;
	s13 =	simm.s32 @!p0 $0x8200  }
0x1a3: {  	[tilespmem:s13], [sflag:$0x2] =	stream.indirect.gather @!p0 [hbm4b:s7+s9], $0x40, s8, s9, $0xb8;
	[tilespmem:$0x1EA40] =	vst v63  }
0x1a4: {  	_ =	swait.ge @p1 [sflag:s11], $0x1000  }
0x1a5: {  	[sflag:s11] =	ssyncset.done @p1 $0x0  }
0x1a6: {  	[sflag:s11] =	ssyncadd.s32 @p1 $0xFFFFF000  }
0x1a7: {  	s18 =	simm.s32 $0xFFFFFFF8;
	_ =	swait.ge @p1 [sflag:s11], $0x400  }
0x1a8: {  	s17 =	simm.s32 $0x10A40;
	s8 =	simm.s32 $0xFB00;
	[sflag:s11] =	ssyncset.done @p1 $0x0  }
0x1a9: {  	s9 =	simm.s32 $0xA300;
	s13 =	simm.s32 $0x9300;
	[sflag:s11] =	ssyncadd.s32 @p1 $0xFFFFFC00  }
.LBB2_7:
0x1aa: {  	v21 =	vld [tilespmem:s13+$0xFFFFFF00]  }
0x1ab: {  	v18 =	vld [tilespmem:s13+$0xFFFFFF10]  }
0x1ac: {  	v10 =	vld [tilespmem:s9+$0xFFFFFF00]  }
0x1ad: {  	v11 =	vld [tilespmem:s9+$0xFFFFFF10]  }
0x1ae: {  	v22 =	vld [tilespmem:s13+$0xFFFFFF20]  }
0x1af: {  	v19 =	vld [tilespmem:s13+$0xFFFFFF30]  }
0x1b0: {  	v12 =	vld [tilespmem:s9+$0xFFFFFF20]  }
0x1b1: {  	v15 =	vld [tilespmem:s9+$0xFFFFFF30]  }
0x1b2: {  	v14 =	vld [tilespmem:s13+$0xFFFFFF40]  }
0x1b3: {  	v13 =	vld [tilespmem:s13+$0xFFFFFF50]  }
0x1b4: {  	v42 =	vld [tilespmem:s9+$0xFFFFFF40]  }
0x1b5: {  	v43 =	vld [tilespmem:s9+$0xFFFFFF50];
	v10 =	vadd.f32 v10, v21;
	v11 =	vadd.f32 v11, v18  }
0x1b6: {  	v12 =	vadd.f32 v12, v22;
	v15 =	vadd.f32 v15, v19  }
0x1b7: {  	v17 =	vld [tilespmem:s13+$0xFFFFFF60];
	v20 =	vmul.f32 $2.000000030e-01, v10;
	v23 =	vmul.f32 $2.000000030e-01, v11  }
0x1b8: {  	v24 =	vld [tilespmem:s9+$0xFFFFFF60];
	v25 =	vmul.f32 $2.000000030e-01, v12;
	v26 =	vmul.f32 $2.000000030e-01, v15  }
0x1b9: {  	v10 =	vmax.f32 v10, v20;
	v11 =	vmax.f32 v11, v23;
	v20 =	vadd.f32 v42, v14  }
0x1ba: {  	v23 =	vadd.f32 v43, v13;
	v10 =	vmul.f32 v10, v6;
	v11 =	vmul.f32 v11, v7  }
0x1bb: {  	v16 =	vld [tilespmem:s13+$0xFFFFFF70];
	v12 =	vmax.f32 v12, v25;
	v15 =	vmax.f32 v15, v26  }
0x1bc: {  	v45 =	vmul.f32 $2.000000030e-01, v20;
	v46 =	vmul.f32 $2.000000030e-01, v23;
	v10 =	vadd.f32 v11, v10;
	v11 =	vld [tilespmem:s9+$0xFFFFFF70]  }
0x1bd: {  	v24 =	vadd.f32 v24, v17;
	v12 =	vmul.f32 v12, v8;
	v15 =	vmul.f32 v15, v9  }
0x1be: {  	v20 =	vmax.f32 v20, v45;
	v23 =	vmax.f32 v23, v46;
	v44 =	vperm.xlane v10, v0  }
0x1bf: {  	v12 =	vadd.f32 v15, v12;
	v50 =	vmul.f32 v20, v6;
	v51 =	vmul.f32 v23, v7  }
0x1c0: {  	v48 =	vmul.f32 $2.000000030e-01, v24;
	v10 =	vadd.f32 v10, v44  }
0x1c1: {  	v52 =	vperm.xlane v12, v0;
	v15 =	vadd.f32 v51, v50;
	v11 =	vadd.f32 v11, v16  }
0x1c2: {  	v24 =	vmax.f32 v24, v48;
	v47 =	vperm.xlane v10, v3  }
0x1c3: {  	v12 =	vadd.f32 v52, v12;
	v55 =	vperm.xlane v15, v0;
	v49 =	vmul.f32 $2.000000030e-01, v11  }
0x1c4: {  	v53 =	vmul.f32 v24, v8;
	v10 =	vadd.f32 v10, v47  }
0x1c5: {  	v56 =	vperm.xlane v12, v3;
	v15 =	vadd.f32 v15, v55;
	v11 =	vmax.f32 v11, v49  }
0x1c6: {  	v11 =	vmul.f32 v11, v9;
	v54 =	vperm.xlane v10, v4  }
0x1c7: {  	v30 =	vld [tilespmem:s13+$0xFFFFFF90];
	v12 =	vadd.f32 v56, v12;
	v60 =	vperm.xlane v15, v3  }
0x1c8: {  	v61 =	vld [tilespmem:s9+$0xFFFFFF90];
	v11 =	vadd.f32 v11, v53;
	v10 =	vadd.f32 v10, v54  }
0x1c9: {  	v59 =	vld [tilespmem:s9+$0xFFFFFF80];
	v62 =	vperm.xlane v12, v4;
	v15 =	vadd.f32 v15, v60  }
0x1ca: {  	v20 =	vld [tilespmem:s13+$0xFFFFFF80];
	v57 =	vperm.xlane v11, v0;
	v58 =	vperm.xlane v10, v1  }
0x1cb: {  	v32 =	vld [tilespmem:s13+$0xFFFFFFA0];
	v12 =	vadd.f32 v62, v12;
	v34 =	vperm.xlane v15, v4  }
0x1cc: {  	v35 =	vld [tilespmem:s9+$0xFFFFFFA0];
	v11 =	vadd.f32 v57, v11;
	v10 =	vadd.f32 v10, v58  }
0x1cd: {  	v23 =	vadd.f32 v61, v30;
	v27 =	vperm.xlane v12, v1;
	v15 =	vadd.f32 v15, v34  }
0x1ce: {  	v63 =	vperm.xlane v11, v3;
	v10 =	vmul.f32 $1.442695020e+00, v10  }
0x1cf: {  	v31 =	vld [tilespmem:s13+$0xFFFFFFB0];
	v29 =	vmul.f32 $2.000000030e-01, v23;
	v26 =	vadd.f32 v59, v20;
	v37 =	vperm.xlane v15, v1  }
0x1d0: {  	v12 =	vadd.f32 v27, v12;
	v11 =	vadd.f32 v63, v11;
	(erf) = vpow2.f32 v10;
	v10 =	vld [tilespmem:s9+$0xFFFFFFB0]  }
0x1d1: {  	v24 =	vadd.f32 v35, v32;
	v28 =	vmul.f32 $2.000000030e-01, v26;
	v15 =	vadd.f32 v15, v37  }
0x1d2: {  	v23 =	vmax.f32 v23, v29;
	v12 =	vmul.f32 $1.442695020e+00, v12;
	v36 =	vperm.xlane v11, v4  }
0x1d3: {  	v23 =	vmul.f32 v23, v7;
	v38 =	vmax.f32 v26, v28;
	v42 =	vmul.f32 $1.442695020e+00, v15  }
0x1d4: {  	v25 =	vmul.f32 v38, v6;
	(erf) = vpow2.f32 v12;
	v11 =	vadd.f32 v36, v11  }
0x1d5: {  	v37 =	vld [tilespmem:s9+$0xFFFFFFD0];
	(erf) = vpow2.f32 v42;
	v10 =	vadd.f32 v10, v31  }
0x1d6: {  	v40 =	vmul.f32 $2.000000030e-01, v24;
	v23 =	vadd.f32 v23, v25;
	v12 =	vld [tilespmem:s13+$0xFFFFFFD0];
	v39 =	vperm.xlane v11, v1  }
0x1d7: {  	v41 =	vmul.f32 $2.000000030e-01, v10  }
0x1d8: {  	v43 =	vmax.f32 v24, v40;
	v44 =	vperm.xlane v23, v0;
	v11 =	vadd.f32 v39, v11  }
0x1d9: {  	v61 =	vld [tilespmem:s9+$0x30];
	v15 =	vmul.f32 v43, v8;
	v10 =	vmax.f32 v10, v41  }
0x1da: {  	v51 =	vld [tilespmem:s9+$0xFFFFFFE0];
	v23 =	vadd.f32 v23, v44;
	v10 =	vmul.f32 v10, v9;
	v11 =	vmul.f32 $1.442695020e+00, v11  }
0x1db: {  	v38 =	vld [tilespmem:s9+$0xFFFFFFF0];
	v55 =	vadd.f32 v37, v12  }
0x1dc: {  	v36 =	vld [tilespmem:s9+$0xFFFFFFC0];
	v46 =	vpop (erf);
	v10 =	vadd.f32 v10, v15;
	(erf) = vpow2.f32 v11;
	v11 =	vperm.xlane v23, v3  }
0x1dd: {  	v42 =	vmul.f32 $2.000000030e-01, v55;
	v33 =	vpop (erf);
	v29 =	vmul.f32 v46, v21;
	v15 =	vld [tilespmem:s13+$0xFFFFFFC0]  }
0x1de: {  	v28 =	vmul.f32 v46, v18;
	v52 =	vpop (erf);
	v45 =	vperm.xlane v10, v0;
	v23 =	vadd.f32 v23, v11;
	v11 =	vld [tilespmem:s13+$0xFFFFFFE0]  }
0x1df: {  	v34 =	vmul.f32 v2, v46;
	v27 =	vmul.f32 v52, v14;
	v14 =	vld [tilespmem:s13+$0x30]  }
0x1e0: {  	v26 =	vmul.f32 v33, v22;
	v25 =	vmul.f32 v33, v19;
	v24 =	vadd.f32 v45, v10;
	v10 =	vld [tilespmem:s13+$0xFFFFFFF0]  }
0x1e1: {  	v35 =	vmul.f32 v5, v33;
	v33 =	vmax.f32 v55, v42;
	v47 =	vperm.xlane v23, v4  }
0x1e2: {  	v33 =	vmul.f32 v33, v7;
	v40 =	vadd.f32 v36, v15;
	v48 =	vperm.xlane v24, v3  }
0x1e3: {  	v60 =	vld [tilespmem:s9+$0x20];
	v36 =	vmul.f32 v2, v52;
	v49 =	vadd.f32 v23, v47;
	v21 =	vadd.f32 v51, v11  }
0x1e4: {  	v58 =	vld [tilespmem:s9+$0x10];
	v41 =	vmul.f32 $2.000000030e-01, v40;
	v51 =	vadd.f32 v61, v14;
	v50 =	vadd.f32 v48, v24  }
0x1e5: {  	v44 =	vld [tilespmem:s9+$0x0];
	v53 =	vperm.xlane v49, v1;
	v24 =	vmul.f32 v52, v13;
	v38 =	vadd.f32 v38, v10  }
0x1e6: {  	v13 =	vld [tilespmem:s13+$0x0];
	v39 =	vpop (erf);
	v43 =	vmul.f32 $2.000000030e-01, v21;
	v40 =	vmax.f32 v40, v41;
	v54 =	vperm.xlane v50, v4  }
0x1e7: {  	v23 =	vmul.f32 v39, v17;
	v18 =	vadd.f32 v49, v53;
	v22 =	vmul.f32 v39, v16;
	v16 =	vld [tilespmem:s13+$0x10]  }
0x1e8: {  	v17 =	vld [tilespmem:s13+$0x20];
	v59 =	vmul.f32 v40, v6;
	v57 =	vmul.f32 $2.000000030e-01, v38;
	v21 =	vmax.f32 v21, v43  }
0x1e9: {  	v19 =	vadd.f32 v54, v50;
	v18 =	vmul.f32 $1.442695020e+00, v18;
	v21 =	vmul.f32 v21, v8  }
0x1ea: {  	v33 =	vadd.f32 v33, v59;
	v37 =	vmax.f32 v38, v57;
	v57 =	vmul.f32 $2.000000030e-01, v51  }
0x1eb: {  	v63 =	vadd.f32 v44, v13;
	v56 =	vperm.xlane v19, v1;
	v37 =	vmul.f32 v37, v9  }
0x1ec: {  	(erf) = vpow2.f32 v18;
	v47 =	vperm.xlane v33, v0;
	v48 =	vadd.f32 v58, v16  }
0x1ed: {  	v50 =	vmul.f32 $2.000000030e-01, v63;
	v40 =	vadd.f32 v60, v17;
	v19 =	vadd.f32 v56, v19  }
0x1ee: {  	v62 =	vadd.f32 v37, v21;
	v37 =	vmax.f32 v51, v57;
	v52 =	vmul.f32 $2.000000030e-01, v48  }
0x1ef: {  	v33 =	vadd.f32 v33, v47;
	v56 =	vmul.f32 $2.000000030e-01, v40;
	v37 =	vmul.f32 v37, v9  }
0x1f0: {  	v18 =	vld [tilespmem:s13+$0x40];
	v54 =	vmax.f32 v63, v50;
	v19 =	vmul.f32 $1.442695020e+00, v19;
	v49 =	vperm.xlane v62, v0  }
0x1f1: {  	v63 =	vld [tilespmem:s9+$0x40];
	v58 =	vmul.f32 v54, v6;
	v59 =	vperm.xlane v33, v3  }
0x1f2: {  	v50 =	vld [tilespmem:s9+$0x60];
	v55 =	vmax.f32 v48, v52;
	v21 =	vmax.f32 v40, v56;
	(erf) = vpow2.f32 v19  }
0x1f3: {  	v54 =	vld [tilespmem:s9+$0x50];
	v53 =	vadd.f32 v49, v62;
	v19 =	vmul.f32 v55, v7;
	v46 =	vmul.f32 v21, v8  }
0x1f4: {  	v43 =	vmul.f32 v5, v39;
	v21 =	vld [tilespmem:s13+$0x60];
	v33 =	vadd.f32 v33, v59  }
0x1f5: {  	v60 =	vperm.xlane v53, v3;
	v61 =	vadd.f32 v19, v58;
	v19 =	vld [tilespmem:s13+$0x50];
	v37 =	vadd.f32 v37, v46;
	v45 =	vpop (erf)  }
0x1f6: {  	v52 =	vperm.xlane v33, v4;
	v38 =	vmul.f32 v45, v20  }
0x1f7: {  	v42 =	vadd.f32 v63, v18;
	v47 =	vperm.xlane v61, v0;
	v49 =	vperm.xlane v37, v0  }
0x1f8: {  	v40 =	vmul.f32 v45, v30;
	v62 =	vadd.f32 v60, v53;
	v45 =	vmul.f32 v2, v45  }
0x1f9: {  	v57 =	vld [tilespmem:s9+$0x70];
	v53 =	vadd.f32 v61, v47;
	v58 =	vadd.f32 v49, v37;
	v61 =	vmul.f32 $2.000000030e-01, v42  }
0x1fa: {  	v20 =	vld [tilespmem:s13+$0x70];
	v50 =	vadd.f32 v50, v21;
	v55 =	vperm.xlane v62, v4;
	v46 =	vadd.f32 v54, v19  }
0x1fb: {  	v56 =	vperm.xlane v53, v3;
	v49 =	vperm.xlane v58, v3;
	v42 =	vmax.f32 v42, v61;
	v48 =	vpop (erf)  }
0x1fc: {  	v47 =	vadd.f32 v55, v62;
	v42 =	vmul.f32 v42, v6;
	v39 =	vmul.f32 v48, v32  }
0x1fd: {  	v41 =	vmul.f32 v48, v31;
	v32 =	vadd.f32 v33, v52;
	v48 =	vmul.f32 v5, v48  }
0x1fe: {  	v31 =	vadd.f32 v53, v56;
	v60 =	vperm.xlane v47, v1;
	v49 =	vadd.f32 v49, v58  }
0x1ff: {  	v33 =	vadd.f32 v57, v20;
	v52 =	vmul.f32 $2.000000030e-01, v46;
	v53 =	vmul.f32 $2.000000030e-01, v50  }
0x200: {  	v59 =	vperm.xlane v32, v1;
	v51 =	vperm.xlane v31, v4  }
0x201: {  	v43 =	vadd.f32 v43, v36;
	v36 =	vld [tilespmem:s13+$0xF0];
	v54 =	vperm.xlane v49, v4;
	v62 =	vmul.f32 $2.000000030e-01, v33  }
0x202: {  	v30 =	vld [tilespmem:s13+$0x80];
	v46 =	vmax.f32 v46, v52;
	v50 =	vmax.f32 v50, v53;
	v44 =	vadd.f32 v60, v47  }
0x203: {  	v61 =	vld [tilespmem:s9+$0xA0];
	v53 =	vadd.f32 v35, v34;
	v46 =	vmul.f32 v46, v7;
	v50 =	vmul.f32 v50, v8  }
0x204: {  	v52 =	vld [tilespmem:s9+$0x90];
	v51 =	vadd.f32 v31, v51;
	v33 =	vmax.f32 v33, v62;
	v37 =	vadd.f32 v32, v59  }
0x205: {  	v31 =	vld [tilespmem:s13+$0x90];
	v49 =	vadd.f32 v54, v49;
	v63 =	vmul.f32 v33, v9;
	v42 =	vadd.f32 v46, v42  }
0x206: {  	v55 =	vld [tilespmem:s9+$0xB0];
	v45 =	vadd.f32 v48, v45;
	v56 =	vperm.xlane v51, v1;
	v37 =	vmul.f32 $1.442695020e+00, v37  }
0x207: {  	v32 =	vld [tilespmem:s13+$0xB0];
	v58 =	vperm.xlane v49, v1;
	v57 =	vadd.f32 v63, v50;
	v59 =	vperm.xlane v42, v0  }
0x208: {  	v44 =	vmul.f32 $1.442695020e+00, v44;
	v50 =	vld [tilespmem:s9+$0x80];
	v47 =	vadd.f32 v51, v56;
	(erf) = vpow2.f32 v37  }
0x209: {  	v34 =	vld [tilespmem:s13+$0xC0];
	v63 =	vadd.f32 v58, v49;
	v60 =	vperm.xlane v57, v0;
	v42 =	vadd.f32 v42, v59  }
0x20a: {  	v33 =	vld [tilespmem:s13+$0xA0];
	(erf) = vpow2.f32 v44;
	v48 =	vadd.f32 v52, v31;
	v62 =	vmul.f32 $1.442695020e+00, v47  }
0x20b: {  	v37 =	vld [tilespmem:s13+$0xE0];
	v56 =	vadd.f32 v60, v57;
	v57 =	vmul.f32 $1.442695020e+00, v63;
	v58 =	vperm.xlane v42, v3  }
0x20c: {  	v49 =	vadd.f32 v55, v32;
	v47 =	vld [tilespmem:s9+$0xC0];
	v52 =	vmul.f32 $2.000000030e-01, v48;
	(erf) = vpow2.f32 v62  }
0x20d: {  	v63 =	vld [tilespmem:s9+$0xE0];
	v50 =	vadd.f32 v50, v30;
	v59 =	vperm.xlane v56, v3;
	(erf) = vpow2.f32 v57  }
0x20e: {  	v35 =	vld [tilespmem:s13+$0xD0];
	v42 =	vadd.f32 v42, v58;
	v48 =	vmax.f32 v48, v52;
	v57 =	vmul.f32 $2.000000030e-01, v49  }
0x20f: {  	v61 =	vadd.f32 v61, v33;
	v62 =	vld [tilespmem:s9+$0xD0];
	v60 =	vmul.f32 $2.000000030e-01, v50;
	v48 =	vmul.f32 v48, v7  }
0x210: {  	v58 =	vld [tilespmem:s9+$0xF0];
	v44 =	vadd.f32 v59, v56;
	v55 =	vperm.xlane v42, v4;
	v49 =	vmax.f32 v49, v57  }
0x211: {  	v47 =	vadd.f32 v47, v34;
	v46 =	vmax.f32 v50, v60;
	v60 =	vmul.f32 $2.000000030e-01, v61  }
0x212: {  	v50 =	vadd.f32 v63, v37;
	v56 =	vperm.xlane v44, v4;
	v46 =	vmul.f32 v46, v6  }
0x213: {  	v42 =	vadd.f32 v42, v55;
	v63 =	vmul.f32 $2.000000030e-01, v47;
	v51 =	vmax.f32 v61, v60  }
0x214: {  	v46 =	vadd.f32 v48, v46;
	v61 =	vmul.f32 v51, v8;
	v51 =	vadd.f32 v62, v35  }
0x215: {  	v49 =	vmul.f32 v49, v9;
	v54 =	vadd.f32 v58, v36;
	v44 =	vadd.f32 v56, v44  }
0x216: {  	v47 =	vmax.f32 v47, v63;
	v62 =	vperm.xlane v46, v0;
	v60 =	vmul.f32 $2.000000030e-01, v51  }
0x217: {  	v56 =	vperm.xlane v42, v1;
	v48 =	vadd.f32 v49, v61;
	v61 =	vmul.f32 $2.000000030e-01, v50  }
0x218: {  	v46 =	vadd.f32 v46, v62;
	v62 =	vmul.f32 $2.000000030e-01, v54;
	v49 =	vmax.f32 v51, v60  }
0x219: {  	v47 =	vmul.f32 v47, v6;
	v49 =	vmul.f32 v49, v7  }
0x21a: {  	[tilespmem:s8+$0xFFFFFF00] =	vst v29;
	v50 =	vmax.f32 v50, v61;
	v63 =	vperm.xlane v48, v0;
	v52 =	vmax.f32 v54, v62  }
0x21b: {  	[tilespmem:s8+$0xFFFFFF10] =	vst v28;
	v55 =	vmul.f32 v50, v8;
	v29 =	vmul.f32 v52, v9;
	v47 =	vadd.f32 v49, v47  }
0x21c: {  	[tilespmem:s8+$0xFFFFFF20] =	vst v26  }
0x21d: {  	[tilespmem:s8+$0xFFFFFF30] =	vst v25;
	v54 =	vadd.f32 v63, v48;
	v29 =	vadd.f32 v29, v55;
	v61 =	vperm.xlane v47, v0  }
0x21e: {  	[tilespmem:s8+$0xFFFFFF40] =	vst v27;
	v58 =	vperm.xlane v44, v1;
	v26 =	vadd.f32 v42, v56;
	v57 =	vperm.xlane v46, v3  }
0x21f: {  	[tilespmem:s8+$0xFFFFFF50] =	vst v24;
	v56 =	vpop (erf);
	v59 =	vperm.xlane v54, v3;
	v63 =	vperm.xlane v29, v0;
	v49 =	vadd.f32 v47, v61  }
0x220: {  	[tilespmem:s8+$0xFFFFFF80] =	vst v38;
	v15 =	vmul.f32 v56, v15;
	v38 =	vmul.f32 v2, v56;
	v60 =	vadd.f32 v46, v57  }
0x221: {  	[tilespmem:s8+$0xFFFFFF60] =	vst v23;
	v62 =	vadd.f32 v59, v54;
	v52 =	vadd.f32 v63, v29;
	v55 =	vperm.xlane v49, v3  }
0x222: {  	[tilespmem:s8+$0xFFFFFF70] =	vst v22;
	v25 =	vadd.f32 v58, v44;
	v48 =	vmul.f32 $1.442695020e+00, v26;
	v50 =	vperm.xlane v60, v4  }
0x223: {  	[tilespmem:s17+$0xFFFFFFC0] =	vst v53;
	v53 =	vperm.xlane v62, v4;
	v58 =	vperm.xlane v52, v3;
	v24 =	vadd.f32 v49, v55  }
0x224: {  	[tilespmem:s17+$0xFFFFFFD0] =	vst v43;
	v51 =	vmul.f32 $1.442695020e+00, v25;
	(erf) = vpow2.f32 v48;
	v54 =	vadd.f32 v60, v50  }
0x225: {  	[tilespmem:s8+$0xFFFFFF90] =	vst v40;
	v57 =	vadd.f32 v53, v62;
	v25 =	vadd.f32 v58, v52;
	v62 =	vperm.xlane v24, v4  }
0x226: {  	[tilespmem:s8+$0xFFFFFFA0] =	vst v39;
	(erf) = vpow2.f32 v51;
	v60 =	vpop (erf);
	v59 =	vperm.xlane v54, v1  }
0x227: {  	[tilespmem:s8+$0xFFFFFFB0] =	vst v41;
	v11 =	vmul.f32 v60, v11;
	v63 =	vperm.xlane v25, v4;
	v24 =	vadd.f32 v24, v62  }
0x228: {  	[tilespmem:s17+$0xFFFFFFE0] =	vst v45;
	v10 =	vmul.f32 v60, v10;
	v61 =	vperm.xlane v57, v1;
	v22 =	vadd.f32 v54, v59  }
0x229: {  	[tilespmem:s8+$0xFFFFFFC0] =	vst v15;
	v40 =	vmul.f32 v5, v60;
	v39 =	vadd.f32 v63, v25;
	v41 =	vperm.xlane v24, v1  }
0x22a: {  	v12 =	vmul.f32 v56, v12;
	[tilespmem:s8+$0xFFFFFFE0] =	vst v11;
	v23 =	vadd.f32 v61, v57;
	v22 =	vmul.f32 $1.442695020e+00, v22  }
0x22b: {  	v11 =	vadd.f32 v40, v38;
	[tilespmem:s8+$0xFFFFFFF0] =	vst v10;
	v43 =	vperm.xlane v39, v1;
	v10 =	vadd.f32 v24, v41  }
0x22c: {  	[tilespmem:s8+$0xFFFFFFD0] =	vst v12;
	v42 =	vpop (erf);
	v23 =	vmul.f32 $1.442695020e+00, v23;
	(erf) = vpow2.f32 v22  }
0x22d: {  	v45 =	vmul.f32 v42, v13;
	[tilespmem:s17+$0xFFFFFFF0] =	vst v11;
	v11 =	vadd.f32 v43, v39;
	v10 =	vmul.f32 $1.442695020e+00, v10  }
0x22e: {  	v44 =	vpop (erf);
	v46 =	vmul.f32 v42, v16;
	(erf) = vpow2.f32 v23  }
0x22f: {  	v47 =	vmul.f32 v44, v17;
	[tilespmem:s8+$0x0] =	vst v45;
	v11 =	vmul.f32 $1.442695020e+00, v11  }
0x230: {  	v50 =	vmul.f32 v44, v14;
	[tilespmem:s8+$0x10] =	vst v46;
	v51 =	vpop (erf);
	(erf) = vpow2.f32 v10  }
0x231: {  	[tilespmem:s8+$0x20] =	vst v47;
	v10 =	vpop (erf);
	(erf) = vpow2.f32 v11;
	v11 =	vmul.f32 v51, v18  }
0x232: {  	[tilespmem:s8+$0x30] =	vst v50;
	v52 =	vmul.f32 v51, v19;
	v53 =	vmul.f32 v10, v21  }
0x233: {  	v54 =	vmul.f32 v5, v10;
	[tilespmem:s8+$0x40] =	vst v11;
	v11 =	vmul.f32 v2, v51  }
0x234: {  	[tilespmem:s8+$0x50] =	vst v52;
	v10 =	vmul.f32 v10, v20  }
0x235: {  	v48 =	vmul.f32 v2, v42;
	v55 =	vpop (erf);
	[tilespmem:s8+$0x60] =	vst v53;
	v11 =	vadd.f32 v54, v11  }
0x236: {  	v49 =	vmul.f32 v5, v44;
	[tilespmem:s8+$0x70] =	vst v10;
	v10 =	vmul.f32 v55, v30  }
0x237: {  	v56 =	vpop (erf);
	[tilespmem:s17+$0x10] =	vst v11;
	v11 =	vmul.f32 v55, v31  }
0x238: {  	v12 =	vadd.f32 v49, v48;
	v57 =	vmul.f32 v56, v33;
	v58 =	vmul.f32 v5, v56;
	[tilespmem:s8+$0x80] =	vst v10  }
0x239: {  	v10 =	vmul.f32 v2, v55;
	[tilespmem:s8+$0x90] =	vst v11;
	v11 =	vmul.f32 v56, v32  }
0x23a: {  	[tilespmem:s17+$0x0] =	vst v12  }
0x23b: {  	[tilespmem:s8+$0xA0] =	vst v57;
	v59 =	vpop (erf);
	v10 =	vadd.f32 v58, v10  }
0x23c: {  	s18 =	sadd.s32 $0x8, s18;
	v60 =	vmul.f32 v59, v34;
	[tilespmem:s8+$0xB0] =	vst v11  }
0x23d: {  	p2 =	slt.u32 s18, $0x38;
	v62 =	vmul.f32 v2, v59;
	[tilespmem:s17+$0x20] =	vst v10;
	v10 =	vmul.f32 v59, v35;
	v11 =	vpop (erf)  }
.Ltmp2:
0x23e: {  	[tilespmem:s8+$0xC0] =	vst v60;
	v61 =	vmul.f32 v11, v37;
	v63 =	vmul.f32 v5, v11;
	(pc) =	sbr.rel @p2 .LBB2_7-.Ltmp2, $4  }
0x23f: {  	[tilespmem:s8+$0xD0] =	vst v10;
	v10 =	vmul.f32 v11, v36  }
0x240: {  	[tilespmem:s8+$0xE0] =	vst v61;
	v11 =	vadd.f32 v63, v62  }
0x241: {  	s13 =	sadd.s32 $0x200, s13;
	[tilespmem:s8+$0xF0] =	vst v10  }
0x242: {  	s9 =	sadd.s32 $0x200, s9;
	s8 =	sadd.s32 $0x200, s8;
	[tilespmem:s17+$0x30] =	vst v11;
	s17 =	sadd.s32 $0x80, s17  }
0x243: {  	s8 =	sadd.s32 $0x2980, s16  }
0x244: {  	[spmem:s3] =	stream.indirect.scatter.add.f32 [tilespmem:s28], [sflag:$0x7], $0x40, s8, s23, $0xb8;
	[tilespmem:$0x1EA40] =	vst v63  }
0x245: {  	_ = 	snop  }
0x246: {  	[spmem:s4] =	stream.indirect.scatter.add.f32 [tilespmem:s29], [sflag:$0x7], $0x10, s8, s23, $0xb8;
	[tilespmem:$0x1EA40] =	vst v63  }
0x247: {  	_ =	swait.ge [sflag:s30], $0x1000  }
0x248: {  	[sflag:s30] =	ssyncset.done $0x0  }
0x249: {  	[sflag:s30] =	ssyncadd.s32 $0xFFFFF000  }
0x24a: {  	_ =	swait.ge [sflag:s30], $0x1000  }
0x24b: {  	s9 =	simm.s32 @!p0 $0x40;
	[sflag:s30] =	ssyncset.done $0x0  }
0x24c: {  	s13 =	simm.s32 @!p0 $0x9200;
	s8 =	sadd.s32 @!p0 $0x180, s5;
	[sflag:s30] =	ssyncadd.s32 $0xFFFFF000  }
0x24d: {  	[tilespmem:s13], [sflag:$0x3] =	stream.indirect.gather @!p0 [hbm4b:s6+s9], $0x40, s8, s9, $0xb8;
	[tilespmem:$0x1EA40] =	vst v63  }
0x24e: {  	s5 =	sadd.s32 @!p0 $0x2A80, s5;
	s8 =	simm.s32 @!p0 $0xA200  }
0x24f: {  	[tilespmem:s8], [sflag:$0x3] =	stream.indirect.gather @!p0 [hbm4b:s7+s9], $0x40, s5, s9, $0xb8;
	[tilespmem:$0x1EA40] =	vst v63  }
0x250: {  	_ =	swait.ge @p1 [sflag:s12], $0x1000  }
0x251: {  	[sflag:s12] =	ssyncset.done @p1 $0x0  }
0x252: {  	[sflag:s12] =	ssyncadd.s32 @p1 $0xFFFFF000  }
0x253: {  	s16 =	simm.s32 $0x11E40;
	_ =	swait.ge @p1 [sflag:s12], $0x400  }
0x254: {  	s13 =	simm.s32 $0xB300;
	s5 =	simm.s32 $0xFFFFFFF8;
	[sflag:s12] =	ssyncset.done @p1 $0x0  }
0x255: {  	s8 =	simm.s32 $0x10F00;
	s9 =	simm.s32 $0xC300;
	[sflag:s12] =	ssyncadd.s32 @p1 $0xFFFFFC00  }
.LBB2_9:
0x256: {  	v21 =	vld [tilespmem:s13+$0xFFFFFF00]  }
0x257: {  	v18 =	vld [tilespmem:s13+$0xFFFFFF10]  }
0x258: {  	v10 =	vld [tilespmem:s9+$0xFFFFFF00]  }
0x259: {  	v11 =	vld [tilespmem:s9+$0xFFFFFF10]  }
0x25a: {  	v22 =	vld [tilespmem:s13+$0xFFFFFF20]  }
0x25b: {  	v19 =	vld [tilespmem:s13+$0xFFFFFF30]  }
0x25c: {  	v12 =	vld [tilespmem:s9+$0xFFFFFF20]  }
0x25d: {  	v15 =	vld [tilespmem:s9+$0xFFFFFF30]  }
0x25e: {  	v14 =	vld [tilespmem:s13+$0xFFFFFF40]  }
0x25f: {  	v13 =	vld [tilespmem:s13+$0xFFFFFF50]  }
0x260: {  	v42 =	vld [tilespmem:s9+$0xFFFFFF40]  }
0x261: {  	v43 =	vld [tilespmem:s9+$0xFFFFFF50];
	v10 =	vadd.f32 v10, v21;
	v11 =	vadd.f32 v11, v18  }
0x262: {  	v12 =	vadd.f32 v12, v22;
	v15 =	vadd.f32 v15, v19  }
0x263: {  	v17 =	vld [tilespmem:s13+$0xFFFFFF60];
	v20 =	vmul.f32 $2.000000030e-01, v10;
	v23 =	vmul.f32 $2.000000030e-01, v11  }
0x264: {  	v24 =	vld [tilespmem:s9+$0xFFFFFF60];
	v25 =	vmul.f32 $2.000000030e-01, v12;
	v26 =	vmul.f32 $2.000000030e-01, v15  }
0x265: {  	v10 =	vmax.f32 v10, v20;
	v11 =	vmax.f32 v11, v23;
	v20 =	vadd.f32 v42, v14  }
0x266: {  	v23 =	vadd.f32 v43, v13;
	v10 =	vmul.f32 v10, v6;
	v11 =	vmul.f32 v11, v7  }
0x267: {  	v16 =	vld [tilespmem:s13+$0xFFFFFF70];
	v12 =	vmax.f32 v12, v25;
	v15 =	vmax.f32 v15, v26  }
0x268: {  	v45 =	vmul.f32 $2.000000030e-01, v20;
	v46 =	vmul.f32 $2.000000030e-01, v23;
	v10 =	vadd.f32 v11, v10;
	v11 =	vld [tilespmem:s9+$0xFFFFFF70]  }
0x269: {  	v24 =	vadd.f32 v24, v17;
	v12 =	vmul.f32 v12, v8;
	v15 =	vmul.f32 v15, v9  }
0x26a: {  	v20 =	vmax.f32 v20, v45;
	v23 =	vmax.f32 v23, v46;
	v44 =	vperm.xlane v10, v0  }
0x26b: {  	v12 =	vadd.f32 v15, v12;
	v50 =	vmul.f32 v20, v6;
	v51 =	vmul.f32 v23, v7  }
0x26c: {  	v48 =	vmul.f32 $2.000000030e-01, v24;
	v10 =	vadd.f32 v10, v44  }
0x26d: {  	v52 =	vperm.xlane v12, v0;
	v15 =	vadd.f32 v51, v50;
	v11 =	vadd.f32 v11, v16  }
0x26e: {  	v24 =	vmax.f32 v24, v48;
	v47 =	vperm.xlane v10, v3  }
0x26f: {  	v12 =	vadd.f32 v52, v12;
	v55 =	vperm.xlane v15, v0;
	v49 =	vmul.f32 $2.000000030e-01, v11  }
0x270: {  	v53 =	vmul.f32 v24, v8;
	v10 =	vadd.f32 v10, v47  }
0x271: {  	v56 =	vperm.xlane v12, v3;
	v15 =	vadd.f32 v15, v55;
	v11 =	vmax.f32 v11, v49  }
0x272: {  	v11 =	vmul.f32 v11, v9;
	v54 =	vperm.xlane v10, v4  }
0x273: {  	v30 =	vld [tilespmem:s13+$0xFFFFFF90];
	v12 =	vadd.f32 v56, v12;
	v60 =	vperm.xlane v15, v3  }
0x274: {  	v61 =	vld [tilespmem:s9+$0xFFFFFF90];
	v11 =	vadd.f32 v11, v53;
	v10 =	vadd.f32 v10, v54  }
0x275: {  	v59 =	vld [tilespmem:s9+$0xFFFFFF80];
	v62 =	vperm.xlane v12, v4;
	v15 =	vadd.f32 v15, v60  }
0x276: {  	v20 =	vld [tilespmem:s13+$0xFFFFFF80];
	v57 =	vperm.xlane v11, v0;
	v58 =	vperm.xlane v10, v1  }
0x277: {  	v32 =	vld [tilespmem:s13+$0xFFFFFFA0];
	v12 =	vadd.f32 v62, v12;
	v34 =	vperm.xlane v15, v4  }
0x278: {  	v35 =	vld [tilespmem:s9+$0xFFFFFFA0];
	v11 =	vadd.f32 v57, v11;
	v10 =	vadd.f32 v10, v58  }
0x279: {  	v23 =	vadd.f32 v61, v30;
	v27 =	vperm.xlane v12, v1;
	v15 =	vadd.f32 v15, v34  }
0x27a: {  	v63 =	vperm.xlane v11, v3;
	v10 =	vmul.f32 $1.442695020e+00, v10  }
0x27b: {  	v31 =	vld [tilespmem:s13+$0xFFFFFFB0];
	v29 =	vmul.f32 $2.000000030e-01, v23;
	v26 =	vadd.f32 v59, v20;
	v37 =	vperm.xlane v15, v1  }
0x27c: {  	v12 =	vadd.f32 v27, v12;
	v11 =	vadd.f32 v63, v11;
	(erf) = vpow2.f32 v10;
	v10 =	vld [tilespmem:s9+$0xFFFFFFB0]  }
0x27d: {  	v24 =	vadd.f32 v35, v32;
	v28 =	vmul.f32 $2.000000030e-01, v26;
	v15 =	vadd.f32 v15, v37  }
0x27e: {  	v23 =	vmax.f32 v23, v29;
	v12 =	vmul.f32 $1.442695020e+00, v12;
	v36 =	vperm.xlane v11, v4  }
0x27f: {  	v23 =	vmul.f32 v23, v7;
	v38 =	vmax.f32 v26, v28;
	v42 =	vmul.f32 $1.442695020e+00, v15  }
0x280: {  	v25 =	vmul.f32 v38, v6;
	(erf) = vpow2.f32 v12;
	v11 =	vadd.f32 v36, v11  }
0x281: {  	v37 =	vld [tilespmem:s9+$0xFFFFFFD0];
	(erf) = vpow2.f32 v42;
	v10 =	vadd.f32 v10, v31  }
0x282: {  	v40 =	vmul.f32 $2.000000030e-01, v24;
	v23 =	vadd.f32 v23, v25;
	v12 =	vld [tilespmem:s13+$0xFFFFFFD0];
	v39 =	vperm.xlane v11, v1  }
0x283: {  	v41 =	vmul.f32 $2.000000030e-01, v10  }
0x284: {  	v43 =	vmax.f32 v24, v40;
	v44 =	vperm.xlane v23, v0;
	v11 =	vadd.f32 v39, v11  }
0x285: {  	v61 =	vld [tilespmem:s9+$0x30];
	v15 =	vmul.f32 v43, v8;
	v10 =	vmax.f32 v10, v41  }
0x286: {  	v51 =	vld [tilespmem:s9+$0xFFFFFFE0];
	v23 =	vadd.f32 v23, v44;
	v10 =	vmul.f32 v10, v9;
	v11 =	vmul.f32 $1.442695020e+00, v11  }
0x287: {  	v38 =	vld [tilespmem:s9+$0xFFFFFFF0];
	v55 =	vadd.f32 v37, v12  }
0x288: {  	v36 =	vld [tilespmem:s9+$0xFFFFFFC0];
	v46 =	vpop (erf);
	v10 =	vadd.f32 v10, v15;
	(erf) = vpow2.f32 v11;
	v11 =	vperm.xlane v23, v3  }
0x289: {  	v42 =	vmul.f32 $2.000000030e-01, v55;
	v33 =	vpop (erf);
	v29 =	vmul.f32 v46, v21;
	v15 =	vld [tilespmem:s13+$0xFFFFFFC0]  }
0x28a: {  	v28 =	vmul.f32 v46, v18;
	v52 =	vpop (erf);
	v45 =	vperm.xlane v10, v0;
	v23 =	vadd.f32 v23, v11;
	v11 =	vld [tilespmem:s13+$0xFFFFFFE0]  }
0x28b: {  	v34 =	vmul.f32 v2, v46;
	v27 =	vmul.f32 v52, v14;
	v14 =	vld [tilespmem:s13+$0x30]  }
0x28c: {  	v26 =	vmul.f32 v33, v22;
	v25 =	vmul.f32 v33, v19;
	v24 =	vadd.f32 v45, v10;
	v10 =	vld [tilespmem:s13+$0xFFFFFFF0]  }
0x28d: {  	v35 =	vmul.f32 v5, v33;
	v33 =	vmax.f32 v55, v42;
	v47 =	vperm.xlane v23, v4  }
0x28e: {  	v33 =	vmul.f32 v33, v7;
	v40 =	vadd.f32 v36, v15;
	v48 =	vperm.xlane v24, v3  }
0x28f: {  	v60 =	vld [tilespmem:s9+$0x20];
	v36 =	vmul.f32 v2, v52;
	v49 =	vadd.f32 v23, v47;
	v21 =	vadd.f32 v51, v11  }
0x290: {  	v58 =	vld [tilespmem:s9+$0x10];
	v41 =	vmul.f32 $2.000000030e-01, v40;
	v51 =	vadd.f32 v61, v14;
	v50 =	vadd.f32 v48, v24  }
0x291: {  	v44 =	vld [tilespmem:s9+$0x0];
	v53 =	vperm.xlane v49, v1;
	v24 =	vmul.f32 v52, v13;
	v38 =	vadd.f32 v38, v10  }
0x292: {  	v13 =	vld [tilespmem:s13+$0x0];
	v39 =	vpop (erf);
	v43 =	vmul.f32 $2.000000030e-01, v21;
	v40 =	vmax.f32 v40, v41;
	v54 =	vperm.xlane v50, v4  }
0x293: {  	v23 =	vmul.f32 v39, v17;
	v18 =	vadd.f32 v49, v53;
	v22 =	vmul.f32 v39, v16;
	v16 =	vld [tilespmem:s13+$0x10]  }
0x294: {  	v17 =	vld [tilespmem:s13+$0x20];
	v59 =	vmul.f32 v40, v6;
	v57 =	vmul.f32 $2.000000030e-01, v38;
	v21 =	vmax.f32 v21, v43  }
0x295: {  	v19 =	vadd.f32 v54, v50;
	v18 =	vmul.f32 $1.442695020e+00, v18;
	v21 =	vmul.f32 v21, v8  }
0x296: {  	v33 =	vadd.f32 v33, v59;
	v37 =	vmax.f32 v38, v57;
	v57 =	vmul.f32 $2.000000030e-01, v51  }
0x297: {  	v63 =	vadd.f32 v44, v13;
	v56 =	vperm.xlane v19, v1;
	v37 =	vmul.f32 v37, v9  }
0x298: {  	(erf) = vpow2.f32 v18;
	v47 =	vperm.xlane v33, v0;
	v48 =	vadd.f32 v58, v16  }
0x299: {  	v50 =	vmul.f32 $2.000000030e-01, v63;
	v40 =	vadd.f32 v60, v17;
	v19 =	vadd.f32 v56, v19  }
0x29a: {  	v62 =	vadd.f32 v37, v21;
	v37 =	vmax.f32 v51, v57;
	v52 =	vmul.f32 $2.000000030e-01, v48  }
0x29b: {  	v33 =	vadd.f32 v33, v47;
	v56 =	vmul.f32 $2.000000030e-01, v40;
	v37 =	vmul.f32 v37, v9  }
0x29c: {  	v18 =	vld [tilespmem:s13+$0x40];
	v54 =	vmax.f32 v63, v50;
	v19 =	vmul.f32 $1.442695020e+00, v19;
	v49 =	vperm.xlane v62, v0  }
0x29d: {  	v63 =	vld [tilespmem:s9+$0x40];
	v58 =	vmul.f32 v54, v6;
	v59 =	vperm.xlane v33, v3  }
0x29e: {  	v50 =	vld [tilespmem:s9+$0x60];
	v55 =	vmax.f32 v48, v52;
	v21 =	vmax.f32 v40, v56;
	(erf) = vpow2.f32 v19  }
0x29f: {  	v54 =	vld [tilespmem:s9+$0x50];
	v53 =	vadd.f32 v49, v62;
	v19 =	vmul.f32 v55, v7;
	v46 =	vmul.f32 v21, v8  }
0x2a0: {  	v43 =	vmul.f32 v5, v39;
	v21 =	vld [tilespmem:s13+$0x60];
	v33 =	vadd.f32 v33, v59  }
0x2a1: {  	v60 =	vperm.xlane v53, v3;
	v61 =	vadd.f32 v19, v58;
	v19 =	vld [tilespmem:s13+$0x50];
	v37 =	vadd.f32 v37, v46;
	v45 =	vpop (erf)  }
0x2a2: {  	v52 =	vperm.xlane v33, v4;
	v38 =	vmul.f32 v45, v20  }
0x2a3: {  	v42 =	vadd.f32 v63, v18;
	v47 =	vperm.xlane v61, v0;
	v49 =	vperm.xlane v37, v0  }
0x2a4: {  	v40 =	vmul.f32 v45, v30;
	v62 =	vadd.f32 v60, v53;
	v45 =	vmul.f32 v2, v45  }
0x2a5: {  	v57 =	vld [tilespmem:s9+$0x70];
	v53 =	vadd.f32 v61, v47;
	v58 =	vadd.f32 v49, v37;
	v61 =	vmul.f32 $2.000000030e-01, v42  }
0x2a6: {  	v20 =	vld [tilespmem:s13+$0x70];
	v50 =	vadd.f32 v50, v21;
	v55 =	vperm.xlane v62, v4;
	v46 =	vadd.f32 v54, v19  }
0x2a7: {  	v56 =	vperm.xlane v53, v3;
	v49 =	vperm.xlane v58, v3;
	v42 =	vmax.f32 v42, v61;
	v48 =	vpop (erf)  }
0x2a8: {  	v47 =	vadd.f32 v55, v62;
	v42 =	vmul.f32 v42, v6;
	v39 =	vmul.f32 v48, v32  }
0x2a9: {  	v41 =	vmul.f32 v48, v31;
	v32 =	vadd.f32 v33, v52;
	v48 =	vmul.f32 v5, v48  }
0x2aa: {  	v31 =	vadd.f32 v53, v56;
	v60 =	vperm.xlane v47, v1;
	v49 =	vadd.f32 v49, v58  }
0x2ab: {  	v33 =	vadd.f32 v57, v20;
	v52 =	vmul.f32 $2.000000030e-01, v46;
	v53 =	vmul.f32 $2.000000030e-01, v50  }
0x2ac: {  	v59 =	vperm.xlane v32, v1;
	v51 =	vperm.xlane v31, v4  }
0x2ad: {  	v43 =	vadd.f32 v43, v36;
	v36 =	vld [tilespmem:s13+$0xF0];
	v54 =	vperm.xlane v49, v4;
	v62 =	vmul.f32 $2.000000030e-01, v33  }
0x2ae: {  	v30 =	vld [tilespmem:s13+$0x80];
	v46 =	vmax.f32 v46, v52;
	v50 =	vmax.f32 v50, v53;
	v44 =	vadd.f32 v60, v47  }
0x2af: {  	v61 =	vld [tilespmem:s9+$0xA0];
	v53 =	vadd.f32 v35, v34;
	v46 =	vmul.f32 v46, v7;
	v50 =	vmul.f32 v50, v8  }
0x2b0: {  	v52 =	vld [tilespmem:s9+$0x90];
	v51 =	vadd.f32 v31, v51;
	v33 =	vmax.f32 v33, v62;
	v37 =	vadd.f32 v32, v59  }
0x2b1: {  	v31 =	vld [tilespmem:s13+$0x90];
	v49 =	vadd.f32 v54, v49;
	v63 =	vmul.f32 v33, v9;
	v42 =	vadd.f32 v46, v42  }
0x2b2: {  	v55 =	vld [tilespmem:s9+$0xB0];
	v45 =	vadd.f32 v48, v45;
	v56 =	vperm.xlane v51, v1;
	v37 =	vmul.f32 $1.442695020e+00, v37  }
0x2b3: {  	v32 =	vld [tilespmem:s13+$0xB0];
	v58 =	vperm.xlane v49, v1;
	v57 =	vadd.f32 v63, v50;
	v59 =	vperm.xlane v42, v0  }
0x2b4: {  	v44 =	vmul.f32 $1.442695020e+00, v44;
	v50 =	vld [tilespmem:s9+$0x80];
	v47 =	vadd.f32 v51, v56;
	(erf) = vpow2.f32 v37  }
0x2b5: {  	v34 =	vld [tilespmem:s13+$0xC0];
	v63 =	vadd.f32 v58, v49;
	v60 =	vperm.xlane v57, v0;
	v42 =	vadd.f32 v42, v59  }
0x2b6: {  	v33 =	vld [tilespmem:s13+$0xA0];
	(erf) = vpow2.f32 v44;
	v48 =	vadd.f32 v52, v31;
	v62 =	vmul.f32 $1.442695020e+00, v47  }
0x2b7: {  	v37 =	vld [tilespmem:s13+$0xE0];
	v56 =	vadd.f32 v60, v57;
	v57 =	vmul.f32 $1.442695020e+00, v63;
	v58 =	vperm.xlane v42, v3  }
0x2b8: {  	v49 =	vadd.f32 v55, v32;
	v47 =	vld [tilespmem:s9+$0xC0];
	v52 =	vmul.f32 $2.000000030e-01, v48;
	(erf) = vpow2.f32 v62  }
0x2b9: {  	v63 =	vld [tilespmem:s9+$0xE0];
	v50 =	vadd.f32 v50, v30;
	v59 =	vperm.xlane v56, v3;
	(erf) = vpow2.f32 v57  }
0x2ba: {  	v35 =	vld [tilespmem:s13+$0xD0];
	v42 =	vadd.f32 v42, v58;
	v48 =	vmax.f32 v48, v52;
	v57 =	vmul.f32 $2.000000030e-01, v49  }
0x2bb: {  	v61 =	vadd.f32 v61, v33;
	v62 =	vld [tilespmem:s9+$0xD0];
	v60 =	vmul.f32 $2.000000030e-01, v50;
	v48 =	vmul.f32 v48, v7  }
0x2bc: {  	v58 =	vld [tilespmem:s9+$0xF0];
	v44 =	vadd.f32 v59, v56;
	v55 =	vperm.xlane v42, v4;
	v49 =	vmax.f32 v49, v57  }
0x2bd: {  	v47 =	vadd.f32 v47, v34;
	v46 =	vmax.f32 v50, v60;
	v60 =	vmul.f32 $2.000000030e-01, v61  }
0x2be: {  	v50 =	vadd.f32 v63, v37;
	v56 =	vperm.xlane v44, v4;
	v46 =	vmul.f32 v46, v6  }
0x2bf: {  	v42 =	vadd.f32 v42, v55;
	v63 =	vmul.f32 $2.000000030e-01, v47;
	v51 =	vmax.f32 v61, v60  }
0x2c0: {  	v46 =	vadd.f32 v48, v46;
	v61 =	vmul.f32 v51, v8;
	v51 =	vadd.f32 v62, v35  }
0x2c1: {  	v49 =	vmul.f32 v49, v9;
	v54 =	vadd.f32 v58, v36;
	v44 =	vadd.f32 v56, v44  }
0x2c2: {  	v47 =	vmax.f32 v47, v63;
	v62 =	vperm.xlane v46, v0;
	v60 =	vmul.f32 $2.000000030e-01, v51  }
0x2c3: {  	v56 =	vperm.xlane v42, v1;
	v48 =	vadd.f32 v49, v61;
	v61 =	vmul.f32 $2.000000030e-01, v50  }
0x2c4: {  	v46 =	vadd.f32 v46, v62;
	v62 =	vmul.f32 $2.000000030e-01, v54;
	v49 =	vmax.f32 v51, v60  }
0x2c5: {  	v47 =	vmul.f32 v47, v6;
	v49 =	vmul.f32 v49, v7  }
0x2c6: {  	[tilespmem:s8+$0xFFFFFF00] =	vst v29;
	v50 =	vmax.f32 v50, v61;
	v63 =	vperm.xlane v48, v0;
	v52 =	vmax.f32 v54, v62  }
0x2c7: {  	[tilespmem:s8+$0xFFFFFF10] =	vst v28;
	v55 =	vmul.f32 v50, v8;
	v29 =	vmul.f32 v52, v9;
	v47 =	vadd.f32 v49, v47  }
0x2c8: {  	[tilespmem:s8+$0xFFFFFF20] =	vst v26  }
0x2c9: {  	[tilespmem:s8+$0xFFFFFF30] =	vst v25;
	v54 =	vadd.f32 v63, v48;
	v29 =	vadd.f32 v29, v55;
	v61 =	vperm.xlane v47, v0  }
0x2ca: {  	[tilespmem:s8+$0xFFFFFF40] =	vst v27;
	v58 =	vperm.xlane v44, v1;
	v26 =	vadd.f32 v42, v56;
	v57 =	vperm.xlane v46, v3  }
0x2cb: {  	[tilespmem:s8+$0xFFFFFF50] =	vst v24;
	v56 =	vpop (erf);
	v59 =	vperm.xlane v54, v3;
	v63 =	vperm.xlane v29, v0;
	v49 =	vadd.f32 v47, v61  }
0x2cc: {  	[tilespmem:s8+$0xFFFFFF80] =	vst v38;
	v15 =	vmul.f32 v56, v15;
	v38 =	vmul.f32 v2, v56;
	v60 =	vadd.f32 v46, v57  }
0x2cd: {  	[tilespmem:s8+$0xFFFFFF60] =	vst v23;
	v62 =	vadd.f32 v59, v54;
	v52 =	vadd.f32 v63, v29;
	v55 =	vperm.xlane v49, v3  }
0x2ce: {  	[tilespmem:s8+$0xFFFFFF70] =	vst v22;
	v25 =	vadd.f32 v58, v44;
	v48 =	vmul.f32 $1.442695020e+00, v26;
	v50 =	vperm.xlane v60, v4  }
0x2cf: {  	[tilespmem:s16+$0xFFFFFFC0] =	vst v53;
	v53 =	vperm.xlane v62, v4;
	v58 =	vperm.xlane v52, v3;
	v24 =	vadd.f32 v49, v55  }
0x2d0: {  	[tilespmem:s16+$0xFFFFFFD0] =	vst v43;
	v51 =	vmul.f32 $1.442695020e+00, v25;
	(erf) = vpow2.f32 v48;
	v54 =	vadd.f32 v60, v50  }
0x2d1: {  	[tilespmem:s8+$0xFFFFFF90] =	vst v40;
	v57 =	vadd.f32 v53, v62;
	v25 =	vadd.f32 v58, v52;
	v62 =	vperm.xlane v24, v4  }
0x2d2: {  	[tilespmem:s8+$0xFFFFFFA0] =	vst v39;
	(erf) = vpow2.f32 v51;
	v60 =	vpop (erf);
	v59 =	vperm.xlane v54, v1  }
0x2d3: {  	[tilespmem:s8+$0xFFFFFFB0] =	vst v41;
	v11 =	vmul.f32 v60, v11;
	v63 =	vperm.xlane v25, v4;
	v24 =	vadd.f32 v24, v62  }
0x2d4: {  	[tilespmem:s16+$0xFFFFFFE0] =	vst v45;
	v10 =	vmul.f32 v60, v10;
	v61 =	vperm.xlane v57, v1;
	v22 =	vadd.f32 v54, v59  }
0x2d5: {  	[tilespmem:s8+$0xFFFFFFC0] =	vst v15;
	v40 =	vmul.f32 v5, v60;
	v39 =	vadd.f32 v63, v25;
	v41 =	vperm.xlane v24, v1  }
0x2d6: {  	v12 =	vmul.f32 v56, v12;
	[tilespmem:s8+$0xFFFFFFE0] =	vst v11;
	v23 =	vadd.f32 v61, v57;
	v22 =	vmul.f32 $1.442695020e+00, v22  }
0x2d7: {  	v11 =	vadd.f32 v40, v38;
	[tilespmem:s8+$0xFFFFFFF0] =	vst v10;
	v43 =	vperm.xlane v39, v1;
	v10 =	vadd.f32 v24, v41  }
0x2d8: {  	[tilespmem:s8+$0xFFFFFFD0] =	vst v12;
	v42 =	vpop (erf);
	v23 =	vmul.f32 $1.442695020e+00, v23;
	(erf) = vpow2.f32 v22  }
0x2d9: {  	v45 =	vmul.f32 v42, v13;
	[tilespmem:s16+$0xFFFFFFF0] =	vst v11;
	v11 =	vadd.f32 v43, v39;
	v10 =	vmul.f32 $1.442695020e+00, v10  }
0x2da: {  	v44 =	vpop (erf);
	v46 =	vmul.f32 v42, v16;
	(erf) = vpow2.f32 v23  }
0x2db: {  	v47 =	vmul.f32 v44, v17;
	[tilespmem:s8+$0x0] =	vst v45;
	v11 =	vmul.f32 $1.442695020e+00, v11  }
0x2dc: {  	v50 =	vmul.f32 v44, v14;
	[tilespmem:s8+$0x10] =	vst v46;
	v51 =	vpop (erf);
	(erf) = vpow2.f32 v10  }
0x2dd: {  	[tilespmem:s8+$0x20] =	vst v47;
	v10 =	vpop (erf);
	(erf) = vpow2.f32 v11;
	v11 =	vmul.f32 v51, v18  }
0x2de: {  	[tilespmem:s8+$0x30] =	vst v50;
	v52 =	vmul.f32 v51, v19;
	v53 =	vmul.f32 v10, v21  }
0x2df: {  	v54 =	vmul.f32 v5, v10;
	[tilespmem:s8+$0x40] =	vst v11;
	v11 =	vmul.f32 v2, v51  }
0x2e0: {  	[tilespmem:s8+$0x50] =	vst v52;
	v10 =	vmul.f32 v10, v20  }
0x2e1: {  	v48 =	vmul.f32 v2, v42;
	v55 =	vpop (erf);
	[tilespmem:s8+$0x60] =	vst v53;
	v11 =	vadd.f32 v54, v11  }
0x2e2: {  	v49 =	vmul.f32 v5, v44;
	[tilespmem:s8+$0x70] =	vst v10;
	v10 =	vmul.f32 v55, v30  }
0x2e3: {  	v56 =	vpop (erf);
	[tilespmem:s16+$0x10] =	vst v11;
	v11 =	vmul.f32 v55, v31  }
0x2e4: {  	v12 =	vadd.f32 v49, v48;
	v57 =	vmul.f32 v56, v33;
	v58 =	vmul.f32 v5, v56;
	[tilespmem:s8+$0x80] =	vst v10  }
0x2e5: {  	v10 =	vmul.f32 v2, v55;
	[tilespmem:s8+$0x90] =	vst v11;
	v11 =	vmul.f32 v56, v32  }
0x2e6: {  	[tilespmem:s16+$0x0] =	vst v12  }
0x2e7: {  	[tilespmem:s8+$0xA0] =	vst v57;
	v59 =	vpop (erf);
	v10 =	vadd.f32 v58, v10  }
0x2e8: {  	s5 =	sadd.s32 $0x8, s5;
	v60 =	vmul.f32 v59, v34;
	[tilespmem:s8+$0xB0] =	vst v11  }
0x2e9: {  	p0 =	slt.u32 s5, $0x38;
	v62 =	vmul.f32 v2, v59;
	[tilespmem:s16+$0x20] =	vst v10;
	v10 =	vmul.f32 v59, v35;
	v11 =	vpop (erf)  }
.Ltmp3:
0x2ea: {  	[tilespmem:s8+$0xC0] =	vst v60;
	v61 =	vmul.f32 v11, v37;
	v63 =	vmul.f32 v5, v11;
	(pc) =	sbr.rel @p0 .LBB2_9-.Ltmp3, $4  }
0x2eb: {  	[tilespmem:s8+$0xD0] =	vst v10;
	v10 =	vmul.f32 v11, v36  }
0x2ec: {  	[tilespmem:s8+$0xE0] =	vst v61;
	v11 =	vadd.f32 v63, v62  }
0x2ed: {  	s13 =	sadd.s32 $0x200, s13;
	[tilespmem:s8+$0xF0] =	vst v10  }
0x2ee: {  	s9 =	sadd.s32 $0x200, s9;
	s8 =	sadd.s32 $0x200, s8;
	[tilespmem:s16+$0x30] =	vst v11;
	s16 =	sadd.s32 $0x80, s16  }
0x2ef: {  	s14 =	sadd.s32 $0x1, s14  }
0x2f0: {  	p0 =	sne.s32 s14, $0x29  }
.Ltmp4:
0x2f1: {  	_ = 	snop;
	(pc) =	sbr.rel @p0 .LBB2_2-.Ltmp4, $4  }
0x2f2: {  	_ = 	snop  }
0x2f3: {  	[spmem:s3] =	stream.indirect.scatter.add.f32 [tilespmem:s31], [sflag:$0x8], $0x40, s15, s23, $0xb8;
	[tilespmem:$0x1EA40] =	vst v63  }
0x2f4: {  	_ = 	snop  }
0x2f5: {  	[spmem:s4] =	stream.indirect.scatter.add.f32 [tilespmem:s20], [sflag:$0x8], $0x10, s15, s23, $0xb8;
	[tilespmem:$0x1EA40] =	vst v63  }
0x2f6: {  	s5 =	simm.s32 $0x5  }
0x2f7: {  	_ =	swait.ge [sflag:s5], $0x1000  }
0x2f8: {  	[sflag:s5] =	ssyncset.done $0x0  }
0x2f9: {  	[sflag:s5] =	ssyncadd.s32 $0xFFFFF000  }
0x2fa: {  	_ =	swait.ge [sflag:s5], $0x400  }
0x2fb: {  	[sflag:s5] =	ssyncset.done $0x0  }
0x2fc: {  	[sflag:s5] =	ssyncadd.s32 $0xFFFFFC00  }
0x2fd: {  	_ =	swait.ge [sflag:s10], $0x1000  }
0x2fe: {  	[sflag:s10] =	ssyncset.done $0x0  }
0x2ff: {  	[sflag:s10] =	ssyncadd.s32 $0xFFFFF000  }
0x300: {  	_ =	swait.ge [sflag:s10], $0x400  }
0x301: {  	[sflag:s10] =	ssyncset.done $0x0  }
0x302: {  	[sflag:s10] =	ssyncadd.s32 $0xFFFFFC00  }
0x303: {  	_ =	swait.ge [sflag:s11], $0x1000  }
0x304: {  	[sflag:s11] =	ssyncset.done $0x0  }
0x305: {  	[sflag:s11] =	ssyncadd.s32 $0xFFFFF000  }
0x306: {  	_ =	swait.ge [sflag:s11], $0x400  }
0x307: {  	[sflag:s11] =	ssyncset.done $0x0  }
0x308: {  	[sflag:s11] =	ssyncadd.s32 $0xFFFFFC00  }
0x309: {  	_ =	swait.ge [sflag:s12], $0x1000  }
0x30a: {  	[sflag:s12] =	ssyncset.done $0x0  }
0x30b: {  	[sflag:s12] =	ssyncadd.s32 $0xFFFFF000  }
0x30c: {  	_ =	swait.ge [sflag:s12], $0x400  }
0x30d: {  	[sflag:s12] =	ssyncset.done $0x0  }
0x30e: {  	[sflag:s12] =	ssyncadd.s32 $0xFFFFFC00  }
0x30f: {  	[bflag:$0x0] =	sbarrier.arrive $0xFFFF  }
0x310: {  	s13 =	rddreg [dreg:$0x7]  }
0x311: {  	s16 =	rddreg [dreg:$0xb]  }
0x312: {  	s14 =	simm.s32 $0x9;
	s8 =	rddreg [dreg:$0xe]  }
0x313: {  	[hbm:s16], [sflag:s13] =	dma.local [spmem:s8], $0x1400  }
0x314: {  	_ =	swait.ge [sflag:s14], $0x1400  }
0x315: {  	[sflag:s14] =	ssyncset.done $0x0;
	s17 =	rddreg [dreg:$0xc]  }
0x316: {  	s9 =	rddreg [dreg:$0xf];
	[sflag:s14] =	ssyncadd.s32 $0xFFFFEC00  }
0x317: {  	[hbm:s17], [sflag:s13] =	dma.local [spmem:s9], $0x500  }
0x318: {  	_ =	swait.ge [sflag:s14], $0x500  }
0x319: {  	s15 =	rddreg [dreg:$0x10]  }
0x31a: {  	s18 =	rddreg [dreg:$0xd];
	s15 =	sadd.s32 $0x1, s15  }
0x31b: {  	p0 =	sne.s32 s15, s18  }
.Ltmp5:
0x31c: {  	_ = 	snop;
	(pc) =	sbr.rel @p0 .LBB2_1-.Ltmp5, $3  }
0x31d: {  	_ =	sdelay $0x1  }
0x31e: {  	[sflag:s14] =	ssyncset.done $0x0  }
0x31f: {  	[sflag:s14] =	ssyncadd.s32 $0xFFFFFB00  }
0x320: {  	_ =	sfence.sel $0x180000  }
0x321: {  	[bflag:$0x0] =	sbarrier.arrive $0xFFFF  }
0x322: {  	_ =	strace $0x90000047  }
0x323: {  	s0 =	stileid.u32;
	[bflag:$0x2] =	sbarrier.arrive $0xFFFF  }
0x324: {  	p0 =	sne.s32 s0, $0x0;
	s0 =	rddreg [dreg:$0x5]  }
0x325: {  	s0 =	sadd.s32 @!p0 $0x100000, s0  }
0x326: {  	[sflag:s0] =	ssyncadd.tile.s32 @!p0 $0x1;
	_ =	shalt  }
.Lfunc_end2:
_tile_overlayer_lowered:
.L_overlay_start_2:
0x327: {  	(tag) =	ssettag $0x2  }
0x328: {  	s0 =	rddreg [dreg:$0x0];
	s2 =	stileid.u32  }
0x329: {  	s1 =	rddreg [dreg:$0x1];
	p0 =	sne.s32 s2, $0x0  }
0x32a: {  	s3 =	rddreg [dreg:$0x2];
	[bflag:$0x3] =	sbarrier.arrive $0xFFFF;
	s2 =	simm.s32 @!p0 $0x1C09  }
0x32b: {  	[timem:s3], [sflag:s2] =	dma.local @!p0 [hbm:s0], s1  }
0x32c: {  	s0 =	simm.s32 @!p0 $0x9  }
0x32d: {  	_ =	swait.ge @!p0 [sflag:s0], s1  }
0x32e: {  	s1 =	ssub.s32 @!p0 $0x0, s1;
	[sflag:s0] =	ssyncset.done @!p0 $0x0  }
0x32f: {  	[sflag:s0] =	ssyncadd.s32 @!p0 s1  }
0x330: {  	[bflag:$0x3] =	sbarrier.arrive $0xFFFF  }
0x331: {  	_ =	shalt  }

</sc_bundles>
